<compile_context>
chip_gen: v7x
topology: tpu7x:2x2x1
jax: 0.10.2.dev20260603
libtpu: 0.0.44.dev20260713+nightly
codegen_flags: <defaults>
</compile_context>

<pallas_src>
import functools

import jax
import jax.numpy as jnp
from jax import lax
from jax.experimental import pallas as pl
from jax.experimental.pallas import tpu as pltpu
from jax.experimental.pallas import tpu_sc as plsc

F32 = jnp.float32
I32 = jnp.int32

NC = 2
NS = 16
NW = NC * NS
EB = 128
DEG_WIN = 8
IC = 16


def _make_deg(NB, NPAD):
    TB = NB // NW
    rows_per = NPAD // NS
    mesh = plsc.VectorSubcoreMesh(core_axis_name="c", subcore_axis_name="s",
                                  num_cores=NC, num_subcores=NS)

    @functools.partial(
        pl.kernel,
        out_type=[jax.ShapeDtypeStruct((NPAD,), F32) for _ in range(NC)],
        mesh=mesh,
        scratch_types=[
            pltpu.VMEM((TB, EB), I32),
            pltpu.VMEM((EB,), F32),
            pltpu.VMEM((rows_per,), F32),
            pltpu.VMEM_SHARED((NPAD,), F32),
            pltpu.SemaphoreType.DMA,
        ],
    )
    def deg(dst_hbm, ones_hbm, zeros_hbm, out0, out1, idxb, onesb, zb, acc, sem):
        c = lax.axis_index("c")
        s = lax.axis_index("s")
        wid = c * NS + s

        pltpu.sync_copy(dst_hbm.at[pl.ds(wid * TB, TB)], idxb)
        pltpu.sync_copy(ones_hbm, onesb)
        pltpu.sync_copy(zeros_hbm, zb)
        pltpu.sync_copy(zb, acc.at[pl.ds(s * rows_per, rows_per)])
        plsc.subcore_barrier()

        def body(j, carry):
            pltpu.async_copy(onesb, acc.at[idxb.at[j]], sem, add=True)

            @pl.when(j >= DEG_WIN)
            def _():
                pltpu.make_async_copy(onesb, acc.at[idxb.at[0]], sem).wait()

            return carry

        lax.fori_loop(0, TB, body, 0)

        def drain(j, carry):
            pltpu.make_async_copy(onesb, acc.at[idxb.at[0]], sem).wait()
            return carry

        lax.fori_loop(0, min(DEG_WIN, TB), drain, 0)
        plsc.subcore_barrier()

        base = s * rows_per
        pltpu.sync_copy(acc.at[pl.ds(base, rows_per)], zb)

        @pl.when(c == 0)
        def _():
            pltpu.sync_copy(zb, out0.at[pl.ds(base, rows_per)])

        @pl.when(c == 1)
        def _():
            pltpu.sync_copy(zb, out1.at[pl.ds(base, rows_per)])

    return deg


def _make_agg(D, NB, NPAD, tc_tiling=True):
    TB = NB // NW
    rows_per = NPAD // NS
    mesh = plsc.VectorSubcoreMesh(core_axis_name="c", subcore_axis_name="s",
                                  num_cores=NC, num_subcores=NS)

    @functools.partial(
        pl.kernel,
        out_type=[jax.ShapeDtypeStruct((NPAD, D), F32) for _ in range(NC)],
        mesh=mesh,
        compiler_params=pltpu.CompilerParams(use_tc_tiling_on_sc=tc_tiling),
        scratch_types=[
            pltpu.VMEM((IC, EB), I32),
            pltpu.VMEM((IC, EB), I32),
            pltpu.VMEM((EB, D), F32),
            pltpu.VMEM((EB, D), F32),
            pltpu.VMEM_SHARED((NPAD, D), F32),
            pltpu.SemaphoreType.DMA,
            pltpu.SemaphoreType.DMA,
        ],
    )
    def agg(g_hbm, src_hbm, dst_hbm, zeros_hbm, out0, out1,
            srcb, dstb, rowsA, rowsB, acc, semA, semB):
        c = lax.axis_index("c")
        s = lax.axis_index("s")
        wid = c * NS + s

        pltpu.sync_copy(zeros_hbm, rowsA)
        for k in range(rows_per // EB):
            pltpu.sync_copy(rowsA, acc.at[pl.ds(s * rows_per + k * EB, EB)])
        plsc.subcore_barrier()

        def chunk(q, carry):
            base_blk = wid * TB + q * IC
            pltpu.sync_copy(src_hbm.at[pl.ds(base_blk, IC)], srcb)
            pltpu.sync_copy(dst_hbm.at[pl.ds(base_blk, IC)], dstb)
            pltpu.async_copy(g_hbm.at[srcb.at[0]], rowsA, semA)

            def body(i, c2):
                j = 2 * i
                pltpu.async_copy(g_hbm.at[srcb.at[j + 1]], rowsB, semB)
                pltpu.make_async_copy(g_hbm.at[srcb.at[0]], rowsA, semA).wait()
                pltpu.sync_copy(rowsA, acc.at[dstb.at[j]], add=True)

                @pl.when(i < IC // 2 - 1)
                def _():
                    pltpu.async_copy(g_hbm.at[srcb.at[j + 2]], rowsA, semA)

                pltpu.make_async_copy(g_hbm.at[srcb.at[0]], rowsB, semB).wait()
                pltpu.sync_copy(rowsB, acc.at[dstb.at[j + 1]], add=True)
                return c2

            lax.fori_loop(0, IC // 2, body, 0)
            return carry

        lax.fori_loop(0, TB // IC, chunk, 0)
        plsc.subcore_barrier()

        for k in range(rows_per // EB):
            base = s * rows_per + k * EB
            pltpu.sync_copy(acc.at[pl.ds(base, EB)], rowsA)

            @pl.when(c == 0)
            def _():
                pltpu.sync_copy(rowsA, out0.at[pl.ds(base, EB)])

            @pl.when(c == 1)
            def _():
                pltpu.sync_copy(rowsA, out1.at[pl.ds(base, EB)])

    return agg


def _dinv_col(d0, d1, i0, rb, rws):
    dv = lax.rsqrt(d0[...] + d1[...] + 1.0)
    gid = lax.broadcasted_iota(I32, (rb, rws), 0) + i0
    sel = (gid // 128 == lax.broadcasted_iota(I32, (rb, rws), 1)).astype(F32)
    m = jnp.dot(sel, dv, preferred_element_type=F32,
                precision=lax.Precision.HIGHEST)
    lane = lax.broadcasted_iota(I32, (rb, 128), 1)
    want = (lax.broadcasted_iota(I32, (rb, 128), 0) + i0) % 128
    return jnp.sum(jnp.where(lane == want, m, 0.0), axis=1, keepdims=True)


def _tc1(dp0, dp1, x, W1, rb):
    N, DIN = x.shape
    DH = W1.shape[1]
    rws = dp0.shape[0]

    def body(d0, d1, xr, wr, g_ref):
        dv = _dinv_col(d0, d1, pl.program_id(0) * rb, rb, rws)
        g_ref[...] = jnp.dot(xr[...], wr[...], preferred_element_type=F32) * dv

    return pl.pallas_call(
        body,
        grid=(N // rb,),
        in_specs=[
            pl.BlockSpec((rws, 128), lambda i: (0, 0)),
            pl.BlockSpec((rws, 128), lambda i: (0, 0)),
            pl.BlockSpec((rb, DIN), lambda i: (i, 0)),
            pl.BlockSpec((DIN, DH), lambda i: (0, 0)),
        ],
        out_specs=pl.BlockSpec((rb, DH), lambda i: (i, 0)),
        out_shape=jax.ShapeDtypeStruct((N, DH), F32),
    )(dp0, dp1, x, W1)


def _tc2(dp0, dp1, P0, P1, g1, b1, W2, rb):
    N, DH = g1.shape
    DO = W2.shape[1]
    rws = dp0.shape[0]

    def body(d0, d1, p0, p1, gr, br, wr, out_ref):
        dv = _dinv_col(d0, d1, pl.program_id(0) * rb, rb, rws)
        h = dv * (p0[...] + p1[...] + gr[...]) + br[...]
        h = jnp.maximum(h, 0.0)
        out_ref[...] = jnp.dot(h, wr[...], preferred_element_type=F32) * dv

    return pl.pallas_call(
        body,
        grid=(N // rb,),
        in_specs=[
            pl.BlockSpec((rws, 128), lambda i: (0, 0)),
            pl.BlockSpec((rws, 128), lambda i: (0, 0)),
            pl.BlockSpec((rb, DH), lambda i: (i, 0)),
            pl.BlockSpec((rb, DH), lambda i: (i, 0)),
            pl.BlockSpec((rb, DH), lambda i: (i, 0)),
            pl.BlockSpec((1, DH), lambda i: (0, 0)),
            pl.BlockSpec((DH, DO), lambda i: (0, 0)),
        ],
        out_specs=pl.BlockSpec((rb, DO), lambda i: (i, 0)),
        out_shape=jax.ShapeDtypeStruct((N, DO), F32),
    )(dp0, dp1, P0, P1, g1, b1, W2)


def _tc3(dp0, dp1, Q0, Q1, g2, b2, rb):
    N = g2.shape[0]
    DO = b2.shape[1]
    rws = dp0.shape[0]

    def body(d0, d1, q0, q1, gr, br, out_ref):
        dv = _dinv_col(d0, d1, pl.program_id(0) * rb, rb, rws)
        z = dv * (q0[...] + q1[...] + gr[...]) + br[...]
        m = jnp.max(z, axis=-1, keepdims=True)
        e = jnp.exp(z - m)
        lse = jnp.log(jnp.sum(e, axis=-1, keepdims=True))
        out_ref[...] = z - m - lse

    return pl.pallas_call(
        body,
        grid=(N // rb,),
        in_specs=[
            pl.BlockSpec((rws, 128), lambda i: (0, 0)),
            pl.BlockSpec((rws, 128), lambda i: (0, 0)),
            pl.BlockSpec((rb, DO), lambda i: (i, 0)),
            pl.BlockSpec((rb, DO), lambda i: (i, 0)),
            pl.BlockSpec((rb, DO), lambda i: (i, 0)),
            pl.BlockSpec((1, DO), lambda i: (0, 0)),
        ],
        out_specs=pl.BlockSpec((rb, DO), lambda i: (i, 0)),
        out_shape=jax.ShapeDtypeStruct((N, DO), F32),
    )(dp0, dp1, Q0, Q1, g2, b2)


def kernel(x, edge_index, W1, b1, W2, b2):
    N, DIN = x.shape
    DH = W1.shape[1]
    DO = W2.shape[1]
    E = edge_index.shape[1]

    NPAD = NS * EB * (-(-N // (NS * EB)))

    src = edge_index[0]
    dst = edge_index[1]
    CH = NW * EB * IC
    EPAD = CH * (-(-E // CH))
    if EPAD != E:
        pad = EPAD - E
        pidx = jnp.arange(pad, dtype=I32)
        src = jnp.concatenate([src, pidx % N])
        dst = jnp.concatenate([dst, N + pidx % (NPAD - N)])
    NB = EPAD // EB
    src2d = src.reshape(NB, EB)
    dst2d = dst.reshape(NB, EB)

    ones_eb = jnp.ones((EB,), F32)
    zeros_rp = jnp.zeros((NPAD // NS,), F32)

    dp0, dp1 = _make_deg(NB, NPAD)(dst2d, ones_eb, zeros_rp)
    dp0 = dp0.reshape(NPAD // 128, 128)
    dp1 = dp1.reshape(NPAD // 128, 128)

    rb = 1000
    g1 = _tc1(dp0, dp1, x, W1, rb)

    zeros_h = jnp.zeros((EB, DH), F32)
    P0, P1 = _make_agg(DH, NB, NPAD)(g1, src2d, dst2d, zeros_h)

    g2 = _tc2(dp0, dp1, P0, P1, g1, b1.reshape(1, DH), W2, rb)

    zeros_o = jnp.zeros((EB, DO), F32)
    Q0, Q1 = _make_agg(DO, NB, NPAD, tc_tiling=False)(g2, src2d, dst2d, zeros_o)
    return _tc3(dp0, dp1, Q0, Q1, g2, b2.reshape(1, DO), rb)

# --- scband reference (transcript-rebuilt; emitter-appended) ---
"""Pipeline reference for scband-gcn-43224550867997 (READ-ONLY COPY).

The authoritative reference and input builder live on the scoring server;
editing this copy changes nothing except your own understanding.
"""

import jax, jax.numpy as jnp
import numpy as np

N = 10000
E = 320000
D_IN = 128
D_HID = 128
D_OUT = 64


def setup_inputs(seed: int = 0) -> dict:
    key = jax.random.key(seed)
    k1, k2, k3, k4 = jax.random.split(key, 4)
    x = jax.random.normal(k1, (N, D_IN), dtype=jnp.float32)
    edge_index = jax.random.randint(k2, (2, E), 0, N, dtype=jnp.int32)
    W1 = jax.random.normal(k3, (D_IN, D_HID), dtype=jnp.float32) * (1.0 / np.sqrt(D_IN))
    b1 = jnp.zeros((D_HID,), dtype=jnp.float32)
    W2 = jax.random.normal(k4, (D_HID, D_OUT), dtype=jnp.float32) * (1.0 / np.sqrt(D_HID))
    b2 = jnp.zeros((D_OUT,), dtype=jnp.float32)
    return {"x": x, "edge_index": edge_index, "W1": W1, "b1": b1, "W2": W2, "b2": b2}


def _gcn_conv(x, edge_index, W, b, num_nodes):
    # PyG GCNConv: add self loops, symmetric degree normalization, linear transform,
    # scatter-add aggregation by destination node.
    src = edge_index[0]
    dst = edge_index[1]
    loop = jnp.arange(num_nodes, dtype=src.dtype)
    src = jnp.concatenate([src, loop])
    dst = jnp.concatenate([dst, loop])
    deg = jax.ops.segment_sum(jnp.ones_like(dst, dtype=x.dtype), dst, num_segments=num_nodes)
    dinv = jnp.where(deg > 0, jax.lax.rsqrt(jnp.maximum(deg, 1e-12)), 0.0)
    norm = dinv[src] * dinv[dst]
    h = x @ W
    msg = h[src] * norm[:, None]
    out = jax.ops.segment_sum(msg, dst, num_segments=num_nodes)
    return out + b


def reference(x, edge_index, W1, b1, W2, b2):
    # GCN.forward: conv -> relu -> dropout(eval: identity) -> conv -> log_softmax
    h = _gcn_conv(x, edge_index, W1, b1, N)
    h = jax.nn.relu(h)
    # F.dropout with training=False is the identity in eval mode
    out = _gcn_conv(h, edge_index, W2, b2, N)
    return jax.nn.log_softmax(out, axis=-1)

if __name__ == "__main__":
    import jax
    _d = setup_inputs()
    print(jax.jit(kernel)(*tuple(_d.values())))

</pallas_src>

<mosaic_0001>
#map = affine_map<(d0, d1) -> (0, 0)>
module attributes {stable_mosaic.version = 14 : i64} {
  func.func @agg(%arg0: i32, %arg1: i32, %arg2: memref<10000x64xf32, #tpu.memory_space<hbm>>, %arg3: memref<2560x128xi32, #tpu.memory_space<hbm>>, %arg4: memref<2560x128xi32, #tpu.memory_space<hbm>>, %arg5: memref<128x64xf32, #tpu.memory_space<hbm>>, %arg6: memref<10240x64xf32, #tpu.memory_space<hbm>>, %arg7: memref<10240x64xf32, #tpu.memory_space<hbm>>, %arg8: memref<16x128xi32, #tpu.memory_space<vmem>>, %arg9: memref<16x128xi32, #tpu.memory_space<vmem>>, %arg10: memref<128x64xf32, #tpu.memory_space<vmem>>, %arg11: memref<128x64xf32, #tpu.memory_space<vmem>>, %arg12: memref<10240x64xf32, #tpu.memory_space<vmem_shared>>, %arg13: memref<!tpu.dma_semaphore, #tpu.memory_space<semaphore_mem>>, %arg14: memref<!tpu.dma_semaphore, #tpu.memory_space<semaphore_mem>>) attributes {dimension_semantics = [#tpu.dimension_semantics<core_parallel>, #tpu.dimension_semantics<subcore_parallel>], iteration_bounds = array<i64: 2, 16>, scalar_prefetch = 0 : i64, scratch_operands = 7 : i64, tpu.core_type = #tpu.core_type<sc_vector_subcore>, window_params = [{transform_indices = #map}, {transform_indices = #map}, {transform_indices = #map}, {transform_indices = #map}, {transform_indices = #map}, {transform_indices = #map}]} {
    %mul3A = arith.constant 16 : i32
    %mul3A_0 = arith.muli %arg0, %mul3A : i32
    %add3A = arith.addi %mul3A_0, %arg1 : i32
    "tpu.region"() ({
      %run_scoped3A = tpu.sem_alloc : memref<!tpu.dma_semaphore, #tpu.memory_space<semaphore_mem>>
      tpu.enqueue_dma source(%arg5 : memref<128x64xf32, #tpu.memory_space<hbm>>) target(%arg10 : memref<128x64xf32, #tpu.memory_space<vmem>>) target_semaphore(%run_scoped3A : memref<!tpu.dma_semaphore, #tpu.memory_space<semaphore_mem>>)
      tpu.wait_dma2 semaphore(%run_scoped3A : memref<!tpu.dma_semaphore, #tpu.memory_space<semaphore_mem>>) src(%arg5 : memref<128x64xf32, #tpu.memory_space<hbm>>) dst(%arg10 : memref<128x64xf32, #tpu.memory_space<vmem>>)
      tpu.yield
    }) : () -> ()
    %mul3A_1 = arith.constant 640 : i32
    %mul3A_2 = arith.muli %arg1, %mul3A_1 : i32
    %add3A_3 = arith.constant 0 : i32
    %add3A_4 = arith.addi %mul3A_2, %add3A_3 : i32
    "tpu.region"() ({
      %run_scoped3A = tpu.sem_alloc : memref<!tpu.dma_semaphore, #tpu.memory_space<semaphore_mem>>
      %dma_start3A = arith.constant 0 : i32
      %dma_start3A_94 = tpu.memref_slice %arg12[%add3A_4, %dma_start3A] : memref<10240x64xf32, #tpu.memory_space<vmem_shared>> -> memref<128x64xf32, #tpu.memory_space<vmem_shared>>
      %dma_start3A_95 = arith.constant 0 : i32
      %dma_start3A_96 = tpu.memref_slice %arg12[%add3A_4, %dma_start3A_95] : memref<10240x64xf32, #tpu.memory_space<vmem_shared>> -> memref<128x64xf32, #tpu.memory_space<vmem_shared>>
      tpu.enqueue_dma source(%arg10 : memref<128x64xf32, #tpu.memory_space<vmem>>) target(%dma_start3A_96 : memref<128x64xf32, #tpu.memory_space<vmem_shared>>) target_semaphore(%run_scoped3A : memref<!tpu.dma_semaphore, #tpu.memory_space<semaphore_mem>>)
      %dma_wait3A = arith.constant 0 : i32
      %dma_wait3A_97 = tpu.memref_slice %arg12[%add3A_4, %dma_wait3A] : memref<10240x64xf32, #tpu.memory_space<vmem_shared>> -> memref<128x64xf32, #tpu.memory_space<vmem_shared>>
      %dma_wait3A_98 = arith.constant 0 : i32
      %dma_wait3A_99 = tpu.memref_slice %arg12[%add3A_4, %dma_wait3A_98] : memref<10240x64xf32, #tpu.memory_space<vmem_shared>> -> memref<128x64xf32, #tpu.memory_space<vmem_shared>>
      tpu.wait_dma2 semaphore(%run_scoped3A : memref<!tpu.dma_semaphore, #tpu.memory_space<semaphore_mem>>) src(%arg10 : memref<128x64xf32, #tpu.memory_space<vmem>>) dst(%dma_wait3A_99 : memref<128x64xf32, #tpu.memory_space<vmem_shared>>)
      tpu.yield
    }) : () -> ()
    %mul3A_5 = arith.constant 640 : i32
    %mul3A_6 = arith.muli %arg1, %mul3A_5 : i32
    %add3A_7 = arith.constant 128 : i32
    %add3A_8 = arith.addi %mul3A_6, %add3A_7 : i32
    "tpu.region"() ({
      %run_scoped3A = tpu.sem_alloc : memref<!tpu.dma_semaphore, #tpu.memory_space<semaphore_mem>>
      %dma_start3A = arith.constant 0 : i32
      %dma_start3A_94 = tpu.memref_slice %arg12[%add3A_8, %dma_start3A] : memref<10240x64xf32, #tpu.memory_space<vmem_shared>> -> memref<128x64xf32, #tpu.memory_space<vmem_shared>>
      %dma_start3A_95 = arith.constant 0 : i32
      %dma_start3A_96 = tpu.memref_slice %arg12[%add3A_8, %dma_start3A_95] : memref<10240x64xf32, #tpu.memory_space<vmem_shared>> -> memref<128x64xf32, #tpu.memory_space<vmem_shared>>
      tpu.enqueue_dma source(%arg10 : memref<128x64xf32, #tpu.memory_space<vmem>>) target(%dma_start3A_96 : memref<128x64xf32, #tpu.memory_space<vmem_shared>>) target_semaphore(%run_scoped3A : memref<!tpu.dma_semaphore, #tpu.memory_space<semaphore_mem>>)
      %dma_wait3A = arith.constant 0 : i32
      %dma_wait3A_97 = tpu.memref_slice %arg12[%add3A_8, %dma_wait3A] : memref<10240x64xf32, #tpu.memory_space<vmem_shared>> -> memref<128x64xf32, #tpu.memory_space<vmem_shared>>
      %dma_wait3A_98 = arith.constant 0 : i32
      %dma_wait3A_99 = tpu.memref_slice %arg12[%add3A_8, %dma_wait3A_98] : memref<10240x64xf32, #tpu.memory_space<vmem_shared>> -> memref<128x64xf32, #tpu.memory_space<vmem_shared>>
      tpu.wait_dma2 semaphore(%run_scoped3A : memref<!tpu.dma_semaphore, #tpu.memory_space<semaphore_mem>>) src(%arg10 : memref<128x64xf32, #tpu.memory_space<vmem>>) dst(%dma_wait3A_99 : memref<128x64xf32, #tpu.memory_space<vmem_shared>>)
      tpu.yield
    }) : () -> ()
    %mul3A_9 = arith.constant 640 : i32
    %mul3A_10 = arith.muli %arg1, %mul3A_9 : i32
    %add3A_11 = arith.constant 256 : i32
    %add3A_12 = arith.addi %mul3A_10, %add3A_11 : i32
    "tpu.region"() ({
      %run_scoped3A = tpu.sem_alloc : memref<!tpu.dma_semaphore, #tpu.memory_space<semaphore_mem>>
      %dma_start3A = arith.constant 0 : i32
      %dma_start3A_94 = tpu.memref_slice %arg12[%add3A_12, %dma_start3A] : memref<10240x64xf32, #tpu.memory_space<vmem_shared>> -> memref<128x64xf32, #tpu.memory_space<vmem_shared>>
      %dma_start3A_95 = arith.constant 0 : i32
      %dma_start3A_96 = tpu.memref_slice %arg12[%add3A_12, %dma_start3A_95] : memref<10240x64xf32, #tpu.memory_space<vmem_shared>> -> memref<128x64xf32, #tpu.memory_space<vmem_shared>>
      tpu.enqueue_dma source(%arg10 : memref<128x64xf32, #tpu.memory_space<vmem>>) target(%dma_start3A_96 : memref<128x64xf32, #tpu.memory_space<vmem_shared>>) target_semaphore(%run_scoped3A : memref<!tpu.dma_semaphore, #tpu.memory_space<semaphore_mem>>)
      %dma_wait3A = arith.constant 0 : i32
      %dma_wait3A_97 = tpu.memref_slice %arg12[%add3A_12, %dma_wait3A] : memref<10240x64xf32, #tpu.memory_space<vmem_shared>> -> memref<128x64xf32, #tpu.memory_space<vmem_shared>>
      %dma_wait3A_98 = arith.constant 0 : i32
      %dma_wait3A_99 = tpu.memref_slice %arg12[%add3A_12, %dma_wait3A_98] : memref<10240x64xf32, #tpu.memory_space<vmem_shared>> -> memref<128x64xf32, #tpu.memory_space<vmem_shared>>
      tpu.wait_dma2 semaphore(%run_scoped3A : memref<!tpu.dma_semaphore, #tpu.memory_space<semaphore_mem>>) src(%arg10 : memref<128x64xf32, #tpu.memory_space<vmem>>) dst(%dma_wait3A_99 : memref<128x64xf32, #tpu.memory_space<vmem_shared>>)
      tpu.yield
    }) : () -> ()
    %mul3A_13 = arith.constant 640 : i32
    %mul3A_14 = arith.muli %arg1, %mul3A_13 : i32
    %add3A_15 = arith.constant 384 : i32
    %add3A_16 = arith.addi %mul3A_14, %add3A_15 : i32
    "tpu.region"() ({
      %run_scoped3A = tpu.sem_alloc : memref<!tpu.dma_semaphore, #tpu.memory_space<semaphore_mem>>
      %dma_start3A = arith.constant 0 : i32
      %dma_start3A_94 = tpu.memref_slice %arg12[%add3A_16, %dma_start3A] : memref<10240x64xf32, #tpu.memory_space<vmem_shared>> -> memref<128x64xf32, #tpu.memory_space<vmem_shared>>
      %dma_start3A_95 = arith.constant 0 : i32
      %dma_start3A_96 = tpu.memref_slice %arg12[%add3A_16, %dma_start3A_95] : memref<10240x64xf32, #tpu.memory_space<vmem_shared>> -> memref<128x64xf32, #tpu.memory_space<vmem_shared>>
      tpu.enqueue_dma source(%arg10 : memref<128x64xf32, #tpu.memory_space<vmem>>) target(%dma_start3A_96 : memref<128x64xf32, #tpu.memory_space<vmem_shared>>) target_semaphore(%run_scoped3A : memref<!tpu.dma_semaphore, #tpu.memory_space<semaphore_mem>>)
      %dma_wait3A = arith.constant 0 : i32
      %dma_wait3A_97 = tpu.memref_slice %arg12[%add3A_16, %dma_wait3A] : memref<10240x64xf32, #tpu.memory_space<vmem_shared>> -> memref<128x64xf32, #tpu.memory_space<vmem_shared>>
      %dma_wait3A_98 = arith.constant 0 : i32
      %dma_wait3A_99 = tpu.memref_slice %arg12[%add3A_16, %dma_wait3A_98] : memref<10240x64xf32, #tpu.memory_space<vmem_shared>> -> memref<128x64xf32, #tpu.memory_space<vmem_shared>>
      tpu.wait_dma2 semaphore(%run_scoped3A : memref<!tpu.dma_semaphore, #tpu.memory_space<semaphore_mem>>) src(%arg10 : memref<128x64xf32, #tpu.memory_space<vmem>>) dst(%dma_wait3A_99 : memref<128x64xf32, #tpu.memory_space<vmem_shared>>)
      tpu.yield
    }) : () -> ()
    %mul3A_17 = arith.constant 640 : i32
    %mul3A_18 = arith.muli %arg1, %mul3A_17 : i32
    %add3A_19 = arith.constant 512 : i32
    %add3A_20 = arith.addi %mul3A_18, %add3A_19 : i32
    "tpu.region"() ({
      %run_scoped3A = tpu.sem_alloc : memref<!tpu.dma_semaphore, #tpu.memory_space<semaphore_mem>>
      %dma_start3A = arith.constant 0 : i32
      %dma_start3A_94 = tpu.memref_slice %arg12[%add3A_20, %dma_start3A] : memref<10240x64xf32, #tpu.memory_space<vmem_shared>> -> memref<128x64xf32, #tpu.memory_space<vmem_shared>>
      %dma_start3A_95 = arith.constant 0 : i32
      %dma_start3A_96 = tpu.memref_slice %arg12[%add3A_20, %dma_start3A_95] : memref<10240x64xf32, #tpu.memory_space<vmem_shared>> -> memref<128x64xf32, #tpu.memory_space<vmem_shared>>
      tpu.enqueue_dma source(%arg10 : memref<128x64xf32, #tpu.memory_space<vmem>>) target(%dma_start3A_96 : memref<128x64xf32, #tpu.memory_space<vmem_shared>>) target_semaphore(%run_scoped3A : memref<!tpu.dma_semaphore, #tpu.memory_space<semaphore_mem>>)
      %dma_wait3A = arith.constant 0 : i32
      %dma_wait3A_97 = tpu.memref_slice %arg12[%add3A_20, %dma_wait3A] : memref<10240x64xf32, #tpu.memory_space<vmem_shared>> -> memref<128x64xf32, #tpu.memory_space<vmem_shared>>
      %dma_wait3A_98 = arith.constant 0 : i32
      %dma_wait3A_99 = tpu.memref_slice %arg12[%add3A_20, %dma_wait3A_98] : memref<10240x64xf32, #tpu.memory_space<vmem_shared>> -> memref<128x64xf32, #tpu.memory_space<vmem_shared>>
      tpu.wait_dma2 semaphore(%run_scoped3A : memref<!tpu.dma_semaphore, #tpu.memory_space<semaphore_mem>>) src(%arg10 : memref<128x64xf32, #tpu.memory_space<vmem>>) dst(%dma_wait3A_99 : memref<128x64xf32, #tpu.memory_space<vmem_shared>>)
      tpu.yield
    }) : () -> ()
    %barrier3A = arith.constant 0 : index
    tpu.barrier barrier_id(%barrier3A)
    %scan3A = arith.constant 0 : i32
    %scan3A_21 = arith.constant 0 : i32
    %scan3A_22 = arith.constant 5 : i32
    %scan3A_23 = arith.addi %scan3A_21, %scan3A_22 : i32
    %scan3A_24 = arith.constant 1 : i32
    scf.for %scan3A_94 = %scan3A_21 to %scan3A_23 step %scan3A_24  : i32 {
      %mul3A_95 = arith.constant 80 : i32
      %mul3A_96 = arith.muli %add3A, %mul3A_95 : i32
      %mul3A_97 = arith.constant 16 : i32
      %mul3A_98 = arith.muli %scan3A_94, %mul3A_97 : i32
      %add3A_99 = arith.addi %mul3A_96, %mul3A_98 : i32
      "tpu.region"() ({
        %run_scoped3A = tpu.sem_alloc : memref<!tpu.dma_semaphore, #tpu.memory_space<semaphore_mem>>
        %dma_start3A_112 = arith.constant 0 : i32
        %dma_start3A_113 = tpu.memref_slice %arg3[%add3A_99, %dma_start3A_112] : memref<2560x128xi32, #tpu.memory_space<hbm>> -> memref<16x128xi32, #tpu.memory_space<hbm>>
        %dma_start3A_114 = arith.constant 0 : i32
        %dma_start3A_115 = tpu.memref_slice %arg3[%add3A_99, %dma_start3A_114] : memref<2560x128xi32, #tpu.memory_space<hbm>> -> memref<16x128xi32, #tpu.memory_space<hbm>>
        tpu.enqueue_dma source(%dma_start3A_115 : memref<16x128xi32, #tpu.memory_space<hbm>>) target(%arg8 : memref<16x128xi32, #tpu.memory_space<vmem>>) target_semaphore(%run_scoped3A : memref<!tpu.dma_semaphore, #tpu.memory_space<semaphore_mem>>)
        %dma_wait3A = arith.constant 0 : i32
        %dma_wait3A_116 = tpu.memref_slice %arg3[%add3A_99, %dma_wait3A] : memref<2560x128xi32, #tpu.memory_space<hbm>> -> memref<16x128xi32, #tpu.memory_space<hbm>>
        %dma_wait3A_117 = arith.constant 0 : i32
        %dma_wait3A_118 = tpu.memref_slice %arg3[%add3A_99, %dma_wait3A_117] : memref<2560x128xi32, #tpu.memory_space<hbm>> -> memref<16x128xi32, #tpu.memory_space<hbm>>
        tpu.wait_dma2 semaphore(%run_scoped3A : memref<!tpu.dma_semaphore, #tpu.memory_space<semaphore_mem>>) src(%dma_wait3A_118 : memref<16x128xi32, #tpu.memory_space<hbm>>) dst(%arg8 : memref<16x128xi32, #tpu.memory_space<vmem>>)
        tpu.yield
      }) : () -> ()
      "tpu.region"() ({
        %run_scoped3A = tpu.sem_alloc : memref<!tpu.dma_semaphore, #tpu.memory_space<semaphore_mem>>
        %dma_start3A_112 = arith.constant 0 : i32
        %dma_start3A_113 = tpu.memref_slice %arg4[%add3A_99, %dma_start3A_112] : memref<2560x128xi32, #tpu.memory_space<hbm>> -> memref<16x128xi32, #tpu.memory_space<hbm>>
        %dma_start3A_114 = arith.constant 0 : i32
        %dma_start3A_115 = tpu.memref_slice %arg4[%add3A_99, %dma_start3A_114] : memref<2560x128xi32, #tpu.memory_space<hbm>> -> memref<16x128xi32, #tpu.memory_space<hbm>>
        tpu.enqueue_dma source(%dma_start3A_115 : memref<16x128xi32, #tpu.memory_space<hbm>>) target(%arg9 : memref<16x128xi32, #tpu.memory_space<vmem>>) target_semaphore(%run_scoped3A : memref<!tpu.dma_semaphore, #tpu.memory_space<semaphore_mem>>)
        %dma_wait3A = arith.constant 0 : i32
        %dma_wait3A_116 = tpu.memref_slice %arg4[%add3A_99, %dma_wait3A] : memref<2560x128xi32, #tpu.memory_space<hbm>> -> memref<16x128xi32, #tpu.memory_space<hbm>>
        %dma_wait3A_117 = arith.constant 0 : i32
        %dma_wait3A_118 = tpu.memref_slice %arg4[%add3A_99, %dma_wait3A_117] : memref<2560x128xi32, #tpu.memory_space<hbm>> -> memref<16x128xi32, #tpu.memory_space<hbm>>
        tpu.wait_dma2 semaphore(%run_scoped3A : memref<!tpu.dma_semaphore, #tpu.memory_space<semaphore_mem>>) src(%dma_wait3A_118 : memref<16x128xi32, #tpu.memory_space<hbm>>) dst(%arg9 : memref<16x128xi32, #tpu.memory_space<vmem>>)
        tpu.yield
      }) : () -> ()
      %dma_start3A = arith.constant 0 : i32
      %dma_start3A_100 = arith.constant 0 : i32
      %dma_start3A_101 = tpu.memref_slice %arg8[%dma_start3A, %dma_start3A_100] : memref<16x128xi32, #tpu.memory_space<vmem>> -> memref<1x128xi32, #tpu.memory_space<vmem>>
      %dma_start3A_102 = tpu.memref_squeeze %dma_start3A_101 : memref<1x128xi32, #tpu.memory_space<vmem>> -> memref<128xi32, #tpu.memory_space<vmem>>
      %dma_start3A_103 = arith.constant 0 : i32
      %dma_start3A_104 = arith.constant 0 : i32
      %dma_start3A_105 = tpu.memref_slice %arg2[%dma_start3A_103, %dma_start3A_104] : memref<10000x64xf32, #tpu.memory_space<hbm>> -> memref<10000x64xf32, #tpu.memory_space<hbm>>
      tpu.enqueue_indirect_dma source(%dma_start3A_105 : memref<10000x64xf32, #tpu.memory_space<hbm>>) target(%arg10 : memref<128x64xf32, #tpu.memory_space<vmem>>) offsets(%dma_start3A_102 : memref<128xi32, #tpu.memory_space<vmem>>) semaphore(%arg13 : memref<!tpu.dma_semaphore, #tpu.memory_space<semaphore_mem>>)
      %scan3A_106 = arith.constant 0 : i32
      %scan3A_107 = arith.constant 0 : i32
      %scan3A_108 = arith.constant 8 : i32
      %scan3A_109 = arith.addi %scan3A_107, %scan3A_108 : i32
      %scan3A_110 = arith.constant 1 : i32
      scf.for %scan3A_112 = %scan3A_107 to %scan3A_109 step %scan3A_110  : i32 {
        %mul3A_113 = arith.constant 2 : i32
        %mul3A_114 = arith.muli %mul3A_113, %scan3A_112 : i32
        %add3A_115 = arith.constant 1 : i32
        %add3A_116 = arith.addi %mul3A_114, %add3A_115 : i32
        %dma_start3A_117 = arith.constant 0 : i32
        %dma_start3A_118 = tpu.memref_slice %arg8[%add3A_116, %dma_start3A_117] : memref<16x128xi32, #tpu.memory_space<vmem>> -> memref<1x128xi32, #tpu.memory_space<vmem>>
        %dma_start3A_119 = tpu.memref_squeeze %dma_start3A_118 : memref<1x128xi32, #tpu.memory_space<vmem>> -> memref<128xi32, #tpu.memory_space<vmem>>
        %dma_start3A_120 = arith.constant 0 : i32
        %dma_start3A_121 = arith.constant 0 : i32
        %dma_start3A_122 = tpu.memref_slice %arg2[%dma_start3A_120, %dma_start3A_121] : memref<10000x64xf32, #tpu.memory_space<hbm>> -> memref<10000x64xf32, #tpu.memory_space<hbm>>
        tpu.enqueue_indirect_dma source(%dma_start3A_122 : memref<10000x64xf32, #tpu.memory_space<hbm>>) target(%arg11 : memref<128x64xf32, #tpu.memory_space<vmem>>) offsets(%dma_start3A_119 : memref<128xi32, #tpu.memory_space<vmem>>) semaphore(%arg14 : memref<!tpu.dma_semaphore, #tpu.memory_space<semaphore_mem>>)
        %dma_wait3A = arith.constant 0 : i32
        %dma_wait3A_123 = arith.constant 0 : i32
        %dma_wait3A_124 = tpu.memref_slice %arg8[%dma_wait3A, %dma_wait3A_123] : memref<16x128xi32, #tpu.memory_space<vmem>> -> memref<1x128xi32, #tpu.memory_space<vmem>>
        %dma_wait3A_125 = tpu.memref_squeeze %dma_wait3A_124 : memref<1x128xi32, #tpu.memory_space<vmem>> -> memref<128xi32, #tpu.memory_space<vmem>>
        %dma_wait3A_126 = arith.constant 0 : i32
        %dma_wait3A_127 = arith.constant 0 : i32
        %dma_wait3A_128 = tpu.memref_slice %arg2[%dma_wait3A_126, %dma_wait3A_127] : memref<10000x64xf32, #tpu.memory_space<hbm>> -> memref<10000x64xf32, #tpu.memory_space<hbm>>
        tpu.wait_indirect_dma semaphore(%arg13 : memref<!tpu.dma_semaphore, #tpu.memory_space<semaphore_mem>>) src(%dma_wait3A_128 : memref<10000x64xf32, #tpu.memory_space<hbm>>) dst(%arg10 : memref<128x64xf32, #tpu.memory_space<vmem>>)
        "tpu.region"() ({
          %run_scoped3A = tpu.sem_alloc : memref<!tpu.dma_semaphore, #tpu.memory_space<semaphore_mem>>
          %dma_start3A_142 = arith.constant 0 : i32
          %dma_start3A_143 = tpu.memref_slice %arg9[%mul3A_114, %dma_start3A_142] : memref<16x128xi32, #tpu.memory_space<vmem>> -> memref<1x128xi32, #tpu.memory_space<vmem>>
          %dma_start3A_144 = tpu.memref_squeeze %dma_start3A_143 : memref<1x128xi32, #tpu.memory_space<vmem>> -> memref<128xi32, #tpu.memory_space<vmem>>
          %dma_start3A_145 = arith.constant 0 : i32
          %dma_start3A_146 = arith.constant 0 : i32
          %dma_start3A_147 = tpu.memref_slice %arg12[%dma_start3A_145, %dma_start3A_146] : memref<10240x64xf32, #tpu.memory_space<vmem_shared>> -> memref<10240x64xf32, #tpu.memory_space<vmem_shared>>
          tpu.enqueue_indirect_dma source(%arg10 : memref<128x64xf32, #tpu.memory_space<vmem>>) target(%dma_start3A_147 : memref<10240x64xf32, #tpu.memory_space<vmem_shared>>) offsets(%dma_start3A_144 : memref<128xi32, #tpu.memory_space<vmem>>) semaphore(%run_scoped3A : memref<!tpu.dma_semaphore, #tpu.memory_space<semaphore_mem>>) {add = true}
          %dma_wait3A_148 = arith.constant 0 : i32
          %dma_wait3A_149 = tpu.memref_slice %arg9[%mul3A_114, %dma_wait3A_148] : memref<16x128xi32, #tpu.memory_space<vmem>> -> memref<1x128xi32, #tpu.memory_space<vmem>>
          %dma_wait3A_150 = tpu.memref_squeeze %dma_wait3A_149 : memref<1x128xi32, #tpu.memory_space<vmem>> -> memref<128xi32, #tpu.memory_space<vmem>>
          %dma_wait3A_151 = arith.constant 0 : i32
          %dma_wait3A_152 = arith.constant 0 : i32
          %dma_wait3A_153 = tpu.memref_slice %arg12[%dma_wait3A_151, %dma_wait3A_152] : memref<10240x64xf32, #tpu.memory_space<vmem_shared>> -> memref<10240x64xf32, #tpu.memory_space<vmem_shared>>
          tpu.wait_indirect_dma semaphore(%run_scoped3A : memref<!tpu.dma_semaphore, #tpu.memory_space<semaphore_mem>>) src(%arg10 : memref<128x64xf32, #tpu.memory_space<vmem>>) dst(%dma_wait3A_153 : memref<10240x64xf32, #tpu.memory_space<vmem_shared>>)
          tpu.yield
        }) : () -> ()
        %lt3A = arith.constant 7 : i32
        %lt3A_129 = arith.cmpi slt, %scan3A_112, %lt3A : i32
        %convert_element_type3A_130 = arith.extui %lt3A_129 : i1 to i32
        %cond3A_131 = arith.constant 0 : i32
        %cond3A_132 = arith.cmpi ne, %convert_element_type3A_130, %cond3A_131 : i32
        scf.if %cond3A_132 {
          %add3A_142 = arith.constant 2 : i32
          %add3A_143 = arith.addi %mul3A_114, %add3A_142 : i32
          %dma_start3A_144 = arith.constant 0 : i32
          %dma_start3A_145 = tpu.memref_slice %arg8[%add3A_143, %dma_start3A_144] : memref<16x128xi32, #tpu.memory_space<vmem>> -> memref<1x128xi32, #tpu.memory_space<vmem>>
          %dma_start3A_146 = tpu.memref_squeeze %dma_start3A_145 : memref<1x128xi32, #tpu.memory_space<vmem>> -> memref<128xi32, #tpu.memory_space<vmem>>
          %dma_start3A_147 = arith.constant 0 : i32
          %dma_start3A_148 = arith.constant 0 : i32
          %dma_start3A_149 = tpu.memref_slice %arg2[%dma_start3A_147, %dma_start3A_148] : memref<10000x64xf32, #tpu.memory_space<hbm>> -> memref<10000x64xf32, #tpu.memory_space<hbm>>
          tpu.enqueue_indirect_dma source(%dma_start3A_149 : memref<10000x64xf32, #tpu.memory_space<hbm>>) target(%arg10 : memref<128x64xf32, #tpu.memory_space<vmem>>) offsets(%dma_start3A_146 : memref<128xi32, #tpu.memory_space<vmem>>) semaphore(%arg13 : memref<!tpu.dma_semaphore, #tpu.memory_space<semaphore_mem>>)
        } else {
        }
        %dma_wait3A_133 = arith.constant 0 : i32
        %dma_wait3A_134 = arith.constant 0 : i32
        %dma_wait3A_135 = tpu.memref_slice %arg8[%dma_wait3A_133, %dma_wait3A_134] : memref<16x128xi32, #tpu.memory_space<vmem>> -> memref<1x128xi32, #tpu.memory_space<vmem>>
        %dma_wait3A_136 = tpu.memref_squeeze %dma_wait3A_135 : memref<1x128xi32, #tpu.memory_space<vmem>> -> memref<128xi32, #tpu.memory_space<vmem>>
        %dma_wait3A_137 = arith.constant 0 : i32
        %dma_wait3A_138 = arith.constant 0 : i32
        %dma_wait3A_139 = tpu.memref_slice %arg2[%dma_wait3A_137, %dma_wait3A_138] : memref<10000x64xf32, #tpu.memory_space<hbm>> -> memref<10000x64xf32, #tpu.memory_space<hbm>>
        tpu.wait_indirect_dma semaphore(%arg14 : memref<!tpu.dma_semaphore, #tpu.memory_space<semaphore_mem>>) src(%dma_wait3A_139 : memref<10000x64xf32, #tpu.memory_space<hbm>>) dst(%arg11 : memref<128x64xf32, #tpu.memory_space<vmem>>)
        %add3A_140 = arith.constant 1 : i32
        %add3A_141 = arith.addi %mul3A_114, %add3A_140 : i32
        "tpu.region"() ({
          %run_scoped3A = tpu.sem_alloc : memref<!tpu.dma_semaphore, #tpu.memory_space<semaphore_mem>>
          %dma_start3A_142 = arith.constant 0 : i32
          %dma_start3A_143 = tpu.memref_slice %arg9[%add3A_141, %dma_start3A_142] : memref<16x128xi32, #tpu.memory_space<vmem>> -> memref<1x128xi32, #tpu.memory_space<vmem>>
          %dma_start3A_144 = tpu.memref_squeeze %dma_start3A_143 : memref<1x128xi32, #tpu.memory_space<vmem>> -> memref<128xi32, #tpu.memory_space<vmem>>
          %dma_start3A_145 = arith.constant 0 : i32
          %dma_start3A_146 = arith.constant 0 : i32
          %dma_start3A_147 = tpu.memref_slice %arg12[%dma_start3A_145, %dma_start3A_146] : memref<10240x64xf32, #tpu.memory_space<vmem_shared>> -> memref<10240x64xf32, #tpu.memory_space<vmem_shared>>
          tpu.enqueue_indirect_dma source(%arg11 : memref<128x64xf32, #tpu.memory_space<vmem>>) target(%dma_start3A_147 : memref<10240x64xf32, #tpu.memory_space<vmem_shared>>) offsets(%dma_start3A_144 : memref<128xi32, #tpu.memory_space<vmem>>) semaphore(%run_scoped3A : memref<!tpu.dma_semaphore, #tpu.memory_space<semaphore_mem>>) {add = true}
          %dma_wait3A_148 = arith.constant 0 : i32
          %dma_wait3A_149 = tpu.memref_slice %arg9[%add3A_141, %dma_wait3A_148] : memref<16x128xi32, #tpu.memory_space<vmem>> -> memref<1x128xi32, #tpu.memory_space<vmem>>
          %dma_wait3A_150 = tpu.memref_squeeze %dma_wait3A_149 : memref<1x128xi32, #tpu.memory_space<vmem>> -> memref<128xi32, #tpu.memory_space<vmem>>
          %dma_wait3A_151 = arith.constant 0 : i32
          %dma_wait3A_152 = arith.constant 0 : i32
          %dma_wait3A_153 = tpu.memref_slice %arg12[%dma_wait3A_151, %dma_wait3A_152] : memref<10240x64xf32, #tpu.memory_space<vmem_shared>> -> memref<10240x64xf32, #tpu.memory_space<vmem_shared>>
          tpu.wait_indirect_dma semaphore(%run_scoped3A : memref<!tpu.dma_semaphore, #tpu.memory_space<semaphore_mem>>) src(%arg11 : memref<128x64xf32, #tpu.memory_space<vmem>>) dst(%dma_wait3A_153 : memref<10240x64xf32, #tpu.memory_space<vmem_shared>>)
          tpu.yield
        }) : () -> ()
      }
      %scan3A_111 = arith.constant 8 : i32
    }
    %scan3A_25 = arith.constant 5 : i32
    %barrier3A_26 = arith.constant 0 : index
    tpu.barrier barrier_id(%barrier3A_26)
    %mul3A_27 = arith.constant 640 : i32
    %mul3A_28 = arith.muli %arg1, %mul3A_27 : i32
    %add3A_29 = arith.constant 0 : i32
    %add3A_30 = arith.addi %mul3A_28, %add3A_29 : i32
    "tpu.region"() ({
      %run_scoped3A = tpu.sem_alloc : memref<!tpu.dma_semaphore, #tpu.memory_space<semaphore_mem>>
      %dma_start3A = arith.constant 0 : i32
      %dma_start3A_94 = tpu.memref_slice %arg12[%add3A_30, %dma_start3A] : memref<10240x64xf32, #tpu.memory_space<vmem_shared>> -> memref<128x64xf32, #tpu.memory_space<vmem_shared>>
      %dma_start3A_95 = arith.constant 0 : i32
      %dma_start3A_96 = tpu.memref_slice %arg12[%add3A_30, %dma_start3A_95] : memref<10240x64xf32, #tpu.memory_space<vmem_shared>> -> memref<128x64xf32, #tpu.memory_space<vmem_shared>>
      tpu.enqueue_dma source(%dma_start3A_96 : memref<128x64xf32, #tpu.memory_space<vmem_shared>>) target(%arg10 : memref<128x64xf32, #tpu.memory_space<vmem>>) target_semaphore(%run_scoped3A : memref<!tpu.dma_semaphore, #tpu.memory_space<semaphore_mem>>)
      %dma_wait3A = arith.constant 0 : i32
      %dma_wait3A_97 = tpu.memref_slice %arg12[%add3A_30, %dma_wait3A] : memref<10240x64xf32, #tpu.memory_space<vmem_shared>> -> memref<128x64xf32, #tpu.memory_space<vmem_shared>>
      %dma_wait3A_98 = arith.constant 0 : i32
      %dma_wait3A_99 = tpu.memref_slice %arg12[%add3A_30, %dma_wait3A_98] : memref<10240x64xf32, #tpu.memory_space<vmem_shared>> -> memref<128x64xf32, #tpu.memory_space<vmem_shared>>
      tpu.wait_dma2 semaphore(%run_scoped3A : memref<!tpu.dma_semaphore, #tpu.memory_space<semaphore_mem>>) src(%dma_wait3A_99 : memref<128x64xf32, #tpu.memory_space<vmem_shared>>) dst(%arg10 : memref<128x64xf32, #tpu.memory_space<vmem>>)
      tpu.yield
    }) : () -> ()
    %eq3A = arith.constant 0 : i32
    %eq3A_31 = arith.cmpi eq, %arg0, %eq3A : i32
    %convert_element_type3A = arith.extui %eq3A_31 : i1 to i32
    %cond3A = arith.constant 0 : i32
    %cond3A_32 = arith.cmpi ne, %convert_element_type3A, %cond3A : i32
    scf.if %cond3A_32 {
      "tpu.region"() ({
        %run_scoped3A = tpu.sem_alloc : memref<!tpu.dma_semaphore, #tpu.memory_space<semaphore_mem>>
        %dma_start3A = arith.constant 0 : i32
        %dma_start3A_94 = tpu.memref_slice %arg6[%add3A_30, %dma_start3A] : memref<10240x64xf32, #tpu.memory_space<hbm>> -> memref<128x64xf32, #tpu.memory_space<hbm>>
        %dma_start3A_95 = arith.constant 0 : i32
        %dma_start3A_96 = tpu.memref_slice %arg6[%add3A_30, %dma_start3A_95] : memref<10240x64xf32, #tpu.memory_space<hbm>> -> memref<128x64xf32, #tpu.memory_space<hbm>>
        tpu.enqueue_dma source(%arg10 : memref<128x64xf32, #tpu.memory_space<vmem>>) target(%dma_start3A_96 : memref<128x64xf32, #tpu.memory_space<hbm>>) target_semaphore(%run_scoped3A : memref<!tpu.dma_semaphore, #tpu.memory_space<semaphore_mem>>)
        %dma_wait3A = arith.constant 0 : i32
        %dma_wait3A_97 = tpu.memref_slice %arg6[%add3A_30, %dma_wait3A] : memref<10240x64xf32, #tpu.memory_space<hbm>> -> memref<128x64xf32, #tpu.memory_space<hbm>>
        %dma_wait3A_98 = arith.constant 0 : i32
        %dma_wait3A_99 = tpu.memref_slice %arg6[%add3A_30, %dma_wait3A_98] : memref<10240x64xf32, #tpu.memory_space<hbm>> -> memref<128x64xf32, #tpu.memory_space<hbm>>
        tpu.wait_dma2 semaphore(%run_scoped3A : memref<!tpu.dma_semaphore, #tpu.memory_space<semaphore_mem>>) src(%arg10 : memref<128x64xf32, #tpu.memory_space<vmem>>) dst(%dma_wait3A_99 : memref<128x64xf32, #tpu.memory_space<hbm>>)
        tpu.yield
      }) : () -> ()
    } else {
    }
    %eq3A_33 = arith.constant 1 : i32
    %eq3A_34 = arith.cmpi eq, %arg0, %eq3A_33 : i32
    %convert_element_type3A_35 = arith.extui %eq3A_34 : i1 to i32
    %cond3A_36 = arith.constant 0 : i32
    %cond3A_37 = arith.cmpi ne, %convert_element_type3A_35, %cond3A_36 : i32
    scf.if %cond3A_37 {
      "tpu.region"() ({
        %run_scoped3A = tpu.sem_alloc : memref<!tpu.dma_semaphore, #tpu.memory_space<semaphore_mem>>
        %dma_start3A = arith.constant 0 : i32
        %dma_start3A_94 = tpu.memref_slice %arg7[%add3A_30, %dma_start3A] : memref<10240x64xf32, #tpu.memory_space<hbm>> -> memref<128x64xf32, #tpu.memory_space<hbm>>
        %dma_start3A_95 = arith.constant 0 : i32
        %dma_start3A_96 = tpu.memref_slice %arg7[%add3A_30, %dma_start3A_95] : memref<10240x64xf32, #tpu.memory_space<hbm>> -> memref<128x64xf32, #tpu.memory_space<hbm>>
        tpu.enqueue_dma source(%arg10 : memref<128x64xf32, #tpu.memory_space<vmem>>) target(%dma_start3A_96 : memref<128x64xf32, #tpu.memory_space<hbm>>) target_semaphore(%run_scoped3A : memref<!tpu.dma_semaphore, #tpu.memory_space<semaphore_mem>>)
        %dma_wait3A = arith.constant 0 : i32
        %dma_wait3A_97 = tpu.memref_slice %arg7[%add3A_30, %dma_wait3A] : memref<10240x64xf32, #tpu.memory_space<hbm>> -> memref<128x64xf32, #tpu.memory_space<hbm>>
        %dma_wait3A_98 = arith.constant 0 : i32
        %dma_wait3A_99 = tpu.memref_slice %arg7[%add3A_30, %dma_wait3A_98] : memref<10240x64xf32, #tpu.memory_space<hbm>> -> memref<128x64xf32, #tpu.memory_space<hbm>>
        tpu.wait_dma2 semaphore(%run_scoped3A : memref<!tpu.dma_semaphore, #tpu.memory_space<semaphore_mem>>) src(%arg10 : memref<128x64xf32, #tpu.memory_space<vmem>>) dst(%dma_wait3A_99 : memref<128x64xf32, #tpu.memory_space<hbm>>)
        tpu.yield
      }) : () -> ()
    } else {
    }
    %mul3A_38 = arith.constant 640 : i32
    %mul3A_39 = arith.muli %arg1, %mul3A_38 : i32
    %add3A_40 = arith.constant 128 : i32
    %add3A_41 = arith.addi %mul3A_39, %add3A_40 : i32
    "tpu.region"() ({
      %run_scoped3A = tpu.sem_alloc : memref<!tpu.dma_semaphore, #tpu.memory_space<semaphore_mem>>
      %dma_start3A = arith.constant 0 : i32
      %dma_start3A_94 = tpu.memref_slice %arg12[%add3A_41, %dma_start3A] : memref<10240x64xf32, #tpu.memory_space<vmem_shared>> -> memref<128x64xf32, #tpu.memory_space<vmem_shared>>
      %dma_start3A_95 = arith.constant 0 : i32
      %dma_start3A_96 = tpu.memref_slice %arg12[%add3A_41, %dma_start3A_95] : memref<10240x64xf32, #tpu.memory_space<vmem_shared>> -> memref<128x64xf32, #tpu.memory_space<vmem_shared>>
      tpu.enqueue_dma source(%dma_start3A_96 : memref<128x64xf32, #tpu.memory_space<vmem_shared>>) target(%arg10 : memref<128x64xf32, #tpu.memory_space<vmem>>) target_semaphore(%run_scoped3A : memref<!tpu.dma_semaphore, #tpu.memory_space<semaphore_mem>>)
      %dma_wait3A = arith.constant 0 : i32
      %dma_wait3A_97 = tpu.memref_slice %arg12[%add3A_41, %dma_wait3A] : memref<10240x64xf32, #tpu.memory_space<vmem_shared>> -> memref<128x64xf32, #tpu.memory_space<vmem_shared>>
      %dma_wait3A_98 = arith.constant 0 : i32
      %dma_wait3A_99 = tpu.memref_slice %arg12[%add3A_41, %dma_wait3A_98] : memref<10240x64xf32, #tpu.memory_space<vmem_shared>> -> memref<128x64xf32, #tpu.memory_space<vmem_shared>>
      tpu.wait_dma2 semaphore(%run_scoped3A : memref<!tpu.dma_semaphore, #tpu.memory_space<semaphore_mem>>) src(%dma_wait3A_99 : memref<128x64xf32, #tpu.memory_space<vmem_shared>>) dst(%arg10 : memref<128x64xf32, #tpu.memory_space<vmem>>)
      tpu.yield
    }) : () -> ()
    %eq3A_42 = arith.constant 0 : i32
    %eq3A_43 = arith.cmpi eq, %arg0, %eq3A_42 : i32
    %convert_element_type3A_44 = arith.extui %eq3A_43 : i1 to i32
    %cond3A_45 = arith.constant 0 : i32
    %cond3A_46 = arith.cmpi ne, %convert_element_type3A_44, %cond3A_45 : i32
    scf.if %cond3A_46 {
      "tpu.region"() ({
        %run_scoped3A = tpu.sem_alloc : memref<!tpu.dma_semaphore, #tpu.memory_space<semaphore_mem>>
        %dma_start3A = arith.constant 0 : i32
        %dma_start3A_94 = tpu.memref_slice %arg6[%add3A_41, %dma_start3A] : memref<10240x64xf32, #tpu.memory_space<hbm>> -> memref<128x64xf32, #tpu.memory_space<hbm>>
        %dma_start3A_95 = arith.constant 0 : i32
        %dma_start3A_96 = tpu.memref_slice %arg6[%add3A_41, %dma_start3A_95] : memref<10240x64xf32, #tpu.memory_space<hbm>> -> memref<128x64xf32, #tpu.memory_space<hbm>>
        tpu.enqueue_dma source(%arg10 : memref<128x64xf32, #tpu.memory_space<vmem>>) target(%dma_start3A_96 : memref<128x64xf32, #tpu.memory_space<hbm>>) target_semaphore(%run_scoped3A : memref<!tpu.dma_semaphore, #tpu.memory_space<semaphore_mem>>)
        %dma_wait3A = arith.constant 0 : i32
        %dma_wait3A_97 = tpu.memref_slice %arg6[%add3A_41, %dma_wait3A] : memref<10240x64xf32, #tpu.memory_space<hbm>> -> memref<128x64xf32, #tpu.memory_space<hbm>>
        %dma_wait3A_98 = arith.constant 0 : i32
        %dma_wait3A_99 = tpu.memref_slice %arg6[%add3A_41, %dma_wait3A_98] : memref<10240x64xf32, #tpu.memory_space<hbm>> -> memref<128x64xf32, #tpu.memory_space<hbm>>
        tpu.wait_dma2 semaphore(%run_scoped3A : memref<!tpu.dma_semaphore, #tpu.memory_space<semaphore_mem>>) src(%arg10 : memref<128x64xf32, #tpu.memory_space<vmem>>) dst(%dma_wait3A_99 : memref<128x64xf32, #tpu.memory_space<hbm>>)
        tpu.yield
      }) : () -> ()
    } else {
    }
    %eq3A_47 = arith.constant 1 : i32
    %eq3A_48 = arith.cmpi eq, %arg0, %eq3A_47 : i32
    %convert_element_type3A_49 = arith.extui %eq3A_48 : i1 to i32
    %cond3A_50 = arith.constant 0 : i32
    %cond3A_51 = arith.cmpi ne, %convert_element_type3A_49, %cond3A_50 : i32
    scf.if %cond3A_51 {
      "tpu.region"() ({
        %run_scoped3A = tpu.sem_alloc : memref<!tpu.dma_semaphore, #tpu.memory_space<semaphore_mem>>
        %dma_start3A = arith.constant 0 : i32
        %dma_start3A_94 = tpu.memref_slice %arg7[%add3A_41, %dma_start3A] : memref<10240x64xf32, #tpu.memory_space<hbm>> -> memref<128x64xf32, #tpu.memory_space<hbm>>
        %dma_start3A_95 = arith.constant 0 : i32
        %dma_start3A_96 = tpu.memref_slice %arg7[%add3A_41, %dma_start3A_95] : memref<10240x64xf32, #tpu.memory_space<hbm>> -> memref<128x64xf32, #tpu.memory_space<hbm>>
        tpu.enqueue_dma source(%arg10 : memref<128x64xf32, #tpu.memory_space<vmem>>) target(%dma_start3A_96 : memref<128x64xf32, #tpu.memory_space<hbm>>) target_semaphore(%run_scoped3A : memref<!tpu.dma_semaphore, #tpu.memory_space<semaphore_mem>>)
        %dma_wait3A = arith.constant 0 : i32
        %dma_wait3A_97 = tpu.memref_slice %arg7[%add3A_41, %dma_wait3A] : memref<10240x64xf32, #tpu.memory_space<hbm>> -> memref<128x64xf32, #tpu.memory_space<hbm>>
        %dma_wait3A_98 = arith.constant 0 : i32
        %dma_wait3A_99 = tpu.memref_slice %arg7[%add3A_41, %dma_wait3A_98] : memref<10240x64xf32, #tpu.memory_space<hbm>> -> memref<128x64xf32, #tpu.memory_space<hbm>>
        tpu.wait_dma2 semaphore(%run_scoped3A : memref<!tpu.dma_semaphore, #tpu.memory_space<semaphore_mem>>) src(%arg10 : memref<128x64xf32, #tpu.memory_space<vmem>>) dst(%dma_wait3A_99 : memref<128x64xf32, #tpu.memory_space<hbm>>)
        tpu.yield
      }) : () -> ()
    } else {
    }
    %mul3A_52 = arith.constant 640 : i32
    %mul3A_53 = arith.muli %arg1, %mul3A_52 : i32
    %add3A_54 = arith.constant 256 : i32
    %add3A_55 = arith.addi %mul3A_53, %add3A_54 : i32
    "tpu.region"() ({
      %run_scoped3A = tpu.sem_alloc : memref<!tpu.dma_semaphore, #tpu.memory_space<semaphore_mem>>
      %dma_start3A = arith.constant 0 : i32
      %dma_start3A_94 = tpu.memref_slice %arg12[%add3A_55, %dma_start3A] : memref<10240x64xf32, #tpu.memory_space<vmem_shared>> -> memref<128x64xf32, #tpu.memory_space<vmem_shared>>
      %dma_start3A_95 = arith.constant 0 : i32
      %dma_start3A_96 = tpu.memref_slice %arg12[%add3A_55, %dma_start3A_95] : memref<10240x64xf32, #tpu.memory_space<vmem_shared>> -> memref<128x64xf32, #tpu.memory_space<vmem_shared>>
      tpu.enqueue_dma source(%dma_start3A_96 : memref<128x64xf32, #tpu.memory_space<vmem_shared>>) target(%arg10 : memref<128x64xf32, #tpu.memory_space<vmem>>) target_semaphore(%run_scoped3A : memref<!tpu.dma_semaphore, #tpu.memory_space<semaphore_mem>>)
      %dma_wait3A = arith.constant 0 : i32
      %dma_wait3A_97 = tpu.memref_slice %arg12[%add3A_55, %dma_wait3A] : memref<10240x64xf32, #tpu.memory_space<vmem_shared>> -> memref<128x64xf32, #tpu.memory_space<vmem_shared>>
      %dma_wait3A_98 = arith.constant 0 : i32
      %dma_wait3A_99 = tpu.memref_slice %arg12[%add3A_55, %dma_wait3A_98] : memref<10240x64xf32, #tpu.memory_space<vmem_shared>> -> memref<128x64xf32, #tpu.memory_space<vmem_shared>>
      tpu.wait_dma2 semaphore(%run_scoped3A : memref<!tpu.dma_semaphore, #tpu.memory_space<semaphore_mem>>) src(%dma_wait3A_99 : memref<128x64xf32, #tpu.memory_space<vmem_shared>>) dst(%arg10 : memref<128x64xf32, #tpu.memory_space<vmem>>)
      tpu.yield
    }) : () -> ()
    %eq3A_56 = arith.constant 0 : i32
    %eq3A_57 = arith.cmpi eq, %arg0, %eq3A_56 : i32
    %convert_element_type3A_58 = arith.extui %eq3A_57 : i1 to i32
    %cond3A_59 = arith.constant 0 : i32
    %cond3A_60 = arith.cmpi ne, %convert_element_type3A_58, %cond3A_59 : i32
    scf.if %cond3A_60 {
      "tpu.region"() ({
        %run_scoped3A = tpu.sem_alloc : memref<!tpu.dma_semaphore, #tpu.memory_space<semaphore_mem>>
        %dma_start3A = arith.constant 0 : i32
        %dma_start3A_94 = tpu.memref_slice %arg6[%add3A_55, %dma_start3A] : memref<10240x64xf32, #tpu.memory_space<hbm>> -> memref<128x64xf32, #tpu.memory_space<hbm>>
        %dma_start3A_95 = arith.constant 0 : i32
        %dma_start3A_96 = tpu.memref_slice %arg6[%add3A_55, %dma_start3A_95] : memref<10240x64xf32, #tpu.memory_space<hbm>> -> memref<128x64xf32, #tpu.memory_space<hbm>>
        tpu.enqueue_dma source(%arg10 : memref<128x64xf32, #tpu.memory_space<vmem>>) target(%dma_start3A_96 : memref<128x64xf32, #tpu.memory_space<hbm>>) target_semaphore(%run_scoped3A : memref<!tpu.dma_semaphore, #tpu.memory_space<semaphore_mem>>)
        %dma_wait3A = arith.constant 0 : i32
        %dma_wait3A_97 = tpu.memref_slice %arg6[%add3A_55, %dma_wait3A] : memref<10240x64xf32, #tpu.memory_space<hbm>> -> memref<128x64xf32, #tpu.memory_space<hbm>>
        %dma_wait3A_98 = arith.constant 0 : i32
        %dma_wait3A_99 = tpu.memref_slice %arg6[%add3A_55, %dma_wait3A_98] : memref<10240x64xf32, #tpu.memory_space<hbm>> -> memref<128x64xf32, #tpu.memory_space<hbm>>
        tpu.wait_dma2 semaphore(%run_scoped3A : memref<!tpu.dma_semaphore, #tpu.memory_space<semaphore_mem>>) src(%arg10 : memref<128x64xf32, #tpu.memory_space<vmem>>) dst(%dma_wait3A_99 : memref<128x64xf32, #tpu.memory_space<hbm>>)
        tpu.yield
      }) : () -> ()
    } else {
    }
    %eq3A_61 = arith.constant 1 : i32
    %eq3A_62 = arith.cmpi eq, %arg0, %eq3A_61 : i32
    %convert_element_type3A_63 = arith.extui %eq3A_62 : i1 to i32
    %cond3A_64 = arith.constant 0 : i32
    %cond3A_65 = arith.cmpi ne, %convert_element_type3A_63, %cond3A_64 : i32
    scf.if %cond3A_65 {
      "tpu.region"() ({
        %run_scoped3A = tpu.sem_alloc : memref<!tpu.dma_semaphore, #tpu.memory_space<semaphore_mem>>
        %dma_start3A = arith.constant 0 : i32
        %dma_start3A_94 = tpu.memref_slice %arg7[%add3A_55, %dma_start3A] : memref<10240x64xf32, #tpu.memory_space<hbm>> -> memref<128x64xf32, #tpu.memory_space<hbm>>
        %dma_start3A_95 = arith.constant 0 : i32
        %dma_start3A_96 = tpu.memref_slice %arg7[%add3A_55, %dma_start3A_95] : memref<10240x64xf32, #tpu.memory_space<hbm>> -> memref<128x64xf32, #tpu.memory_space<hbm>>
        tpu.enqueue_dma source(%arg10 : memref<128x64xf32, #tpu.memory_space<vmem>>) target(%dma_start3A_96 : memref<128x64xf32, #tpu.memory_space<hbm>>) target_semaphore(%run_scoped3A : memref<!tpu.dma_semaphore, #tpu.memory_space<semaphore_mem>>)
        %dma_wait3A = arith.constant 0 : i32
        %dma_wait3A_97 = tpu.memref_slice %arg7[%add3A_55, %dma_wait3A] : memref<10240x64xf32, #tpu.memory_space<hbm>> -> memref<128x64xf32, #tpu.memory_space<hbm>>
        %dma_wait3A_98 = arith.constant 0 : i32
        %dma_wait3A_99 = tpu.memref_slice %arg7[%add3A_55, %dma_wait3A_98] : memref<10240x64xf32, #tpu.memory_space<hbm>> -> memref<128x64xf32, #tpu.memory_space<hbm>>
        tpu.wait_dma2 semaphore(%run_scoped3A : memref<!tpu.dma_semaphore, #tpu.memory_space<semaphore_mem>>) src(%arg10 : memref<128x64xf32, #tpu.memory_space<vmem>>) dst(%dma_wait3A_99 : memref<128x64xf32, #tpu.memory_space<hbm>>)
        tpu.yield
      }) : () -> ()
    } else {
    }
    %mul3A_66 = arith.constant 640 : i32
    %mul3A_67 = arith.muli %arg1, %mul3A_66 : i32
    %add3A_68 = arith.constant 384 : i32
    %add3A_69 = arith.addi %mul3A_67, %add3A_68 : i32
    "tpu.region"() ({
      %run_scoped3A = tpu.sem_alloc : memref<!tpu.dma_semaphore, #tpu.memory_space<semaphore_mem>>
      %dma_start3A = arith.constant 0 : i32
      %dma_start3A_94 = tpu.memref_slice %arg12[%add3A_69, %dma_start3A] : memref<10240x64xf32, #tpu.memory_space<vmem_shared>> -> memref<128x64xf32, #tpu.memory_space<vmem_shared>>
      %dma_start3A_95 = arith.constant 0 : i32
      %dma_start3A_96 = tpu.memref_slice %arg12[%add3A_69, %dma_start3A_95] : memref<10240x64xf32, #tpu.memory_space<vmem_shared>> -> memref<128x64xf32, #tpu.memory_space<vmem_shared>>
      tpu.enqueue_dma source(%dma_start3A_96 : memref<128x64xf32, #tpu.memory_space<vmem_shared>>) target(%arg10 : memref<128x64xf32, #tpu.memory_space<vmem>>) target_semaphore(%run_scoped3A : memref<!tpu.dma_semaphore, #tpu.memory_space<semaphore_mem>>)
      %dma_wait3A = arith.constant 0 : i32
      %dma_wait3A_97 = tpu.memref_slice %arg12[%add3A_69, %dma_wait3A] : memref<10240x64xf32, #tpu.memory_space<vmem_shared>> -> memref<128x64xf32, #tpu.memory_space<vmem_shared>>
      %dma_wait3A_98 = arith.constant 0 : i32
      %dma_wait3A_99 = tpu.memref_slice %arg12[%add3A_69, %dma_wait3A_98] : memref<10240x64xf32, #tpu.memory_space<vmem_shared>> -> memref<128x64xf32, #tpu.memory_space<vmem_shared>>
      tpu.wait_dma2 semaphore(%run_scoped3A : memref<!tpu.dma_semaphore, #tpu.memory_space<semaphore_mem>>) src(%dma_wait3A_99 : memref<128x64xf32, #tpu.memory_space<vmem_shared>>) dst(%arg10 : memref<128x64xf32, #tpu.memory_space<vmem>>)
      tpu.yield
    }) : () -> ()
    %eq3A_70 = arith.constant 0 : i32
    %eq3A_71 = arith.cmpi eq, %arg0, %eq3A_70 : i32
    %convert_element_type3A_72 = arith.extui %eq3A_71 : i1 to i32
    %cond3A_73 = arith.constant 0 : i32
    %cond3A_74 = arith.cmpi ne, %convert_element_type3A_72, %cond3A_73 : i32
    scf.if %cond3A_74 {
      "tpu.region"() ({
        %run_scoped3A = tpu.sem_alloc : memref<!tpu.dma_semaphore, #tpu.memory_space<semaphore_mem>>
        %dma_start3A = arith.constant 0 : i32
        %dma_start3A_94 = tpu.memref_slice %arg6[%add3A_69, %dma_start3A] : memref<10240x64xf32, #tpu.memory_space<hbm>> -> memref<128x64xf32, #tpu.memory_space<hbm>>
        %dma_start3A_95 = arith.constant 0 : i32
        %dma_start3A_96 = tpu.memref_slice %arg6[%add3A_69, %dma_start3A_95] : memref<10240x64xf32, #tpu.memory_space<hbm>> -> memref<128x64xf32, #tpu.memory_space<hbm>>
        tpu.enqueue_dma source(%arg10 : memref<128x64xf32, #tpu.memory_space<vmem>>) target(%dma_start3A_96 : memref<128x64xf32, #tpu.memory_space<hbm>>) target_semaphore(%run_scoped3A : memref<!tpu.dma_semaphore, #tpu.memory_space<semaphore_mem>>)
        %dma_wait3A = arith.constant 0 : i32
        %dma_wait3A_97 = tpu.memref_slice %arg6[%add3A_69, %dma_wait3A] : memref<10240x64xf32, #tpu.memory_space<hbm>> -> memref<128x64xf32, #tpu.memory_space<hbm>>
        %dma_wait3A_98 = arith.constant 0 : i32
        %dma_wait3A_99 = tpu.memref_slice %arg6[%add3A_69, %dma_wait3A_98] : memref<10240x64xf32, #tpu.memory_space<hbm>> -> memref<128x64xf32, #tpu.memory_space<hbm>>
        tpu.wait_dma2 semaphore(%run_scoped3A : memref<!tpu.dma_semaphore, #tpu.memory_space<semaphore_mem>>) src(%arg10 : memref<128x64xf32, #tpu.memory_space<vmem>>) dst(%dma_wait3A_99 : memref<128x64xf32, #tpu.memory_space<hbm>>)
        tpu.yield
      }) : () -> ()
    } else {
    }
    %eq3A_75 = arith.constant 1 : i32
    %eq3A_76 = arith.cmpi eq, %arg0, %eq3A_75 : i32
    %convert_element_type3A_77 = arith.extui %eq3A_76 : i1 to i32
    %cond3A_78 = arith.constant 0 : i32
    %cond3A_79 = arith.cmpi ne, %convert_element_type3A_77, %cond3A_78 : i32
    scf.if %cond3A_79 {
      "tpu.region"() ({
        %run_scoped3A = tpu.sem_alloc : memref<!tpu.dma_semaphore, #tpu.memory_space<semaphore_mem>>
        %dma_start3A = arith.constant 0 : i32
        %dma_start3A_94 = tpu.memref_slice %arg7[%add3A_69, %dma_start3A] : memref<10240x64xf32, #tpu.memory_space<hbm>> -> memref<128x64xf32, #tpu.memory_space<hbm>>
        %dma_start3A_95 = arith.constant 0 : i32
        %dma_start3A_96 = tpu.memref_slice %arg7[%add3A_69, %dma_start3A_95] : memref<10240x64xf32, #tpu.memory_space<hbm>> -> memref<128x64xf32, #tpu.memory_space<hbm>>
        tpu.enqueue_dma source(%arg10 : memref<128x64xf32, #tpu.memory_space<vmem>>) target(%dma_start3A_96 : memref<128x64xf32, #tpu.memory_space<hbm>>) target_semaphore(%run_scoped3A : memref<!tpu.dma_semaphore, #tpu.memory_space<semaphore_mem>>)
        %dma_wait3A = arith.constant 0 : i32
        %dma_wait3A_97 = tpu.memref_slice %arg7[%add3A_69, %dma_wait3A] : memref<10240x64xf32, #tpu.memory_space<hbm>> -> memref<128x64xf32, #tpu.memory_space<hbm>>
        %dma_wait3A_98 = arith.constant 0 : i32
        %dma_wait3A_99 = tpu.memref_slice %arg7[%add3A_69, %dma_wait3A_98] : memref<10240x64xf32, #tpu.memory_space<hbm>> -> memref<128x64xf32, #tpu.memory_space<hbm>>
        tpu.wait_dma2 semaphore(%run_scoped3A : memref<!tpu.dma_semaphore, #tpu.memory_space<semaphore_mem>>) src(%arg10 : memref<128x64xf32, #tpu.memory_space<vmem>>) dst(%dma_wait3A_99 : memref<128x64xf32, #tpu.memory_space<hbm>>)
        tpu.yield
      }) : () -> ()
    } else {
    }
    %mul3A_80 = arith.constant 640 : i32
    %mul3A_81 = arith.muli %arg1, %mul3A_80 : i32
    %add3A_82 = arith.constant 512 : i32
    %add3A_83 = arith.addi %mul3A_81, %add3A_82 : i32
    "tpu.region"() ({
      %run_scoped3A = tpu.sem_alloc : memref<!tpu.dma_semaphore, #tpu.memory_space<semaphore_mem>>
      %dma_start3A = arith.constant 0 : i32
      %dma_start3A_94 = tpu.memref_slice %arg12[%add3A_83, %dma_start3A] : memref<10240x64xf32, #tpu.memory_space<vmem_shared>> -> memref<128x64xf32, #tpu.memory_space<vmem_shared>>
      %dma_start3A_95 = arith.constant 0 : i32
      %dma_start3A_96 = tpu.memref_slice %arg12[%add3A_83, %dma_start3A_95] : memref<10240x64xf32, #tpu.memory_space<vmem_shared>> -> memref<128x64xf32, #tpu.memory_space<vmem_shared>>
      tpu.enqueue_dma source(%dma_start3A_96 : memref<128x64xf32, #tpu.memory_space<vmem_shared>>) target(%arg10 : memref<128x64xf32, #tpu.memory_space<vmem>>) target_semaphore(%run_scoped3A : memref<!tpu.dma_semaphore, #tpu.memory_space<semaphore_mem>>)
      %dma_wait3A = arith.constant 0 : i32
      %dma_wait3A_97 = tpu.memref_slice %arg12[%add3A_83, %dma_wait3A] : memref<10240x64xf32, #tpu.memory_space<vmem_shared>> -> memref<128x64xf32, #tpu.memory_space<vmem_shared>>
      %dma_wait3A_98 = arith.constant 0 : i32
      %dma_wait3A_99 = tpu.memref_slice %arg12[%add3A_83, %dma_wait3A_98] : memref<10240x64xf32, #tpu.memory_space<vmem_shared>> -> memref<128x64xf32, #tpu.memory_space<vmem_shared>>
      tpu.wait_dma2 semaphore(%run_scoped3A : memref<!tpu.dma_semaphore, #tpu.memory_space<semaphore_mem>>) src(%dma_wait3A_99 : memref<128x64xf32, #tpu.memory_space<vmem_shared>>) dst(%arg10 : memref<128x64xf32, #tpu.memory_space<vmem>>)
      tpu.yield
    }) : () -> ()
    %eq3A_84 = arith.constant 0 : i32
    %eq3A_85 = arith.cmpi eq, %arg0, %eq3A_84 : i32
    %convert_element_type3A_86 = arith.extui %eq3A_85 : i1 to i32
    %cond3A_87 = arith.constant 0 : i32
    %cond3A_88 = arith.cmpi ne, %convert_element_type3A_86, %cond3A_87 : i32
    scf.if %cond3A_88 {
      "tpu.region"() ({
        %run_scoped3A = tpu.sem_alloc : memref<!tpu.dma_semaphore, #tpu.memory_space<semaphore_mem>>
        %dma_start3A = arith.constant 0 : i32
        %dma_start3A_94 = tpu.memref_slice %arg6[%add3A_83, %dma_start3A] : memref<10240x64xf32, #tpu.memory_space<hbm>> -> memref<128x64xf32, #tpu.memory_space<hbm>>
        %dma_start3A_95 = arith.constant 0 : i32
        %dma_start3A_96 = tpu.memref_slice %arg6[%add3A_83, %dma_start3A_95] : memref<10240x64xf32, #tpu.memory_space<hbm>> -> memref<128x64xf32, #tpu.memory_space<hbm>>
        tpu.enqueue_dma source(%arg10 : memref<128x64xf32, #tpu.memory_space<vmem>>) target(%dma_start3A_96 : memref<128x64xf32, #tpu.memory_space<hbm>>) target_semaphore(%run_scoped3A : memref<!tpu.dma_semaphore, #tpu.memory_space<semaphore_mem>>)
        %dma_wait3A = arith.constant 0 : i32
        %dma_wait3A_97 = tpu.memref_slice %arg6[%add3A_83, %dma_wait3A] : memref<10240x64xf32, #tpu.memory_space<hbm>> -> memref<128x64xf32, #tpu.memory_space<hbm>>
        %dma_wait3A_98 = arith.constant 0 : i32
        %dma_wait3A_99 = tpu.memref_slice %arg6[%add3A_83, %dma_wait3A_98] : memref<10240x64xf32, #tpu.memory_space<hbm>> -> memref<128x64xf32, #tpu.memory_space<hbm>>
        tpu.wait_dma2 semaphore(%run_scoped3A : memref<!tpu.dma_semaphore, #tpu.memory_space<semaphore_mem>>) src(%arg10 : memref<128x64xf32, #tpu.memory_space<vmem>>) dst(%dma_wait3A_99 : memref<128x64xf32, #tpu.memory_space<hbm>>)
        tpu.yield
      }) : () -> ()
    } else {
    }
    %eq3A_89 = arith.constant 1 : i32
    %eq3A_90 = arith.cmpi eq, %arg0, %eq3A_89 : i32
    %convert_element_type3A_91 = arith.extui %eq3A_90 : i1 to i32
    %cond3A_92 = arith.constant 0 : i32
    %cond3A_93 = arith.cmpi ne, %convert_element_type3A_91, %cond3A_92 : i32
    scf.if %cond3A_93 {
      "tpu.region"() ({
        %run_scoped3A = tpu.sem_alloc : memref<!tpu.dma_semaphore, #tpu.memory_space<semaphore_mem>>
        %dma_start3A = arith.constant 0 : i32
        %dma_start3A_94 = tpu.memref_slice %arg7[%add3A_83, %dma_start3A] : memref<10240x64xf32, #tpu.memory_space<hbm>> -> memref<128x64xf32, #tpu.memory_space<hbm>>
        %dma_start3A_95 = arith.constant 0 : i32
        %dma_start3A_96 = tpu.memref_slice %arg7[%add3A_83, %dma_start3A_95] : memref<10240x64xf32, #tpu.memory_space<hbm>> -> memref<128x64xf32, #tpu.memory_space<hbm>>
        tpu.enqueue_dma source(%arg10 : memref<128x64xf32, #tpu.memory_space<vmem>>) target(%dma_start3A_96 : memref<128x64xf32, #tpu.memory_space<hbm>>) target_semaphore(%run_scoped3A : memref<!tpu.dma_semaphore, #tpu.memory_space<semaphore_mem>>)
        %dma_wait3A = arith.constant 0 : i32
        %dma_wait3A_97 = tpu.memref_slice %arg7[%add3A_83, %dma_wait3A] : memref<10240x64xf32, #tpu.memory_space<hbm>> -> memref<128x64xf32, #tpu.memory_space<hbm>>
        %dma_wait3A_98 = arith.constant 0 : i32
        %dma_wait3A_99 = tpu.memref_slice %arg7[%add3A_83, %dma_wait3A_98] : memref<10240x64xf32, #tpu.memory_space<hbm>> -> memref<128x64xf32, #tpu.memory_space<hbm>>
        tpu.wait_dma2 semaphore(%run_scoped3A : memref<!tpu.dma_semaphore, #tpu.memory_space<semaphore_mem>>) src(%arg10 : memref<128x64xf32, #tpu.memory_space<vmem>>) dst(%dma_wait3A_99 : memref<128x64xf32, #tpu.memory_space<hbm>>)
        tpu.yield
      }) : () -> ()
    } else {
    }
    return
  }
}

#map = affine_map<(d0, d1) -> (0, 0)>
#map1 = affine_map<(d0, d1) -> (0)>
module attributes {stable_mosaic.version = 14 : i64} {
  func.func @deg(%arg0: i32, %arg1: i32, %arg2: memref<2560x128xi32, #tpu.memory_space<hbm>>, %arg3: memref<128xf32, #tpu.memory_space<hbm>>, %arg4: memref<640xf32, #tpu.memory_space<hbm>>, %arg5: memref<10240xf32, #tpu.memory_space<hbm>>, %arg6: memref<10240xf32, #tpu.memory_space<hbm>>, %arg7: memref<80x128xi32, #tpu.memory_space<vmem>>, %arg8: memref<128xf32, #tpu.memory_space<vmem>>, %arg9: memref<640xf32, #tpu.memory_space<vmem>>, %arg10: memref<10240xf32, #tpu.memory_space<vmem_shared>>, %arg11: memref<!tpu.dma_semaphore, #tpu.memory_space<semaphore_mem>>) attributes {dimension_semantics = [#tpu.dimension_semantics<core_parallel>, #tpu.dimension_semantics<subcore_parallel>], iteration_bounds = array<i64: 2, 16>, scalar_prefetch = 0 : i64, scratch_operands = 5 : i64, tpu.core_type = #tpu.core_type<sc_vector_subcore>, window_params = [{transform_indices = #map}, {transform_indices = #map1}, {transform_indices = #map1}, {transform_indices = #map1}, {transform_indices = #map1}]} {
    %mul3A = arith.constant 16 : i32
    %mul3A_0 = arith.muli %arg0, %mul3A : i32
    %add3A = arith.addi %mul3A_0, %arg1 : i32
    %mul3A_1 = arith.constant 80 : i32
    %mul3A_2 = arith.muli %add3A, %mul3A_1 : i32
    "tpu.region"() ({
      %run_scoped3A = tpu.sem_alloc : memref<!tpu.dma_semaphore, #tpu.memory_space<semaphore_mem>>
      %dma_start3A = arith.constant 0 : i32
      %dma_start3A_26 = tpu.memref_slice %arg2[%mul3A_2, %dma_start3A] : memref<2560x128xi32, #tpu.memory_space<hbm>> -> memref<80x128xi32, #tpu.memory_space<hbm>>
      %dma_start3A_27 = arith.constant 0 : i32
      %dma_start3A_28 = tpu.memref_slice %arg2[%mul3A_2, %dma_start3A_27] : memref<2560x128xi32, #tpu.memory_space<hbm>> -> memref<80x128xi32, #tpu.memory_space<hbm>>
      tpu.enqueue_dma source(%dma_start3A_28 : memref<80x128xi32, #tpu.memory_space<hbm>>) target(%arg7 : memref<80x128xi32, #tpu.memory_space<vmem>>) target_semaphore(%run_scoped3A : memref<!tpu.dma_semaphore, #tpu.memory_space<semaphore_mem>>)
      %dma_wait3A = arith.constant 0 : i32
      %dma_wait3A_29 = tpu.memref_slice %arg2[%mul3A_2, %dma_wait3A] : memref<2560x128xi32, #tpu.memory_space<hbm>> -> memref<80x128xi32, #tpu.memory_space<hbm>>
      %dma_wait3A_30 = arith.constant 0 : i32
      %dma_wait3A_31 = tpu.memref_slice %arg2[%mul3A_2, %dma_wait3A_30] : memref<2560x128xi32, #tpu.memory_space<hbm>> -> memref<80x128xi32, #tpu.memory_space<hbm>>
      tpu.wait_dma2 semaphore(%run_scoped3A : memref<!tpu.dma_semaphore, #tpu.memory_space<semaphore_mem>>) src(%dma_wait3A_31 : memref<80x128xi32, #tpu.memory_space<hbm>>) dst(%arg7 : memref<80x128xi32, #tpu.memory_space<vmem>>)
      tpu.yield
    }) : () -> ()
    "tpu.region"() ({
      %run_scoped3A = tpu.sem_alloc : memref<!tpu.dma_semaphore, #tpu.memory_space<semaphore_mem>>
      tpu.enqueue_dma source(%arg3 : memref<128xf32, #tpu.memory_space<hbm>>) target(%arg8 : memref<128xf32, #tpu.memory_space<vmem>>) target_semaphore(%run_scoped3A : memref<!tpu.dma_semaphore, #tpu.memory_space<semaphore_mem>>)
      tpu.wait_dma2 semaphore(%run_scoped3A : memref<!tpu.dma_semaphore, #tpu.memory_space<semaphore_mem>>) src(%arg3 : memref<128xf32, #tpu.memory_space<hbm>>) dst(%arg8 : memref<128xf32, #tpu.memory_space<vmem>>)
      tpu.yield
    }) : () -> ()
    "tpu.region"() ({
      %run_scoped3A = tpu.sem_alloc : memref<!tpu.dma_semaphore, #tpu.memory_space<semaphore_mem>>
      tpu.enqueue_dma source(%arg4 : memref<640xf32, #tpu.memory_space<hbm>>) target(%arg9 : memref<640xf32, #tpu.memory_space<vmem>>) target_semaphore(%run_scoped3A : memref<!tpu.dma_semaphore, #tpu.memory_space<semaphore_mem>>)
      tpu.wait_dma2 semaphore(%run_scoped3A : memref<!tpu.dma_semaphore, #tpu.memory_space<semaphore_mem>>) src(%arg4 : memref<640xf32, #tpu.memory_space<hbm>>) dst(%arg9 : memref<640xf32, #tpu.memory_space<vmem>>)
      tpu.yield
    }) : () -> ()
    %mul3A_3 = arith.constant 640 : i32
    %mul3A_4 = arith.muli %arg1, %mul3A_3 : i32
    "tpu.region"() ({
      %run_scoped3A = tpu.sem_alloc : memref<!tpu.dma_semaphore, #tpu.memory_space<semaphore_mem>>
      %dma_start3A = tpu.memref_slice %arg10[%mul3A_4] : memref<10240xf32, #tpu.memory_space<vmem_shared>> -> memref<640xf32, #tpu.memory_space<vmem_shared>>
      %dma_start3A_26 = tpu.memref_slice %arg10[%mul3A_4] : memref<10240xf32, #tpu.memory_space<vmem_shared>> -> memref<640xf32, #tpu.memory_space<vmem_shared>>
      tpu.enqueue_dma source(%arg9 : memref<640xf32, #tpu.memory_space<vmem>>) target(%dma_start3A_26 : memref<640xf32, #tpu.memory_space<vmem_shared>>) target_semaphore(%run_scoped3A : memref<!tpu.dma_semaphore, #tpu.memory_space<semaphore_mem>>)
      %dma_wait3A = tpu.memref_slice %arg10[%mul3A_4] : memref<10240xf32, #tpu.memory_space<vmem_shared>> -> memref<640xf32, #tpu.memory_space<vmem_shared>>
      %dma_wait3A_27 = tpu.memref_slice %arg10[%mul3A_4] : memref<10240xf32, #tpu.memory_space<vmem_shared>> -> memref<640xf32, #tpu.memory_space<vmem_shared>>
      tpu.wait_dma2 semaphore(%run_scoped3A : memref<!tpu.dma_semaphore, #tpu.memory_space<semaphore_mem>>) src(%arg9 : memref<640xf32, #tpu.memory_space<vmem>>) dst(%dma_wait3A_27 : memref<640xf32, #tpu.memory_space<vmem_shared>>)
      tpu.yield
    }) : () -> ()
    %barrier3A = arith.constant 0 : index
    tpu.barrier barrier_id(%barrier3A)
    %scan3A = arith.constant 0 : i32
    %scan3A_5 = arith.constant 0 : i32
    %scan3A_6 = arith.constant 80 : i32
    %scan3A_7 = arith.addi %scan3A_5, %scan3A_6 : i32
    %scan3A_8 = arith.constant 1 : i32
    scf.for %scan3A_26 = %scan3A_5 to %scan3A_7 step %scan3A_8  : i32 {
      %dma_start3A = arith.constant 0 : i32
      %dma_start3A_27 = tpu.memref_slice %arg7[%scan3A_26, %dma_start3A] : memref<80x128xi32, #tpu.memory_space<vmem>> -> memref<1x128xi32, #tpu.memory_space<vmem>>
      %dma_start3A_28 = tpu.memref_squeeze %dma_start3A_27 : memref<1x128xi32, #tpu.memory_space<vmem>> -> memref<128xi32, #tpu.memory_space<vmem>>
      %dma_start3A_29 = arith.constant 0 : i32
      %dma_start3A_30 = tpu.memref_slice %arg10[%dma_start3A_29] : memref<10240xf32, #tpu.memory_space<vmem_shared>> -> memref<10240xf32, #tpu.memory_space<vmem_shared>>
      tpu.enqueue_indirect_dma source(%arg8 : memref<128xf32, #tpu.memory_space<vmem>>) target(%dma_start3A_30 : memref<10240xf32, #tpu.memory_space<vmem_shared>>) offsets(%dma_start3A_28 : memref<128xi32, #tpu.memory_space<vmem>>) semaphore(%arg11 : memref<!tpu.dma_semaphore, #tpu.memory_space<semaphore_mem>>) {add = true}
      %ge3A = arith.constant 8 : i32
      %ge3A_31 = arith.cmpi sge, %scan3A_26, %ge3A : i32
      %convert_element_type3A_32 = arith.extui %ge3A_31 : i1 to i32
      %cond3A_33 = arith.constant 0 : i32
      %cond3A_34 = arith.cmpi ne, %convert_element_type3A_32, %cond3A_33 : i32
      scf.if %cond3A_34 {
        %dma_wait3A = arith.constant 0 : i32
        %dma_wait3A_35 = arith.constant 0 : i32
        %dma_wait3A_36 = tpu.memref_slice %arg7[%dma_wait3A, %dma_wait3A_35] : memref<80x128xi32, #tpu.memory_space<vmem>> -> memref<1x128xi32, #tpu.memory_space<vmem>>
        %dma_wait3A_37 = tpu.memref_squeeze %dma_wait3A_36 : memref<1x128xi32, #tpu.memory_space<vmem>> -> memref<128xi32, #tpu.memory_space<vmem>>
        %dma_wait3A_38 = arith.constant 0 : i32
        %dma_wait3A_39 = tpu.memref_slice %arg10[%dma_wait3A_38] : memref<10240xf32, #tpu.memory_space<vmem_shared>> -> memref<10240xf32, #tpu.memory_space<vmem_shared>>
        tpu.wait_indirect_dma semaphore(%arg11 : memref<!tpu.dma_semaphore, #tpu.memory_space<semaphore_mem>>) src(%arg8 : memref<128xf32, #tpu.memory_space<vmem>>) dst(%dma_wait3A_39 : memref<10240xf32, #tpu.memory_space<vmem_shared>>)
      } else {
      }
    }
    %scan3A_9 = arith.constant 80 : i32
    %scan3A_10 = arith.constant 0 : i32
    %scan3A_11 = arith.constant 0 : i32
    %scan3A_12 = arith.constant 8 : i32
    %scan3A_13 = arith.addi %scan3A_11, %scan3A_12 : i32
    %scan3A_14 = arith.constant 1 : i32
    scf.for %scan3A_26 = %scan3A_11 to %scan3A_13 step %scan3A_14  : i32 {
      %dma_wait3A = arith.constant 0 : i32
      %dma_wait3A_27 = arith.constant 0 : i32
      %dma_wait3A_28 = tpu.memref_slice %arg7[%dma_wait3A, %dma_wait3A_27] : memref<80x128xi32, #tpu.memory_space<vmem>> -> memref<1x128xi32, #tpu.memory_space<vmem>>
      %dma_wait3A_29 = tpu.memref_squeeze %dma_wait3A_28 : memref<1x128xi32, #tpu.memory_space<vmem>> -> memref<128xi32, #tpu.memory_space<vmem>>
      %dma_wait3A_30 = arith.constant 0 : i32
      %dma_wait3A_31 = tpu.memref_slice %arg10[%dma_wait3A_30] : memref<10240xf32, #tpu.memory_space<vmem_shared>> -> memref<10240xf32, #tpu.memory_space<vmem_shared>>
      tpu.wait_indirect_dma semaphore(%arg11 : memref<!tpu.dma_semaphore, #tpu.memory_space<semaphore_mem>>) src(%arg8 : memref<128xf32, #tpu.memory_space<vmem>>) dst(%dma_wait3A_31 : memref<10240xf32, #tpu.memory_space<vmem_shared>>)
    }
    %scan3A_15 = arith.constant 8 : i32
    %barrier3A_16 = arith.constant 0 : index
    tpu.barrier barrier_id(%barrier3A_16)
    %mul3A_17 = arith.constant 640 : i32
    %mul3A_18 = arith.muli %arg1, %mul3A_17 : i32
    "tpu.region"() ({
      %run_scoped3A = tpu.sem_alloc : memref<!tpu.dma_semaphore, #tpu.memory_space<semaphore_mem>>
      %dma_start3A = tpu.memref_slice %arg10[%mul3A_18] : memref<10240xf32, #tpu.memory_space<vmem_shared>> -> memref<640xf32, #tpu.memory_space<vmem_shared>>
      %dma_start3A_26 = tpu.memref_slice %arg10[%mul3A_18] : memref<10240xf32, #tpu.memory_space<vmem_shared>> -> memref<640xf32, #tpu.memory_space<vmem_shared>>
      tpu.enqueue_dma source(%dma_start3A_26 : memref<640xf32, #tpu.memory_space<vmem_shared>>) target(%arg9 : memref<640xf32, #tpu.memory_space<vmem>>) target_semaphore(%run_scoped3A : memref<!tpu.dma_semaphore, #tpu.memory_space<semaphore_mem>>)
      %dma_wait3A = tpu.memref_slice %arg10[%mul3A_18] : memref<10240xf32, #tpu.memory_space<vmem_shared>> -> memref<640xf32, #tpu.memory_space<vmem_shared>>
      %dma_wait3A_27 = tpu.memref_slice %arg10[%mul3A_18] : memref<10240xf32, #tpu.memory_space<vmem_shared>> -> memref<640xf32, #tpu.memory_space<vmem_shared>>
      tpu.wait_dma2 semaphore(%run_scoped3A : memref<!tpu.dma_semaphore, #tpu.memory_space<semaphore_mem>>) src(%dma_wait3A_27 : memref<640xf32, #tpu.memory_space<vmem_shared>>) dst(%arg9 : memref<640xf32, #tpu.memory_space<vmem>>)
      tpu.yield
    }) : () -> ()
    %eq3A = arith.constant 0 : i32
    %eq3A_19 = arith.cmpi eq, %arg0, %eq3A : i32
    %convert_element_type3A = arith.extui %eq3A_19 : i1 to i32
    %cond3A = arith.constant 0 : i32
    %cond3A_20 = arith.cmpi ne, %convert_element_type3A, %cond3A : i32
    scf.if %cond3A_20 {
      "tpu.region"() ({
        %run_scoped3A = tpu.sem_alloc : memref<!tpu.dma_semaphore, #tpu.memory_space<semaphore_mem>>
        %dma_start3A = tpu.memref_slice %arg5[%mul3A_18] : memref<10240xf32, #tpu.memory_space<hbm>> -> memref<640xf32, #tpu.memory_space<hbm>>
        %dma_start3A_26 = tpu.memref_slice %arg5[%mul3A_18] : memref<10240xf32, #tpu.memory_space<hbm>> -> memref<640xf32, #tpu.memory_space<hbm>>
        tpu.enqueue_dma source(%arg9 : memref<640xf32, #tpu.memory_space<vmem>>) target(%dma_start3A_26 : memref<640xf32, #tpu.memory_space<hbm>>) target_semaphore(%run_scoped3A : memref<!tpu.dma_semaphore, #tpu.memory_space<semaphore_mem>>)
        %dma_wait3A = tpu.memref_slice %arg5[%mul3A_18] : memref<10240xf32, #tpu.memory_space<hbm>> -> memref<640xf32, #tpu.memory_space<hbm>>
        %dma_wait3A_27 = tpu.memref_slice %arg5[%mul3A_18] : memref<10240xf32, #tpu.memory_space<hbm>> -> memref<640xf32, #tpu.memory_space<hbm>>
        tpu.wait_dma2 semaphore(%run_scoped3A : memref<!tpu.dma_semaphore, #tpu.memory_space<semaphore_mem>>) src(%arg9 : memref<640xf32, #tpu.memory_space<vmem>>) dst(%dma_wait3A_27 : memref<640xf32, #tpu.memory_space<hbm>>)
        tpu.yield
      }) : () -> ()
    } else {
    }
    %eq3A_21 = arith.constant 1 : i32
    %eq3A_22 = arith.cmpi eq, %arg0, %eq3A_21 : i32
    %convert_element_type3A_23 = arith.extui %eq3A_22 : i1 to i32
    %cond3A_24 = arith.constant 0 : i32
    %cond3A_25 = arith.cmpi ne, %convert_element_type3A_23, %cond3A_24 : i32
    scf.if %cond3A_25 {
      "tpu.region"() ({
        %run_scoped3A = tpu.sem_alloc : memref<!tpu.dma_semaphore, #tpu.memory_space<semaphore_mem>>
        %dma_start3A = tpu.memref_slice %arg6[%mul3A_18] : memref<10240xf32, #tpu.memory_space<hbm>> -> memref<640xf32, #tpu.memory_space<hbm>>
        %dma_start3A_26 = tpu.memref_slice %arg6[%mul3A_18] : memref<10240xf32, #tpu.memory_space<hbm>> -> memref<640xf32, #tpu.memory_space<hbm>>
        tpu.enqueue_dma source(%arg9 : memref<640xf32, #tpu.memory_space<vmem>>) target(%dma_start3A_26 : memref<640xf32, #tpu.memory_space<hbm>>) target_semaphore(%run_scoped3A : memref<!tpu.dma_semaphore, #tpu.memory_space<semaphore_mem>>)
        %dma_wait3A = tpu.memref_slice %arg6[%mul3A_18] : memref<10240xf32, #tpu.memory_space<hbm>> -> memref<640xf32, #tpu.memory_space<hbm>>
        %dma_wait3A_27 = tpu.memref_slice %arg6[%mul3A_18] : memref<10240xf32, #tpu.memory_space<hbm>> -> memref<640xf32, #tpu.memory_space<hbm>>
        tpu.wait_dma2 semaphore(%run_scoped3A : memref<!tpu.dma_semaphore, #tpu.memory_space<semaphore_mem>>) src(%arg9 : memref<640xf32, #tpu.memory_space<vmem>>) dst(%dma_wait3A_27 : memref<640xf32, #tpu.memory_space<hbm>>)
        tpu.yield
      }) : () -> ()
    } else {
    }
    return
  }
}

#map = affine_map<(d0, d1) -> (0, 0)>
module attributes {stable_mosaic.version = 14 : i64} {
  func.func @agg(%arg0: i32, %arg1: i32, %arg2: memref<10000x128xf32, #tpu.memory_space<hbm>>, %arg3: memref<2560x128xi32, #tpu.memory_space<hbm>>, %arg4: memref<2560x128xi32, #tpu.memory_space<hbm>>, %arg5: memref<128x128xf32, #tpu.memory_space<hbm>>, %arg6: memref<10240x128xf32, #tpu.memory_space<hbm>>, %arg7: memref<10240x128xf32, #tpu.memory_space<hbm>>, %arg8: memref<16x128xi32, #tpu.memory_space<vmem>>, %arg9: memref<16x128xi32, #tpu.memory_space<vmem>>, %arg10: memref<128x128xf32, #tpu.memory_space<vmem>>, %arg11: memref<128x128xf32, #tpu.memory_space<vmem>>, %arg12: memref<10240x128xf32, #tpu.memory_space<vmem_shared>>, %arg13: memref<!tpu.dma_semaphore, #tpu.memory_space<semaphore_mem>>, %arg14: memref<!tpu.dma_semaphore, #tpu.memory_space<semaphore_mem>>) attributes {dimension_semantics = [#tpu.dimension_semantics<core_parallel>, #tpu.dimension_semantics<subcore_parallel>], iteration_bounds = array<i64: 2, 16>, scalar_prefetch = 0 : i64, scratch_operands = 7 : i64, tpu.core_type = #tpu.core_type<sc_vector_subcore>, window_params = [{transform_indices = #map}, {transform_indices = #map}, {transform_indices = #map}, {transform_indices = #map}, {transform_indices = #map}, {transform_indices = #map}]} {
    %mul3A = arith.constant 16 : i32
    %mul3A_0 = arith.muli %arg0, %mul3A : i32
    %add3A = arith.addi %mul3A_0, %arg1 : i32
    "tpu.region"() ({
      %run_scoped3A = tpu.sem_alloc : memref<!tpu.dma_semaphore, #tpu.memory_space<semaphore_mem>>
      tpu.enqueue_dma source(%arg5 : memref<128x128xf32, #tpu.memory_space<hbm>>) target(%arg10 : memref<128x128xf32, #tpu.memory_space<vmem>>) target_semaphore(%run_scoped3A : memref<!tpu.dma_semaphore, #tpu.memory_space<semaphore_mem>>)
      tpu.wait_dma2 semaphore(%run_scoped3A : memref<!tpu.dma_semaphore, #tpu.memory_space<semaphore_mem>>) src(%arg5 : memref<128x128xf32, #tpu.memory_space<hbm>>) dst(%arg10 : memref<128x128xf32, #tpu.memory_space<vmem>>)
      tpu.yield
    }) : () -> ()
    %mul3A_1 = arith.constant 640 : i32
    %mul3A_2 = arith.muli %arg1, %mul3A_1 : i32
    %add3A_3 = arith.constant 0 : i32
    %add3A_4 = arith.addi %mul3A_2, %add3A_3 : i32
    "tpu.region"() ({
      %run_scoped3A = tpu.sem_alloc : memref<!tpu.dma_semaphore, #tpu.memory_space<semaphore_mem>>
      %dma_start3A = arith.constant 0 : i32
      %dma_start3A_94 = tpu.memref_slice %arg12[%add3A_4, %dma_start3A] : memref<10240x128xf32, #tpu.memory_space<vmem_shared>> -> memref<128x128xf32, #tpu.memory_space<vmem_shared>>
      %dma_start3A_95 = arith.constant 0 : i32
      %dma_start3A_96 = tpu.memref_slice %arg12[%add3A_4, %dma_start3A_95] : memref<10240x128xf32, #tpu.memory_space<vmem_shared>> -> memref<128x128xf32, #tpu.memory_space<vmem_shared>>
      tpu.enqueue_dma source(%arg10 : memref<128x128xf32, #tpu.memory_space<vmem>>) target(%dma_start3A_96 : memref<128x128xf32, #tpu.memory_space<vmem_shared>>) target_semaphore(%run_scoped3A : memref<!tpu.dma_semaphore, #tpu.memory_space<semaphore_mem>>)
      %dma_wait3A = arith.constant 0 : i32
      %dma_wait3A_97 = tpu.memref_slice %arg12[%add3A_4, %dma_wait3A] : memref<10240x128xf32, #tpu.memory_space<vmem_shared>> -> memref<128x128xf32, #tpu.memory_space<vmem_shared>>
      %dma_wait3A_98 = arith.constant 0 : i32
      %dma_wait3A_99 = tpu.memref_slice %arg12[%add3A_4, %dma_wait3A_98] : memref<10240x128xf32, #tpu.memory_space<vmem_shared>> -> memref<128x128xf32, #tpu.memory_space<vmem_shared>>
      tpu.wait_dma2 semaphore(%run_scoped3A : memref<!tpu.dma_semaphore, #tpu.memory_space<semaphore_mem>>) src(%arg10 : memref<128x128xf32, #tpu.memory_space<vmem>>) dst(%dma_wait3A_99 : memref<128x128xf32, #tpu.memory_space<vmem_shared>>)
      tpu.yield
    }) : () -> ()
    %mul3A_5 = arith.constant 640 : i32
    %mul3A_6 = arith.muli %arg1, %mul3A_5 : i32
    %add3A_7 = arith.constant 128 : i32
    %add3A_8 = arith.addi %mul3A_6, %add3A_7 : i32
    "tpu.region"() ({
      %run_scoped3A = tpu.sem_alloc : memref<!tpu.dma_semaphore, #tpu.memory_space<semaphore_mem>>
      %dma_start3A = arith.constant 0 : i32
      %dma_start3A_94 = tpu.memref_slice %arg12[%add3A_8, %dma_start3A] : memref<10240x128xf32, #tpu.memory_space<vmem_shared>> -> memref<128x128xf32, #tpu.memory_space<vmem_shared>>
      %dma_start3A_95 = arith.constant 0 : i32
      %dma_start3A_96 = tpu.memref_slice %arg12[%add3A_8, %dma_start3A_95] : memref<10240x128xf32, #tpu.memory_space<vmem_shared>> -> memref<128x128xf32, #tpu.memory_space<vmem_shared>>
      tpu.enqueue_dma source(%arg10 : memref<128x128xf32, #tpu.memory_space<vmem>>) target(%dma_start3A_96 : memref<128x128xf32, #tpu.memory_space<vmem_shared>>) target_semaphore(%run_scoped3A : memref<!tpu.dma_semaphore, #tpu.memory_space<semaphore_mem>>)
      %dma_wait3A = arith.constant 0 : i32
      %dma_wait3A_97 = tpu.memref_slice %arg12[%add3A_8, %dma_wait3A] : memref<10240x128xf32, #tpu.memory_space<vmem_shared>> -> memref<128x128xf32, #tpu.memory_space<vmem_shared>>
      %dma_wait3A_98 = arith.constant 0 : i32
      %dma_wait3A_99 = tpu.memref_slice %arg12[%add3A_8, %dma_wait3A_98] : memref<10240x128xf32, #tpu.memory_space<vmem_shared>> -> memref<128x128xf32, #tpu.memory_space<vmem_shared>>
      tpu.wait_dma2 semaphore(%run_scoped3A : memref<!tpu.dma_semaphore, #tpu.memory_space<semaphore_mem>>) src(%arg10 : memref<128x128xf32, #tpu.memory_space<vmem>>) dst(%dma_wait3A_99 : memref<128x128xf32, #tpu.memory_space<vmem_shared>>)
      tpu.yield
    }) : () -> ()
    %mul3A_9 = arith.constant 640 : i32
    %mul3A_10 = arith.muli %arg1, %mul3A_9 : i32
    %add3A_11 = arith.constant 256 : i32
    %add3A_12 = arith.addi %mul3A_10, %add3A_11 : i32
    "tpu.region"() ({
      %run_scoped3A = tpu.sem_alloc : memref<!tpu.dma_semaphore, #tpu.memory_space<semaphore_mem>>
      %dma_start3A = arith.constant 0 : i32
      %dma_start3A_94 = tpu.memref_slice %arg12[%add3A_12, %dma_start3A] : memref<10240x128xf32, #tpu.memory_space<vmem_shared>> -> memref<128x128xf32, #tpu.memory_space<vmem_shared>>
      %dma_start3A_95 = arith.constant 0 : i32
      %dma_start3A_96 = tpu.memref_slice %arg12[%add3A_12, %dma_start3A_95] : memref<10240x128xf32, #tpu.memory_space<vmem_shared>> -> memref<128x128xf32, #tpu.memory_space<vmem_shared>>
      tpu.enqueue_dma source(%arg10 : memref<128x128xf32, #tpu.memory_space<vmem>>) target(%dma_start3A_96 : memref<128x128xf32, #tpu.memory_space<vmem_shared>>) target_semaphore(%run_scoped3A : memref<!tpu.dma_semaphore, #tpu.memory_space<semaphore_mem>>)
      %dma_wait3A = arith.constant 0 : i32
      %dma_wait3A_97 = tpu.memref_slice %arg12[%add3A_12, %dma_wait3A] : memref<10240x128xf32, #tpu.memory_space<vmem_shared>> -> memref<128x128xf32, #tpu.memory_space<vmem_shared>>
      %dma_wait3A_98 = arith.constant 0 : i32
      %dma_wait3A_99 = tpu.memref_slice %arg12[%add3A_12, %dma_wait3A_98] : memref<10240x128xf32, #tpu.memory_space<vmem_shared>> -> memref<128x128xf32, #tpu.memory_space<vmem_shared>>
      tpu.wait_dma2 semaphore(%run_scoped3A : memref<!tpu.dma_semaphore, #tpu.memory_space<semaphore_mem>>) src(%arg10 : memref<128x128xf32, #tpu.memory_space<vmem>>) dst(%dma_wait3A_99 : memref<128x128xf32, #tpu.memory_space<vmem_shared>>)
      tpu.yield
    }) : () -> ()
    %mul3A_13 = arith.constant 640 : i32
    %mul3A_14 = arith.muli %arg1, %mul3A_13 : i32
    %add3A_15 = arith.constant 384 : i32
    %add3A_16 = arith.addi %mul3A_14, %add3A_15 : i32
    "tpu.region"() ({
      %run_scoped3A = tpu.sem_alloc : memref<!tpu.dma_semaphore, #tpu.memory_space<semaphore_mem>>
      %dma_start3A = arith.constant 0 : i32
      %dma_start3A_94 = tpu.memref_slice %arg12[%add3A_16, %dma_start3A] : memref<10240x128xf32, #tpu.memory_space<vmem_shared>> -> memref<128x128xf32, #tpu.memory_space<vmem_shared>>
      %dma_start3A_95 = arith.constant 0 : i32
      %dma_start3A_96 = tpu.memref_slice %arg12[%add3A_16, %dma_start3A_95] : memref<10240x128xf32, #tpu.memory_space<vmem_shared>> -> memref<128x128xf32, #tpu.memory_space<vmem_shared>>
      tpu.enqueue_dma source(%arg10 : memref<128x128xf32, #tpu.memory_space<vmem>>) target(%dma_start3A_96 : memref<128x128xf32, #tpu.memory_space<vmem_shared>>) target_semaphore(%run_scoped3A : memref<!tpu.dma_semaphore, #tpu.memory_space<semaphore_mem>>)
      %dma_wait3A = arith.constant 0 : i32
      %dma_wait3A_97 = tpu.memref_slice %arg12[%add3A_16, %dma_wait3A] : memref<10240x128xf32, #tpu.memory_space<vmem_shared>> -> memref<128x128xf32, #tpu.memory_space<vmem_shared>>
      %dma_wait3A_98 = arith.constant 0 : i32
      %dma_wait3A_99 = tpu.memref_slice %arg12[%add3A_16, %dma_wait3A_98] : memref<10240x128xf32, #tpu.memory_space<vmem_shared>> -> memref<128x128xf32, #tpu.memory_space<vmem_shared>>
      tpu.wait_dma2 semaphore(%run_scoped3A : memref<!tpu.dma_semaphore, #tpu.memory_space<semaphore_mem>>) src(%arg10 : memref<128x128xf32, #tpu.memory_space<vmem>>) dst(%dma_wait3A_99 : memref<128x128xf32, #tpu.memory_space<vmem_shared>>)
      tpu.yield
    }) : () -> ()
    %mul3A_17 = arith.constant 640 : i32
    %mul3A_18 = arith.muli %arg1, %mul3A_17 : i32
    %add3A_19 = arith.constant 512 : i32
    %add3A_20 = arith.addi %mul3A_18, %add3A_19 : i32
    "tpu.region"() ({
      %run_scoped3A = tpu.sem_alloc : memref<!tpu.dma_semaphore, #tpu.memory_space<semaphore_mem>>
      %dma_start3A = arith.constant 0 : i32
      %dma_start3A_94 = tpu.memref_slice %arg12[%add3A_20, %dma_start3A] : memref<10240x128xf32, #tpu.memory_space<vmem_shared>> -> memref<128x128xf32, #tpu.memory_space<vmem_shared>>
      %dma_start3A_95 = arith.constant 0 : i32
      %dma_start3A_96 = tpu.memref_slice %arg12[%add3A_20, %dma_start3A_95] : memref<10240x128xf32, #tpu.memory_space<vmem_shared>> -> memref<128x128xf32, #tpu.memory_space<vmem_shared>>
      tpu.enqueue_dma source(%arg10 : memref<128x128xf32, #tpu.memory_space<vmem>>) target(%dma_start3A_96 : memref<128x128xf32, #tpu.memory_space<vmem_shared>>) target_semaphore(%run_scoped3A : memref<!tpu.dma_semaphore, #tpu.memory_space<semaphore_mem>>)
      %dma_wait3A = arith.constant 0 : i32
      %dma_wait3A_97 = tpu.memref_slice %arg12[%add3A_20, %dma_wait3A] : memref<10240x128xf32, #tpu.memory_space<vmem_shared>> -> memref<128x128xf32, #tpu.memory_space<vmem_shared>>
      %dma_wait3A_98 = arith.constant 0 : i32
      %dma_wait3A_99 = tpu.memref_slice %arg12[%add3A_20, %dma_wait3A_98] : memref<10240x128xf32, #tpu.memory_space<vmem_shared>> -> memref<128x128xf32, #tpu.memory_space<vmem_shared>>
      tpu.wait_dma2 semaphore(%run_scoped3A : memref<!tpu.dma_semaphore, #tpu.memory_space<semaphore_mem>>) src(%arg10 : memref<128x128xf32, #tpu.memory_space<vmem>>) dst(%dma_wait3A_99 : memref<128x128xf32, #tpu.memory_space<vmem_shared>>)
      tpu.yield
    }) : () -> ()
    %barrier3A = arith.constant 0 : index
    tpu.barrier barrier_id(%barrier3A)
    %scan3A = arith.constant 0 : i32
    %scan3A_21 = arith.constant 0 : i32
    %scan3A_22 = arith.constant 5 : i32
    %scan3A_23 = arith.addi %scan3A_21, %scan3A_22 : i32
    %scan3A_24 = arith.constant 1 : i32
    scf.for %scan3A_94 = %scan3A_21 to %scan3A_23 step %scan3A_24  : i32 {
      %mul3A_95 = arith.constant 80 : i32
      %mul3A_96 = arith.muli %add3A, %mul3A_95 : i32
      %mul3A_97 = arith.constant 16 : i32
      %mul3A_98 = arith.muli %scan3A_94, %mul3A_97 : i32
      %add3A_99 = arith.addi %mul3A_96, %mul3A_98 : i32
      "tpu.region"() ({
        %run_scoped3A = tpu.sem_alloc : memref<!tpu.dma_semaphore, #tpu.memory_space<semaphore_mem>>
        %dma_start3A_112 = arith.constant 0 : i32
        %dma_start3A_113 = tpu.memref_slice %arg3[%add3A_99, %dma_start3A_112] : memref<2560x128xi32, #tpu.memory_space<hbm>> -> memref<16x128xi32, #tpu.memory_space<hbm>>
        %dma_start3A_114 = arith.constant 0 : i32
        %dma_start3A_115 = tpu.memref_slice %arg3[%add3A_99, %dma_start3A_114] : memref<2560x128xi32, #tpu.memory_space<hbm>> -> memref<16x128xi32, #tpu.memory_space<hbm>>
        tpu.enqueue_dma source(%dma_start3A_115 : memref<16x128xi32, #tpu.memory_space<hbm>>) target(%arg8 : memref<16x128xi32, #tpu.memory_space<vmem>>) target_semaphore(%run_scoped3A : memref<!tpu.dma_semaphore, #tpu.memory_space<semaphore_mem>>)
        %dma_wait3A = arith.constant 0 : i32
        %dma_wait3A_116 = tpu.memref_slice %arg3[%add3A_99, %dma_wait3A] : memref<2560x128xi32, #tpu.memory_space<hbm>> -> memref<16x128xi32, #tpu.memory_space<hbm>>
        %dma_wait3A_117 = arith.constant 0 : i32
        %dma_wait3A_118 = tpu.memref_slice %arg3[%add3A_99, %dma_wait3A_117] : memref<2560x128xi32, #tpu.memory_space<hbm>> -> memref<16x128xi32, #tpu.memory_space<hbm>>
        tpu.wait_dma2 semaphore(%run_scoped3A : memref<!tpu.dma_semaphore, #tpu.memory_space<semaphore_mem>>) src(%dma_wait3A_118 : memref<16x128xi32, #tpu.memory_space<hbm>>) dst(%arg8 : memref<16x128xi32, #tpu.memory_space<vmem>>)
        tpu.yield
      }) : () -> ()
      "tpu.region"() ({
        %run_scoped3A = tpu.sem_alloc : memref<!tpu.dma_semaphore, #tpu.memory_space<semaphore_mem>>
        %dma_start3A_112 = arith.constant 0 : i32
        %dma_start3A_113 = tpu.memref_slice %arg4[%add3A_99, %dma_start3A_112] : memref<2560x128xi32, #tpu.memory_space<hbm>> -> memref<16x128xi32, #tpu.memory_space<hbm>>
        %dma_start3A_114 = arith.constant 0 : i32
        %dma_start3A_115 = tpu.memref_slice %arg4[%add3A_99, %dma_start3A_114] : memref<2560x128xi32, #tpu.memory_space<hbm>> -> memref<16x128xi32, #tpu.memory_space<hbm>>
        tpu.enqueue_dma source(%dma_start3A_115 : memref<16x128xi32, #tpu.memory_space<hbm>>) target(%arg9 : memref<16x128xi32, #tpu.memory_space<vmem>>) target_semaphore(%run_scoped3A : memref<!tpu.dma_semaphore, #tpu.memory_space<semaphore_mem>>)
        %dma_wait3A = arith.constant 0 : i32
        %dma_wait3A_116 = tpu.memref_slice %arg4[%add3A_99, %dma_wait3A] : memref<2560x128xi32, #tpu.memory_space<hbm>> -> memref<16x128xi32, #tpu.memory_space<hbm>>
        %dma_wait3A_117 = arith.constant 0 : i32
        %dma_wait3A_118 = tpu.memref_slice %arg4[%add3A_99, %dma_wait3A_117] : memref<2560x128xi32, #tpu.memory_space<hbm>> -> memref<16x128xi32, #tpu.memory_space<hbm>>
        tpu.wait_dma2 semaphore(%run_scoped3A : memref<!tpu.dma_semaphore, #tpu.memory_space<semaphore_mem>>) src(%dma_wait3A_118 : memref<16x128xi32, #tpu.memory_space<hbm>>) dst(%arg9 : memref<16x128xi32, #tpu.memory_space<vmem>>)
        tpu.yield
      }) : () -> ()
      %dma_start3A = arith.constant 0 : i32
      %dma_start3A_100 = arith.constant 0 : i32
      %dma_start3A_101 = tpu.memref_slice %arg8[%dma_start3A, %dma_start3A_100] : memref<16x128xi32, #tpu.memory_space<vmem>> -> memref<1x128xi32, #tpu.memory_space<vmem>>
      %dma_start3A_102 = tpu.memref_squeeze %dma_start3A_101 : memref<1x128xi32, #tpu.memory_space<vmem>> -> memref<128xi32, #tpu.memory_space<vmem>>
      %dma_start3A_103 = arith.constant 0 : i32
      %dma_start3A_104 = arith.constant 0 : i32
      %dma_start3A_105 = tpu.memref_slice %arg2[%dma_start3A_103, %dma_start3A_104] : memref<10000x128xf32, #tpu.memory_space<hbm>> -> memref<10000x128xf32, #tpu.memory_space<hbm>>
      tpu.enqueue_indirect_dma source(%dma_start3A_105 : memref<10000x128xf32, #tpu.memory_space<hbm>>) target(%arg10 : memref<128x128xf32, #tpu.memory_space<vmem>>) offsets(%dma_start3A_102 : memref<128xi32, #tpu.memory_space<vmem>>) semaphore(%arg13 : memref<!tpu.dma_semaphore, #tpu.memory_space<semaphore_mem>>)
      %scan3A_106 = arith.constant 0 : i32
      %scan3A_107 = arith.constant 0 : i32
      %scan3A_108 = arith.constant 8 : i32
      %scan3A_109 = arith.addi %scan3A_107, %scan3A_108 : i32
      %scan3A_110 = arith.constant 1 : i32
      scf.for %scan3A_112 = %scan3A_107 to %scan3A_109 step %scan3A_110  : i32 {
        %mul3A_113 = arith.constant 2 : i32
        %mul3A_114 = arith.muli %mul3A_113, %scan3A_112 : i32
        %add3A_115 = arith.constant 1 : i32
        %add3A_116 = arith.addi %mul3A_114, %add3A_115 : i32
        %dma_start3A_117 = arith.constant 0 : i32
        %dma_start3A_118 = tpu.memref_slice %arg8[%add3A_116, %dma_start3A_117] : memref<16x128xi32, #tpu.memory_space<vmem>> -> memref<1x128xi32, #tpu.memory_space<vmem>>
        %dma_start3A_119 = tpu.memref_squeeze %dma_start3A_118 : memref<1x128xi32, #tpu.memory_space<vmem>> -> memref<128xi32, #tpu.memory_space<vmem>>
        %dma_start3A_120 = arith.constant 0 : i32
        %dma_start3A_121 = arith.constant 0 : i32
        %dma_start3A_122 = tpu.memref_slice %arg2[%dma_start3A_120, %dma_start3A_121] : memref<10000x128xf32, #tpu.memory_space<hbm>> -> memref<10000x128xf32, #tpu.memory_space<hbm>>
        tpu.enqueue_indirect_dma source(%dma_start3A_122 : memref<10000x128xf32, #tpu.memory_space<hbm>>) target(%arg11 : memref<128x128xf32, #tpu.memory_space<vmem>>) offsets(%dma_start3A_119 : memref<128xi32, #tpu.memory_space<vmem>>) semaphore(%arg14 : memref<!tpu.dma_semaphore, #tpu.memory_space<semaphore_mem>>)
        %dma_wait3A = arith.constant 0 : i32
        %dma_wait3A_123 = arith.constant 0 : i32
        %dma_wait3A_124 = tpu.memref_slice %arg8[%dma_wait3A, %dma_wait3A_123] : memref<16x128xi32, #tpu.memory_space<vmem>> -> memref<1x128xi32, #tpu.memory_space<vmem>>
        %dma_wait3A_125 = tpu.memref_squeeze %dma_wait3A_124 : memref<1x128xi32, #tpu.memory_space<vmem>> -> memref<128xi32, #tpu.memory_space<vmem>>
        %dma_wait3A_126 = arith.constant 0 : i32
        %dma_wait3A_127 = arith.constant 0 : i32
        %dma_wait3A_128 = tpu.memref_slice %arg2[%dma_wait3A_126, %dma_wait3A_127] : memref<10000x128xf32, #tpu.memory_space<hbm>> -> memref<10000x128xf32, #tpu.memory_space<hbm>>
        tpu.wait_indirect_dma semaphore(%arg13 : memref<!tpu.dma_semaphore, #tpu.memory_space<semaphore_mem>>) src(%dma_wait3A_128 : memref<10000x128xf32, #tpu.memory_space<hbm>>) dst(%arg10 : memref<128x128xf32, #tpu.memory_space<vmem>>)
        "tpu.region"() ({
          %run_scoped3A = tpu.sem_alloc : memref<!tpu.dma_semaphore, #tpu.memory_space<semaphore_mem>>
          %dma_start3A_142 = arith.constant 0 : i32
          %dma_start3A_143 = tpu.memref_slice %arg9[%mul3A_114, %dma_start3A_142] : memref<16x128xi32, #tpu.memory_space<vmem>> -> memref<1x128xi32, #tpu.memory_space<vmem>>
          %dma_start3A_144 = tpu.memref_squeeze %dma_start3A_143 : memref<1x128xi32, #tpu.memory_space<vmem>> -> memref<128xi32, #tpu.memory_space<vmem>>
          %dma_start3A_145 = arith.constant 0 : i32
          %dma_start3A_146 = arith.constant 0 : i32
          %dma_start3A_147 = tpu.memref_slice %arg12[%dma_start3A_145, %dma_start3A_146] : memref<10240x128xf32, #tpu.memory_space<vmem_shared>> -> memref<10240x128xf32, #tpu.memory_space<vmem_shared>>
          tpu.enqueue_indirect_dma source(%arg10 : memref<128x128xf32, #tpu.memory_space<vmem>>) target(%dma_start3A_147 : memref<10240x128xf32, #tpu.memory_space<vmem_shared>>) offsets(%dma_start3A_144 : memref<128xi32, #tpu.memory_space<vmem>>) semaphore(%run_scoped3A : memref<!tpu.dma_semaphore, #tpu.memory_space<semaphore_mem>>) {add = true}
          %dma_wait3A_148 = arith.constant 0 : i32
          %dma_wait3A_149 = tpu.memref_slice %arg9[%mul3A_114, %dma_wait3A_148] : memref<16x128xi32, #tpu.memory_space<vmem>> -> memref<1x128xi32, #tpu.memory_space<vmem>>
          %dma_wait3A_150 = tpu.memref_squeeze %dma_wait3A_149 : memref<1x128xi32, #tpu.memory_space<vmem>> -> memref<128xi32, #tpu.memory_space<vmem>>
          %dma_wait3A_151 = arith.constant 0 : i32
          %dma_wait3A_152 = arith.constant 0 : i32
          %dma_wait3A_153 = tpu.memref_slice %arg12[%dma_wait3A_151, %dma_wait3A_152] : memref<10240x128xf32, #tpu.memory_space<vmem_shared>> -> memref<10240x128xf32, #tpu.memory_space<vmem_shared>>
          tpu.wait_indirect_dma semaphore(%run_scoped3A : memref<!tpu.dma_semaphore, #tpu.memory_space<semaphore_mem>>) src(%arg10 : memref<128x128xf32, #tpu.memory_space<vmem>>) dst(%dma_wait3A_153 : memref<10240x128xf32, #tpu.memory_space<vmem_shared>>)
          tpu.yield
        }) : () -> ()
        %lt3A = arith.constant 7 : i32
        %lt3A_129 = arith.cmpi slt, %scan3A_112, %lt3A : i32
        %convert_element_type3A_130 = arith.extui %lt3A_129 : i1 to i32
        %cond3A_131 = arith.constant 0 : i32
        %cond3A_132 = arith.cmpi ne, %convert_element_type3A_130, %cond3A_131 : i32
        scf.if %cond3A_132 {
          %add3A_142 = arith.constant 2 : i32
          %add3A_143 = arith.addi %mul3A_114, %add3A_142 : i32
          %dma_start3A_144 = arith.constant 0 : i32
          %dma_start3A_145 = tpu.memref_slice %arg8[%add3A_143, %dma_start3A_144] : memref<16x128xi32, #tpu.memory_space<vmem>> -> memref<1x128xi32, #tpu.memory_space<vmem>>
          %dma_start3A_146 = tpu.memref_squeeze %dma_start3A_145 : memref<1x128xi32, #tpu.memory_space<vmem>> -> memref<128xi32, #tpu.memory_space<vmem>>
          %dma_start3A_147 = arith.constant 0 : i32
          %dma_start3A_148 = arith.constant 0 : i32
          %dma_start3A_149 = tpu.memref_slice %arg2[%dma_start3A_147, %dma_start3A_148] : memref<10000x128xf32, #tpu.memory_space<hbm>> -> memref<10000x128xf32, #tpu.memory_space<hbm>>
          tpu.enqueue_indirect_dma source(%dma_start3A_149 : memref<10000x128xf32, #tpu.memory_space<hbm>>) target(%arg10 : memref<128x128xf32, #tpu.memory_space<vmem>>) offsets(%dma_start3A_146 : memref<128xi32, #tpu.memory_space<vmem>>) semaphore(%arg13 : memref<!tpu.dma_semaphore, #tpu.memory_space<semaphore_mem>>)
        } else {
        }
        %dma_wait3A_133 = arith.constant 0 : i32
        %dma_wait3A_134 = arith.constant 0 : i32
        %dma_wait3A_135 = tpu.memref_slice %arg8[%dma_wait3A_133, %dma_wait3A_134] : memref<16x128xi32, #tpu.memory_space<vmem>> -> memref<1x128xi32, #tpu.memory_space<vmem>>
        %dma_wait3A_136 = tpu.memref_squeeze %dma_wait3A_135 : memref<1x128xi32, #tpu.memory_space<vmem>> -> memref<128xi32, #tpu.memory_space<vmem>>
        %dma_wait3A_137 = arith.constant 0 : i32
        %dma_wait3A_138 = arith.constant 0 : i32
        %dma_wait3A_139 = tpu.memref_slice %arg2[%dma_wait3A_137, %dma_wait3A_138] : memref<10000x128xf32, #tpu.memory_space<hbm>> -> memref<10000x128xf32, #tpu.memory_space<hbm>>
        tpu.wait_indirect_dma semaphore(%arg14 : memref<!tpu.dma_semaphore, #tpu.memory_space<semaphore_mem>>) src(%dma_wait3A_139 : memref<10000x128xf32, #tpu.memory_space<hbm>>) dst(%arg11 : memref<128x128xf32, #tpu.memory_space<vmem>>)
        %add3A_140 = arith.constant 1 : i32
        %add3A_141 = arith.addi %mul3A_114, %add3A_140 : i32
        "tpu.region"() ({
          %run_scoped3A = tpu.sem_alloc : memref<!tpu.dma_semaphore, #tpu.memory_space<semaphore_mem>>
          %dma_start3A_142 = arith.constant 0 : i32
          %dma_start3A_143 = tpu.memref_slice %arg9[%add3A_141, %dma_start3A_142] : memref<16x128xi32, #tpu.memory_space<vmem>> -> memref<1x128xi32, #tpu.memory_space<vmem>>
          %dma_start3A_144 = tpu.memref_squeeze %dma_start3A_143 : memref<1x128xi32, #tpu.memory_space<vmem>> -> memref<128xi32, #tpu.memory_space<vmem>>
          %dma_start3A_145 = arith.constant 0 : i32
          %dma_start3A_146 = arith.constant 0 : i32
          %dma_start3A_147 = tpu.memref_slice %arg12[%dma_start3A_145, %dma_start3A_146] : memref<10240x128xf32, #tpu.memory_space<vmem_shared>> -> memref<10240x128xf32, #tpu.memory_space<vmem_shared>>
          tpu.enqueue_indirect_dma source(%arg11 : memref<128x128xf32, #tpu.memory_space<vmem>>) target(%dma_start3A_147 : memref<10240x128xf32, #tpu.memory_space<vmem_shared>>) offsets(%dma_start3A_144 : memref<128xi32, #tpu.memory_space<vmem>>) semaphore(%run_scoped3A : memref<!tpu.dma_semaphore, #tpu.memory_space<semaphore_mem>>) {add = true}
          %dma_wait3A_148 = arith.constant 0 : i32
          %dma_wait3A_149 = tpu.memref_slice %arg9[%add3A_141, %dma_wait3A_148] : memref<16x128xi32, #tpu.memory_space<vmem>> -> memref<1x128xi32, #tpu.memory_space<vmem>>
          %dma_wait3A_150 = tpu.memref_squeeze %dma_wait3A_149 : memref<1x128xi32, #tpu.memory_space<vmem>> -> memref<128xi32, #tpu.memory_space<vmem>>
          %dma_wait3A_151 = arith.constant 0 : i32
          %dma_wait3A_152 = arith.constant 0 : i32
          %dma_wait3A_153 = tpu.memref_slice %arg12[%dma_wait3A_151, %dma_wait3A_152] : memref<10240x128xf32, #tpu.memory_space<vmem_shared>> -> memref<10240x128xf32, #tpu.memory_space<vmem_shared>>
          tpu.wait_indirect_dma semaphore(%run_scoped3A : memref<!tpu.dma_semaphore, #tpu.memory_space<semaphore_mem>>) src(%arg11 : memref<128x128xf32, #tpu.memory_space<vmem>>) dst(%dma_wait3A_153 : memref<10240x128xf32, #tpu.memory_space<vmem_shared>>)
          tpu.yield
        }) : () -> ()
      }
      %scan3A_111 = arith.constant 8 : i32
    }
    %scan3A_25 = arith.constant 5 : i32
    %barrier3A_26 = arith.constant 0 : index
    tpu.barrier barrier_id(%barrier3A_26)
    %mul3A_27 = arith.constant 640 : i32
    %mul3A_28 = arith.muli %arg1, %mul3A_27 : i32
    %add3A_29 = arith.constant 0 : i32
    %add3A_30 = arith.addi %mul3A_28, %add3A_29 : i32
    "tpu.region"() ({
      %run_scoped3A = tpu.sem_alloc : memref<!tpu.dma_semaphore, #tpu.memory_space<semaphore_mem>>
      %dma_start3A = arith.constant 0 : i32
      %dma_start3A_94 = tpu.memref_slice %arg12[%add3A_30, %dma_start3A] : memref<10240x128xf32, #tpu.memory_space<vmem_shared>> -> memref<128x128xf32, #tpu.memory_space<vmem_shared>>
      %dma_start3A_95 = arith.constant 0 : i32
      %dma_start3A_96 = tpu.memref_slice %arg12[%add3A_30, %dma_start3A_95] : memref<10240x128xf32, #tpu.memory_space<vmem_shared>> -> memref<128x128xf32, #tpu.memory_space<vmem_shared>>
      tpu.enqueue_dma source(%dma_start3A_96 : memref<128x128xf32, #tpu.memory_space<vmem_shared>>) target(%arg10 : memref<128x128xf32, #tpu.memory_space<vmem>>) target_semaphore(%run_scoped3A : memref<!tpu.dma_semaphore, #tpu.memory_space<semaphore_mem>>)
      %dma_wait3A = arith.constant 0 : i32
      %dma_wait3A_97 = tpu.memref_slice %arg12[%add3A_30, %dma_wait3A] : memref<10240x128xf32, #tpu.memory_space<vmem_shared>> -> memref<128x128xf32, #tpu.memory_space<vmem_shared>>
      %dma_wait3A_98 = arith.constant 0 : i32
      %dma_wait3A_99 = tpu.memref_slice %arg12[%add3A_30, %dma_wait3A_98] : memref<10240x128xf32, #tpu.memory_space<vmem_shared>> -> memref<128x128xf32, #tpu.memory_space<vmem_shared>>
      tpu.wait_dma2 semaphore(%run_scoped3A : memref<!tpu.dma_semaphore, #tpu.memory_space<semaphore_mem>>) src(%dma_wait3A_99 : memref<128x128xf32, #tpu.memory_space<vmem_shared>>) dst(%arg10 : memref<128x128xf32, #tpu.memory_space<vmem>>)
      tpu.yield
    }) : () -> ()
    %eq3A = arith.constant 0 : i32
    %eq3A_31 = arith.cmpi eq, %arg0, %eq3A : i32
    %convert_element_type3A = arith.extui %eq3A_31 : i1 to i32
    %cond3A = arith.constant 0 : i32
    %cond3A_32 = arith.cmpi ne, %convert_element_type3A, %cond3A : i32
    scf.if %cond3A_32 {
      "tpu.region"() ({
        %run_scoped3A = tpu.sem_alloc : memref<!tpu.dma_semaphore, #tpu.memory_space<semaphore_mem>>
        %dma_start3A = arith.constant 0 : i32
        %dma_start3A_94 = tpu.memref_slice %arg6[%add3A_30, %dma_start3A] : memref<10240x128xf32, #tpu.memory_space<hbm>> -> memref<128x128xf32, #tpu.memory_space<hbm>>
        %dma_start3A_95 = arith.constant 0 : i32
        %dma_start3A_96 = tpu.memref_slice %arg6[%add3A_30, %dma_start3A_95] : memref<10240x128xf32, #tpu.memory_space<hbm>> -> memref<128x128xf32, #tpu.memory_space<hbm>>
        tpu.enqueue_dma source(%arg10 : memref<128x128xf32, #tpu.memory_space<vmem>>) target(%dma_start3A_96 : memref<128x128xf32, #tpu.memory_space<hbm>>) target_semaphore(%run_scoped3A : memref<!tpu.dma_semaphore, #tpu.memory_space<semaphore_mem>>)
        %dma_wait3A = arith.constant 0 : i32
        %dma_wait3A_97 = tpu.memref_slice %arg6[%add3A_30, %dma_wait3A] : memref<10240x128xf32, #tpu.memory_space<hbm>> -> memref<128x128xf32, #tpu.memory_space<hbm>>
        %dma_wait3A_98 = arith.constant 0 : i32
        %dma_wait3A_99 = tpu.memref_slice %arg6[%add3A_30, %dma_wait3A_98] : memref<10240x128xf32, #tpu.memory_space<hbm>> -> memref<128x128xf32, #tpu.memory_space<hbm>>
        tpu.wait_dma2 semaphore(%run_scoped3A : memref<!tpu.dma_semaphore, #tpu.memory_space<semaphore_mem>>) src(%arg10 : memref<128x128xf32, #tpu.memory_space<vmem>>) dst(%dma_wait3A_99 : memref<128x128xf32, #tpu.memory_space<hbm>>)
        tpu.yield
      }) : () -> ()
    } else {
    }
    %eq3A_33 = arith.constant 1 : i32
    %eq3A_34 = arith.cmpi eq, %arg0, %eq3A_33 : i32
    %convert_element_type3A_35 = arith.extui %eq3A_34 : i1 to i32
    %cond3A_36 = arith.constant 0 : i32
    %cond3A_37 = arith.cmpi ne, %convert_element_type3A_35, %cond3A_36 : i32
    scf.if %cond3A_37 {
      "tpu.region"() ({
        %run_scoped3A = tpu.sem_alloc : memref<!tpu.dma_semaphore, #tpu.memory_space<semaphore_mem>>
        %dma_start3A = arith.constant 0 : i32
        %dma_start3A_94 = tpu.memref_slice %arg7[%add3A_30, %dma_start3A] : memref<10240x128xf32, #tpu.memory_space<hbm>> -> memref<128x128xf32, #tpu.memory_space<hbm>>
        %dma_start3A_95 = arith.constant 0 : i32
        %dma_start3A_96 = tpu.memref_slice %arg7[%add3A_30, %dma_start3A_95] : memref<10240x128xf32, #tpu.memory_space<hbm>> -> memref<128x128xf32, #tpu.memory_space<hbm>>
        tpu.enqueue_dma source(%arg10 : memref<128x128xf32, #tpu.memory_space<vmem>>) target(%dma_start3A_96 : memref<128x128xf32, #tpu.memory_space<hbm>>) target_semaphore(%run_scoped3A : memref<!tpu.dma_semaphore, #tpu.memory_space<semaphore_mem>>)
        %dma_wait3A = arith.constant 0 : i32
        %dma_wait3A_97 = tpu.memref_slice %arg7[%add3A_30, %dma_wait3A] : memref<10240x128xf32, #tpu.memory_space<hbm>> -> memref<128x128xf32, #tpu.memory_space<hbm>>
        %dma_wait3A_98 = arith.constant 0 : i32
        %dma_wait3A_99 = tpu.memref_slice %arg7[%add3A_30, %dma_wait3A_98] : memref<10240x128xf32, #tpu.memory_space<hbm>> -> memref<128x128xf32, #tpu.memory_space<hbm>>
        tpu.wait_dma2 semaphore(%run_scoped3A : memref<!tpu.dma_semaphore, #tpu.memory_space<semaphore_mem>>) src(%arg10 : memref<128x128xf32, #tpu.memory_space<vmem>>) dst(%dma_wait3A_99 : memref<128x128xf32, #tpu.memory_space<hbm>>)
        tpu.yield
      }) : () -> ()
    } else {
    }
    %mul3A_38 = arith.constant 640 : i32
    %mul3A_39 = arith.muli %arg1, %mul3A_38 : i32
    %add3A_40 = arith.constant 128 : i32
    %add3A_41 = arith.addi %mul3A_39, %add3A_40 : i32
    "tpu.region"() ({
      %run_scoped3A = tpu.sem_alloc : memref<!tpu.dma_semaphore, #tpu.memory_space<semaphore_mem>>
      %dma_start3A = arith.constant 0 : i32
      %dma_start3A_94 = tpu.memref_slice %arg12[%add3A_41, %dma_start3A] : memref<10240x128xf32, #tpu.memory_space<vmem_shared>> -> memref<128x128xf32, #tpu.memory_space<vmem_shared>>
      %dma_start3A_95 = arith.constant 0 : i32
      %dma_start3A_96 = tpu.memref_slice %arg12[%add3A_41, %dma_start3A_95] : memref<10240x128xf32, #tpu.memory_space<vmem_shared>> -> memref<128x128xf32, #tpu.memory_space<vmem_shared>>
      tpu.enqueue_dma source(%dma_start3A_96 : memref<128x128xf32, #tpu.memory_space<vmem_shared>>) target(%arg10 : memref<128x128xf32, #tpu.memory_space<vmem>>) target_semaphore(%run_scoped3A : memref<!tpu.dma_semaphore, #tpu.memory_space<semaphore_mem>>)
      %dma_wait3A = arith.constant 0 : i32
      %dma_wait3A_97 = tpu.memref_slice %arg12[%add3A_41, %dma_wait3A] : memref<10240x128xf32, #tpu.memory_space<vmem_shared>> -> memref<128x128xf32, #tpu.memory_space<vmem_shared>>
      %dma_wait3A_98 = arith.constant 0 : i32
      %dma_wait3A_99 = tpu.memref_slice %arg12[%add3A_41, %dma_wait3A_98] : memref<10240x128xf32, #tpu.memory_space<vmem_shared>> -> memref<128x128xf32, #tpu.memory_space<vmem_shared>>
      tpu.wait_dma2 semaphore(%run_scoped3A : memref<!tpu.dma_semaphore, #tpu.memory_space<semaphore_mem>>) src(%dma_wait3A_99 : memref<128x128xf32, #tpu.memory_space<vmem_shared>>) dst(%arg10 : memref<128x128xf32, #tpu.memory_space<vmem>>)
      tpu.yield
    }) : () -> ()
    %eq3A_42 = arith.constant 0 : i32
    %eq3A_43 = arith.cmpi eq, %arg0, %eq3A_42 : i32
    %convert_element_type3A_44 = arith.extui %eq3A_43 : i1 to i32
    %cond3A_45 = arith.constant 0 : i32
    %cond3A_46 = arith.cmpi ne, %convert_element_type3A_44, %cond3A_45 : i32
    scf.if %cond3A_46 {
      "tpu.region"() ({
        %run_scoped3A = tpu.sem_alloc : memref<!tpu.dma_semaphore, #tpu.memory_space<semaphore_mem>>
        %dma_start3A = arith.constant 0 : i32
        %dma_start3A_94 = tpu.memref_slice %arg6[%add3A_41, %dma_start3A] : memref<10240x128xf32, #tpu.memory_space<hbm>> -> memref<128x128xf32, #tpu.memory_space<hbm>>
        %dma_start3A_95 = arith.constant 0 : i32
        %dma_start3A_96 = tpu.memref_slice %arg6[%add3A_41, %dma_start3A_95] : memref<10240x128xf32, #tpu.memory_space<hbm>> -> memref<128x128xf32, #tpu.memory_space<hbm>>
        tpu.enqueue_dma source(%arg10 : memref<128x128xf32, #tpu.memory_space<vmem>>) target(%dma_start3A_96 : memref<128x128xf32, #tpu.memory_space<hbm>>) target_semaphore(%run_scoped3A : memref<!tpu.dma_semaphore, #tpu.memory_space<semaphore_mem>>)
        %dma_wait3A = arith.constant 0 : i32
        %dma_wait3A_97 = tpu.memref_slice %arg6[%add3A_41, %dma_wait3A] : memref<10240x128xf32, #tpu.memory_space<hbm>> -> memref<128x128xf32, #tpu.memory_space<hbm>>
        %dma_wait3A_98 = arith.constant 0 : i32
        %dma_wait3A_99 = tpu.memref_slice %arg6[%add3A_41, %dma_wait3A_98] : memref<10240x128xf32, #tpu.memory_space<hbm>> -> memref<128x128xf32, #tpu.memory_space<hbm>>
        tpu.wait_dma2 semaphore(%run_scoped3A : memref<!tpu.dma_semaphore, #tpu.memory_space<semaphore_mem>>) src(%arg10 : memref<128x128xf32, #tpu.memory_space<vmem>>) dst(%dma_wait3A_99 : memref<128x128xf32, #tpu.memory_space<hbm>>)
        tpu.yield
      }) : () -> ()
    } else {
    }
    %eq3A_47 = arith.constant 1 : i32
    %eq3A_48 = arith.cmpi eq, %arg0, %eq3A_47 : i32
    %convert_element_type3A_49 = arith.extui %eq3A_48 : i1 to i32
    %cond3A_50 = arith.constant 0 : i32
    %cond3A_51 = arith.cmpi ne, %convert_element_type3A_49, %cond3A_50 : i32
    scf.if %cond3A_51 {
      "tpu.region"() ({
        %run_scoped3A = tpu.sem_alloc : memref<!tpu.dma_semaphore, #tpu.memory_space<semaphore_mem>>
        %dma_start3A = arith.constant 0 : i32
        %dma_start3A_94 = tpu.memref_slice %arg7[%add3A_41, %dma_start3A] : memref<10240x128xf32, #tpu.memory_space<hbm>> -> memref<128x128xf32, #tpu.memory_space<hbm>>
        %dma_start3A_95 = arith.constant 0 : i32
        %dma_start3A_96 = tpu.memref_slice %arg7[%add3A_41, %dma_start3A_95] : memref<10240x128xf32, #tpu.memory_space<hbm>> -> memref<128x128xf32, #tpu.memory_space<hbm>>
        tpu.enqueue_dma source(%arg10 : memref<128x128xf32, #tpu.memory_space<vmem>>) target(%dma_start3A_96 : memref<128x128xf32, #tpu.memory_space<hbm>>) target_semaphore(%run_scoped3A : memref<!tpu.dma_semaphore, #tpu.memory_space<semaphore_mem>>)
        %dma_wait3A = arith.constant 0 : i32
        %dma_wait3A_97 = tpu.memref_slice %arg7[%add3A_41, %dma_wait3A] : memref<10240x128xf32, #tpu.memory_space<hbm>> -> memref<128x128xf32, #tpu.memory_space<hbm>>
        %dma_wait3A_98 = arith.constant 0 : i32
        %dma_wait3A_99 = tpu.memref_slice %arg7[%add3A_41, %dma_wait3A_98] : memref<10240x128xf32, #tpu.memory_space<hbm>> -> memref<128x128xf32, #tpu.memory_space<hbm>>
        tpu.wait_dma2 semaphore(%run_scoped3A : memref<!tpu.dma_semaphore, #tpu.memory_space<semaphore_mem>>) src(%arg10 : memref<128x128xf32, #tpu.memory_space<vmem>>) dst(%dma_wait3A_99 : memref<128x128xf32, #tpu.memory_space<hbm>>)
        tpu.yield
      }) : () -> ()
    } else {
    }
    %mul3A_52 = arith.constant 640 : i32
    %mul3A_53 = arith.muli %arg1, %mul3A_52 : i32
    %add3A_54 = arith.constant 256 : i32
    %add3A_55 = arith.addi %mul3A_53, %add3A_54 : i32
    "tpu.region"() ({
      %run_scoped3A = tpu.sem_alloc : memref<!tpu.dma_semaphore, #tpu.memory_space<semaphore_mem>>
      %dma_start3A = arith.constant 0 : i32
      %dma_start3A_94 = tpu.memref_slice %arg12[%add3A_55, %dma_start3A] : memref<10240x128xf32, #tpu.memory_space<vmem_shared>> -> memref<128x128xf32, #tpu.memory_space<vmem_shared>>
      %dma_start3A_95 = arith.constant 0 : i32
      %dma_start3A_96 = tpu.memref_slice %arg12[%add3A_55, %dma_start3A_95] : memref<10240x128xf32, #tpu.memory_space<vmem_shared>> -> memref<128x128xf32, #tpu.memory_space<vmem_shared>>
      tpu.enqueue_dma source(%dma_start3A_96 : memref<128x128xf32, #tpu.memory_space<vmem_shared>>) target(%arg10 : memref<128x128xf32, #tpu.memory_space<vmem>>) target_semaphore(%run_scoped3A : memref<!tpu.dma_semaphore, #tpu.memory_space<semaphore_mem>>)
      %dma_wait3A = arith.constant 0 : i32
      %dma_wait3A_97 = tpu.memref_slice %arg12[%add3A_55, %dma_wait3A] : memref<10240x128xf32, #tpu.memory_space<vmem_shared>> -> memref<128x128xf32, #tpu.memory_space<vmem_shared>>
      %dma_wait3A_98 = arith.constant 0 : i32
      %dma_wait3A_99 = tpu.memref_slice %arg12[%add3A_55, %dma_wait3A_98] : memref<10240x128xf32, #tpu.memory_space<vmem_shared>> -> memref<128x128xf32, #tpu.memory_space<vmem_shared>>
      tpu.wait_dma2 semaphore(%run_scoped3A : memref<!tpu.dma_semaphore, #tpu.memory_space<semaphore_mem>>) src(%dma_wait3A_99 : memref<128x128xf32, #tpu.memory_space<vmem_shared>>) dst(%arg10 : memref<128x128xf32, #tpu.memory_space<vmem>>)
      tpu.yield
    }) : () -> ()
    %eq3A_56 = arith.constant 0 : i32
    %eq3A_57 = arith.cmpi eq, %arg0, %eq3A_56 : i32
    %convert_element_type3A_58 = arith.extui %eq3A_57 : i1 to i32
    %cond3A_59 = arith.constant 0 : i32
    %cond3A_60 = arith.cmpi ne, %convert_element_type3A_58, %cond3A_59 : i32
    scf.if %cond3A_60 {
      "tpu.region"() ({
        %run_scoped3A = tpu.sem_alloc : memref<!tpu.dma_semaphore, #tpu.memory_space<semaphore_mem>>
        %dma_start3A = arith.constant 0 : i32
        %dma_start3A_94 = tpu.memref_slice %arg6[%add3A_55, %dma_start3A] : memref<10240x128xf32, #tpu.memory_space<hbm>> -> memref<128x128xf32, #tpu.memory_space<hbm>>
        %dma_start3A_95 = arith.constant 0 : i32
        %dma_start3A_96 = tpu.memref_slice %arg6[%add3A_55, %dma_start3A_95] : memref<10240x128xf32, #tpu.memory_space<hbm>> -> memref<128x128xf32, #tpu.memory_space<hbm>>
        tpu.enqueue_dma source(%arg10 : memref<128x128xf32, #tpu.memory_space<vmem>>) target(%dma_start3A_96 : memref<128x128xf32, #tpu.memory_space<hbm>>) target_semaphore(%run_scoped3A : memref<!tpu.dma_semaphore, #tpu.memory_space<semaphore_mem>>)
        %dma_wait3A = arith.constant 0 : i32
        %dma_wait3A_97 = tpu.memref_slice %arg6[%add3A_55, %dma_wait3A] : memref<10240x128xf32, #tpu.memory_space<hbm>> -> memref<128x128xf32, #tpu.memory_space<hbm>>
        %dma_wait3A_98 = arith.constant 0 : i32
        %dma_wait3A_99 = tpu.memref_slice %arg6[%add3A_55, %dma_wait3A_98] : memref<10240x128xf32, #tpu.memory_space<hbm>> -> memref<128x128xf32, #tpu.memory_space<hbm>>
        tpu.wait_dma2 semaphore(%run_scoped3A : memref<!tpu.dma_semaphore, #tpu.memory_space<semaphore_mem>>) src(%arg10 : memref<128x128xf32, #tpu.memory_space<vmem>>) dst(%dma_wait3A_99 : memref<128x128xf32, #tpu.memory_space<hbm>>)
        tpu.yield
      }) : () -> ()
    } else {
    }
    %eq3A_61 = arith.constant 1 : i32
    %eq3A_62 = arith.cmpi eq, %arg0, %eq3A_61 : i32
    %convert_element_type3A_63 = arith.extui %eq3A_62 : i1 to i32
    %cond3A_64 = arith.constant 0 : i32
    %cond3A_65 = arith.cmpi ne, %convert_element_type3A_63, %cond3A_64 : i32
    scf.if %cond3A_65 {
      "tpu.region"() ({
        %run_scoped3A = tpu.sem_alloc : memref<!tpu.dma_semaphore, #tpu.memory_space<semaphore_mem>>
        %dma_start3A = arith.constant 0 : i32
        %dma_start3A_94 = tpu.memref_slice %arg7[%add3A_55, %dma_start3A] : memref<10240x128xf32, #tpu.memory_space<hbm>> -> memref<128x128xf32, #tpu.memory_space<hbm>>
        %dma_start3A_95 = arith.constant 0 : i32
        %dma_start3A_96 = tpu.memref_slice %arg7[%add3A_55, %dma_start3A_95] : memref<10240x128xf32, #tpu.memory_space<hbm>> -> memref<128x128xf32, #tpu.memory_space<hbm>>
        tpu.enqueue_dma source(%arg10 : memref<128x128xf32, #tpu.memory_space<vmem>>) target(%dma_start3A_96 : memref<128x128xf32, #tpu.memory_space<hbm>>) target_semaphore(%run_scoped3A : memref<!tpu.dma_semaphore, #tpu.memory_space<semaphore_mem>>)
        %dma_wait3A = arith.constant 0 : i32
        %dma_wait3A_97 = tpu.memref_slice %arg7[%add3A_55, %dma_wait3A] : memref<10240x128xf32, #tpu.memory_space<hbm>> -> memref<128x128xf32, #tpu.memory_space<hbm>>
        %dma_wait3A_98 = arith.constant 0 : i32
        %dma_wait3A_99 = tpu.memref_slice %arg7[%add3A_55, %dma_wait3A_98] : memref<10240x128xf32, #tpu.memory_space<hbm>> -> memref<128x128xf32, #tpu.memory_space<hbm>>
        tpu.wait_dma2 semaphore(%run_scoped3A : memref<!tpu.dma_semaphore, #tpu.memory_space<semaphore_mem>>) src(%arg10 : memref<128x128xf32, #tpu.memory_space<vmem>>) dst(%dma_wait3A_99 : memref<128x128xf32, #tpu.memory_space<hbm>>)
        tpu.yield
      }) : () -> ()
    } else {
    }
    %mul3A_66 = arith.constant 640 : i32
    %mul3A_67 = arith.muli %arg1, %mul3A_66 : i32
    %add3A_68 = arith.constant 384 : i32
    %add3A_69 = arith.addi %mul3A_67, %add3A_68 : i32
    "tpu.region"() ({
      %run_scoped3A = tpu.sem_alloc : memref<!tpu.dma_semaphore, #tpu.memory_space<semaphore_mem>>
      %dma_start3A = arith.constant 0 : i32
      %dma_start3A_94 = tpu.memref_slice %arg12[%add3A_69, %dma_start3A] : memref<10240x128xf32, #tpu.memory_space<vmem_shared>> -> memref<128x128xf32, #tpu.memory_space<vmem_shared>>
      %dma_start3A_95 = arith.constant 0 : i32
      %dma_start3A_96 = tpu.memref_slice %arg12[%add3A_69, %dma_start3A_95] : memref<10240x128xf32, #tpu.memory_space<vmem_shared>> -> memref<128x128xf32, #tpu.memory_space<vmem_shared>>
      tpu.enqueue_dma source(%dma_start3A_96 : memref<128x128xf32, #tpu.memory_space<vmem_shared>>) target(%arg10 : memref<128x128xf32, #tpu.memory_space<vmem>>) target_semaphore(%run_scoped3A : memref<!tpu.dma_semaphore, #tpu.memory_space<semaphore_mem>>)
      %dma_wait3A = arith.constant 0 : i32
      %dma_wait3A_97 = tpu.memref_slice %arg12[%add3A_69, %dma_wait3A] : memref<10240x128xf32, #tpu.memory_space<vmem_shared>> -> memref<128x128xf32, #tpu.memory_space<vmem_shared>>
      %dma_wait3A_98 = arith.constant 0 : i32
      %dma_wait3A_99 = tpu.memref_slice %arg12[%add3A_69, %dma_wait3A_98] : memref<10240x128xf32, #tpu.memory_space<vmem_shared>> -> memref<128x128xf32, #tpu.memory_space<vmem_shared>>
      tpu.wait_dma2 semaphore(%run_scoped3A : memref<!tpu.dma_semaphore, #tpu.memory_space<semaphore_mem>>) src(%dma_wait3A_99 : memref<128x128xf32, #tpu.memory_space<vmem_shared>>) dst(%arg10 : memref<128x128xf32, #tpu.memory_space<vmem>>)
      tpu.yield
    }) : () -> ()
    %eq3A_70 = arith.constant 0 : i32
    %eq3A_71 = arith.cmpi eq, %arg0, %eq3A_70 : i32
    %convert_element_type3A_72 = arith.extui %eq3A_71 : i1 to i32
    %cond3A_73 = arith.constant 0 : i32
    %cond3A_74 = arith.cmpi ne, %convert_element_type3A_72, %cond3A_73 : i32
    scf.if %cond3A_74 {
      "tpu.region"() ({
        %run_scoped3A = tpu.sem_alloc : memref<!tpu.dma_semaphore, #tpu.memory_space<semaphore_mem>>
        %dma_start3A = arith.constant 0 : i32
        %dma_start3A_94 = tpu.memref_slice %arg6[%add3A_69, %dma_start3A] : memref<10240x128xf32, #tpu.memory_space<hbm>> -> memref<128x128xf32, #tpu.memory_space<hbm>>
        %dma_start3A_95 = arith.constant 0 : i32
        %dma_start3A_96 = tpu.memref_slice %arg6[%add3A_69, %dma_start3A_95] : memref<10240x128xf32, #tpu.memory_space<hbm>> -> memref<128x128xf32, #tpu.memory_space<hbm>>
        tpu.enqueue_dma source(%arg10 : memref<128x128xf32, #tpu.memory_space<vmem>>) target(%dma_start3A_96 : memref<128x128xf32, #tpu.memory_space<hbm>>) target_semaphore(%run_scoped3A : memref<!tpu.dma_semaphore, #tpu.memory_space<semaphore_mem>>)
        %dma_wait3A = arith.constant 0 : i32
        %dma_wait3A_97 = tpu.memref_slice %arg6[%add3A_69, %dma_wait3A] : memref<10240x128xf32, #tpu.memory_space<hbm>> -> memref<128x128xf32, #tpu.memory_space<hbm>>
        %dma_wait3A_98 = arith.constant 0 : i32
        %dma_wait3A_99 = tpu.memref_slice %arg6[%add3A_69, %dma_wait3A_98] : memref<10240x128xf32, #tpu.memory_space<hbm>> -> memref<128x128xf32, #tpu.memory_space<hbm>>
        tpu.wait_dma2 semaphore(%run_scoped3A : memref<!tpu.dma_semaphore, #tpu.memory_space<semaphore_mem>>) src(%arg10 : memref<128x128xf32, #tpu.memory_space<vmem>>) dst(%dma_wait3A_99 : memref<128x128xf32, #tpu.memory_space<hbm>>)
        tpu.yield
      }) : () -> ()
    } else {
    }
    %eq3A_75 = arith.constant 1 : i32
    %eq3A_76 = arith.cmpi eq, %arg0, %eq3A_75 : i32
    %convert_element_type3A_77 = arith.extui %eq3A_76 : i1 to i32
    %cond3A_78 = arith.constant 0 : i32
    %cond3A_79 = arith.cmpi ne, %convert_element_type3A_77, %cond3A_78 : i32
    scf.if %cond3A_79 {
      "tpu.region"() ({
        %run_scoped3A = tpu.sem_alloc : memref<!tpu.dma_semaphore, #tpu.memory_space<semaphore_mem>>
        %dma_start3A = arith.constant 0 : i32
        %dma_start3A_94 = tpu.memref_slice %arg7[%add3A_69, %dma_start3A] : memref<10240x128xf32, #tpu.memory_space<hbm>> -> memref<128x128xf32, #tpu.memory_space<hbm>>
        %dma_start3A_95 = arith.constant 0 : i32
        %dma_start3A_96 = tpu.memref_slice %arg7[%add3A_69, %dma_start3A_95] : memref<10240x128xf32, #tpu.memory_space<hbm>> -> memref<128x128xf32, #tpu.memory_space<hbm>>
        tpu.enqueue_dma source(%arg10 : memref<128x128xf32, #tpu.memory_space<vmem>>) target(%dma_start3A_96 : memref<128x128xf32, #tpu.memory_space<hbm>>) target_semaphore(%run_scoped3A : memref<!tpu.dma_semaphore, #tpu.memory_space<semaphore_mem>>)
        %dma_wait3A = arith.constant 0 : i32
        %dma_wait3A_97 = tpu.memref_slice %arg7[%add3A_69, %dma_wait3A] : memref<10240x128xf32, #tpu.memory_space<hbm>> -> memref<128x128xf32, #tpu.memory_space<hbm>>
        %dma_wait3A_98 = arith.constant 0 : i32
        %dma_wait3A_99 = tpu.memref_slice %arg7[%add3A_69, %dma_wait3A_98] : memref<10240x128xf32, #tpu.memory_space<hbm>> -> memref<128x128xf32, #tpu.memory_space<hbm>>
        tpu.wait_dma2 semaphore(%run_scoped3A : memref<!tpu.dma_semaphore, #tpu.memory_space<semaphore_mem>>) src(%arg10 : memref<128x128xf32, #tpu.memory_space<vmem>>) dst(%dma_wait3A_99 : memref<128x128xf32, #tpu.memory_space<hbm>>)
        tpu.yield
      }) : () -> ()
    } else {
    }
    %mul3A_80 = arith.constant 640 : i32
    %mul3A_81 = arith.muli %arg1, %mul3A_80 : i32
    %add3A_82 = arith.constant 512 : i32
    %add3A_83 = arith.addi %mul3A_81, %add3A_82 : i32
    "tpu.region"() ({
      %run_scoped3A = tpu.sem_alloc : memref<!tpu.dma_semaphore, #tpu.memory_space<semaphore_mem>>
      %dma_start3A = arith.constant 0 : i32
      %dma_start3A_94 = tpu.memref_slice %arg12[%add3A_83, %dma_start3A] : memref<10240x128xf32, #tpu.memory_space<vmem_shared>> -> memref<128x128xf32, #tpu.memory_space<vmem_shared>>
      %dma_start3A_95 = arith.constant 0 : i32
      %dma_start3A_96 = tpu.memref_slice %arg12[%add3A_83, %dma_start3A_95] : memref<10240x128xf32, #tpu.memory_space<vmem_shared>> -> memref<128x128xf32, #tpu.memory_space<vmem_shared>>
      tpu.enqueue_dma source(%dma_start3A_96 : memref<128x128xf32, #tpu.memory_space<vmem_shared>>) target(%arg10 : memref<128x128xf32, #tpu.memory_space<vmem>>) target_semaphore(%run_scoped3A : memref<!tpu.dma_semaphore, #tpu.memory_space<semaphore_mem>>)
      %dma_wait3A = arith.constant 0 : i32
      %dma_wait3A_97 = tpu.memref_slice %arg12[%add3A_83, %dma_wait3A] : memref<10240x128xf32, #tpu.memory_space<vmem_shared>> -> memref<128x128xf32, #tpu.memory_space<vmem_shared>>
      %dma_wait3A_98 = arith.constant 0 : i32
      %dma_wait3A_99 = tpu.memref_slice %arg12[%add3A_83, %dma_wait3A_98] : memref<10240x128xf32, #tpu.memory_space<vmem_shared>> -> memref<128x128xf32, #tpu.memory_space<vmem_shared>>
      tpu.wait_dma2 semaphore(%run_scoped3A : memref<!tpu.dma_semaphore, #tpu.memory_space<semaphore_mem>>) src(%dma_wait3A_99 : memref<128x128xf32, #tpu.memory_space<vmem_shared>>) dst(%arg10 : memref<128x128xf32, #tpu.memory_space<vmem>>)
      tpu.yield
    }) : () -> ()
    %eq3A_84 = arith.constant 0 : i32
    %eq3A_85 = arith.cmpi eq, %arg0, %eq3A_84 : i32
    %convert_element_type3A_86 = arith.extui %eq3A_85 : i1 to i32
    %cond3A_87 = arith.constant 0 : i32
    %cond3A_88 = arith.cmpi ne, %convert_element_type3A_86, %cond3A_87 : i32
    scf.if %cond3A_88 {
      "tpu.region"() ({
        %run_scoped3A = tpu.sem_alloc : memref<!tpu.dma_semaphore, #tpu.memory_space<semaphore_mem>>
        %dma_start3A = arith.constant 0 : i32
        %dma_start3A_94 = tpu.memref_slice %arg6[%add3A_83, %dma_start3A] : memref<10240x128xf32, #tpu.memory_space<hbm>> -> memref<128x128xf32, #tpu.memory_space<hbm>>
        %dma_start3A_95 = arith.constant 0 : i32
        %dma_start3A_96 = tpu.memref_slice %arg6[%add3A_83, %dma_start3A_95] : memref<10240x128xf32, #tpu.memory_space<hbm>> -> memref<128x128xf32, #tpu.memory_space<hbm>>
        tpu.enqueue_dma source(%arg10 : memref<128x128xf32, #tpu.memory_space<vmem>>) target(%dma_start3A_96 : memref<128x128xf32, #tpu.memory_space<hbm>>) target_semaphore(%run_scoped3A : memref<!tpu.dma_semaphore, #tpu.memory_space<semaphore_mem>>)
        %dma_wait3A = arith.constant 0 : i32
        %dma_wait3A_97 = tpu.memref_slice %arg6[%add3A_83, %dma_wait3A] : memref<10240x128xf32, #tpu.memory_space<hbm>> -> memref<128x128xf32, #tpu.memory_space<hbm>>
        %dma_wait3A_98 = arith.constant 0 : i32
        %dma_wait3A_99 = tpu.memref_slice %arg6[%add3A_83, %dma_wait3A_98] : memref<10240x128xf32, #tpu.memory_space<hbm>> -> memref<128x128xf32, #tpu.memory_space<hbm>>
        tpu.wait_dma2 semaphore(%run_scoped3A : memref<!tpu.dma_semaphore, #tpu.memory_space<semaphore_mem>>) src(%arg10 : memref<128x128xf32, #tpu.memory_space<vmem>>) dst(%dma_wait3A_99 : memref<128x128xf32, #tpu.memory_space<hbm>>)
        tpu.yield
      }) : () -> ()
    } else {
    }
    %eq3A_89 = arith.constant 1 : i32
    %eq3A_90 = arith.cmpi eq, %arg0, %eq3A_89 : i32
    %convert_element_type3A_91 = arith.extui %eq3A_90 : i1 to i32
    %cond3A_92 = arith.constant 0 : i32
    %cond3A_93 = arith.cmpi ne, %convert_element_type3A_91, %cond3A_92 : i32
    scf.if %cond3A_93 {
      "tpu.region"() ({
        %run_scoped3A = tpu.sem_alloc : memref<!tpu.dma_semaphore, #tpu.memory_space<semaphore_mem>>
        %dma_start3A = arith.constant 0 : i32
        %dma_start3A_94 = tpu.memref_slice %arg7[%add3A_83, %dma_start3A] : memref<10240x128xf32, #tpu.memory_space<hbm>> -> memref<128x128xf32, #tpu.memory_space<hbm>>
        %dma_start3A_95 = arith.constant 0 : i32
        %dma_start3A_96 = tpu.memref_slice %arg7[%add3A_83, %dma_start3A_95] : memref<10240x128xf32, #tpu.memory_space<hbm>> -> memref<128x128xf32, #tpu.memory_space<hbm>>
        tpu.enqueue_dma source(%arg10 : memref<128x128xf32, #tpu.memory_space<vmem>>) target(%dma_start3A_96 : memref<128x128xf32, #tpu.memory_space<hbm>>) target_semaphore(%run_scoped3A : memref<!tpu.dma_semaphore, #tpu.memory_space<semaphore_mem>>)
        %dma_wait3A = arith.constant 0 : i32
        %dma_wait3A_97 = tpu.memref_slice %arg7[%add3A_83, %dma_wait3A] : memref<10240x128xf32, #tpu.memory_space<hbm>> -> memref<128x128xf32, #tpu.memory_space<hbm>>
        %dma_wait3A_98 = arith.constant 0 : i32
        %dma_wait3A_99 = tpu.memref_slice %arg7[%add3A_83, %dma_wait3A_98] : memref<10240x128xf32, #tpu.memory_space<hbm>> -> memref<128x128xf32, #tpu.memory_space<hbm>>
        tpu.wait_dma2 semaphore(%run_scoped3A : memref<!tpu.dma_semaphore, #tpu.memory_space<semaphore_mem>>) src(%arg10 : memref<128x128xf32, #tpu.memory_space<vmem>>) dst(%dma_wait3A_99 : memref<128x128xf32, #tpu.memory_space<hbm>>)
        tpu.yield
      }) : () -> ()
    } else {
    }
    return
  }
}

module attributes {stable_mosaic.version = 14 : i64} {
  func.func @body(%arg0: i32, %arg1: memref<80x128xf32, #tpu.memory_space<vmem>>, %arg2: memref<80x128xf32, #tpu.memory_space<vmem>>, %arg3: memref<1000x128xf32, #tpu.memory_space<vmem>>, %arg4: memref<128x128xf32, #tpu.memory_space<vmem>>, %arg5: memref<1000x128xf32, #tpu.memory_space<vmem>>) attributes {dimension_semantics = [#tpu.dimension_semantics<arbitrary>], iteration_bounds = array<i64: 10>, scalar_prefetch = 0 : i64, scratch_operands = 0 : i64, tpu.core_type = #tpu.core_type<tc>, window_params = [{pipeline_mode = #tpu.pipeline_mode<synchronous>, transform_indices = @transform_0, window_bounds = array<i64: 80, 128>}, {pipeline_mode = #tpu.pipeline_mode<synchronous>, transform_indices = @transform_1, window_bounds = array<i64: 80, 128>}, {transform_indices = @transform_2, window_bounds = array<i64: 1000, 128>}, {pipeline_mode = #tpu.pipeline_mode<synchronous>, transform_indices = @transform_3, window_bounds = array<i64: 128, 128>}, {transform_indices = @transform_4, window_bounds = array<i64: 1000, 128>}]} {
    %mul3A = arith.constant 1000 : i32
    %mul3A_0 = arith.muli %arg0, %mul3A : i32
    %get3A = arith.constant 0 : index
    %get3A_1 = arith.constant 0 : index
    %get3A_2 = vector.load %arg1[%get3A, %get3A_1] : memref<80x128xf32, #tpu.memory_space<vmem>>, vector<80x128xf32>
    %get3A_3 = arith.constant 0 : index
    %get3A_4 = arith.constant 0 : index
    %get3A_5 = vector.load %arg2[%get3A_3, %get3A_4] : memref<80x128xf32, #tpu.memory_space<vmem>>, vector<80x128xf32>
    %add3A = arith.addf %get3A_2, %get3A_5 : vector<80x128xf32>
    %add3A_6 = arith.constant 1.000000e+00 : f32
    %add3A_7 = vector.broadcast %add3A_6 : f32 to vector<80x128xf32>
    %add3A_8 = arith.addf %add3A, %add3A_7 : vector<80x128xf32>
    %rsqrt3A = math.rsqrt %add3A_8 : vector<80x128xf32>
    %iota3A = tpu.iota {dimensions = array<i32: 0>} : vector<1000x80xi32>
    %add3A_9 = vector.broadcast %mul3A_0 : i32 to vector<1000x80xi32>
    %add3A_10 = arith.addi %iota3A, %add3A_9 : vector<1000x80xi32>
    %jit3A = arith.constant 128 : i32
    %div3A = vector.broadcast %jit3A : i32 to vector<1000x80xi32>
    %div3A_11 = arith.divsi %add3A_10, %div3A : vector<1000x80xi32>
    %sign3A = arith.constant 0 : i32
    %sign3A_12 = vector.broadcast %sign3A : i32 to vector<1000x80xi32>
    %sign3A_13 = arith.cmpi sgt, %add3A_10, %sign3A_12 : vector<1000x80xi32>
    %sign3A_14 = arith.extui %sign3A_13 : vector<1000x80xi1> to vector<1000x80xi32>
    %sign3A_15 = arith.constant 0 : i32
    %sign3A_16 = vector.broadcast %sign3A_15 : i32 to vector<1000x80xi32>
    %sign3A_17 = arith.cmpi slt, %add3A_10, %sign3A_16 : vector<1000x80xi32>
    %sign3A_18 = arith.extui %sign3A_17 : vector<1000x80xi1> to vector<1000x80xi32>
    %sign3A_19 = arith.subi %sign3A_14, %sign3A_18 : vector<1000x80xi32>
    %sign3A_20 = arith.constant 0 : i32
    %sign3A_21 = arith.cmpi sgt, %jit3A, %sign3A_20 : i32
    %sign3A_22 = arith.extui %sign3A_21 : i1 to i32
    %sign3A_23 = arith.constant 0 : i32
    %sign3A_24 = arith.cmpi slt, %jit3A, %sign3A_23 : i32
    %sign3A_25 = arith.extui %sign3A_24 : i1 to i32
    %sign3A_26 = arith.subi %sign3A_22, %sign3A_25 : i32
    %ne3A = vector.broadcast %sign3A_26 : i32 to vector<1000x80xi32>
    %ne3A_27 = arith.cmpi ne, %sign3A_19, %ne3A : vector<1000x80xi32>
    %rem3A = vector.broadcast %jit3A : i32 to vector<1000x80xi32>
    %rem3A_28 = arith.remsi %add3A_10, %rem3A : vector<1000x80xi32>
    %ne3A_29 = arith.constant 0 : i32
    %ne3A_30 = vector.broadcast %ne3A_29 : i32 to vector<1000x80xi32>
    %ne3A_31 = arith.cmpi ne, %rem3A_28, %ne3A_30 : vector<1000x80xi32>
    %and3A = arith.andi %ne3A_27, %ne3A_31 : vector<1000x80xi1>
    %sub3A = arith.constant 1 : i32
    %sub3A_32 = vector.broadcast %sub3A : i32 to vector<1000x80xi32>
    %sub3A_33 = arith.subi %div3A_11, %sub3A_32 : vector<1000x80xi32>
    %select_n3A = arith.select %and3A, %sub3A_33, %div3A_11 : vector<1000x80xi1>, vector<1000x80xi32>
    %iota3A_34 = tpu.iota {dimensions = array<i32: 1>} : vector<1000x80xi32>
    %eq3A = arith.cmpi eq, %select_n3A, %iota3A_34 : vector<1000x80xi32>
    %convert_element_type3A = arith.extui %eq3A : vector<1000x80xi1> to vector<1000x80xi32>
    %convert_element_type3A_35 = arith.sitofp %convert_element_type3A : vector<1000x80xi32> to vector<1000x80xf32>
    %dot_general3A = arith.constant dense<0.000000e+00> : vector<1000x128xf32>
    %dot_general3A_36 = tpu.matmul %convert_element_type3A_35, %rsqrt3A, %dot_general3A {dimension_numbers = #tpu.dot_dimension_numbers<[1], [0], [0], [1], [0, 0, 1, 1], [], []>, precision = #tpu.contract_precision<fp32>, transpose_lhs_hint = false} : vector<1000x80xf32>, vector<80x128xf32>, vector<1000x128xf32> -> vector<1000x128xf32>
    %iota3A_37 = tpu.iota {dimensions = array<i32: 1>} : vector<1000x128xi32>
    %iota3A_38 = tpu.iota {dimensions = array<i32: 0>} : vector<1000x128xi32>
    %add3A_39 = vector.broadcast %mul3A_0 : i32 to vector<1000x128xi32>
    %add3A_40 = arith.addi %iota3A_38, %add3A_39 : vector<1000x128xi32>
    %jit3A_41 = arith.constant 128 : i32
    %eq3A_42 = arith.constant 0 : i32
    %eq3A_43 = arith.cmpi eq, %jit3A_41, %eq3A_42 : i32
    %jit3A_44 = arith.constant 1 : i32
    %select_n3A_45 = arith.select %eq3A_43, %jit3A_44, %jit3A_41 : i32
    %rem3A_46 = vector.broadcast %select_n3A_45 : i32 to vector<1000x128xi32>
    %rem3A_47 = arith.remsi %add3A_40, %rem3A_46 : vector<1000x128xi32>
    %ne3A_48 = arith.constant 0 : i32
    %ne3A_49 = vector.broadcast %ne3A_48 : i32 to vector<1000x128xi32>
    %ne3A_50 = arith.cmpi ne, %rem3A_47, %ne3A_49 : vector<1000x128xi32>
    %lt3A = arith.constant 0 : i32
    %lt3A_51 = vector.broadcast %lt3A : i32 to vector<1000x128xi32>
    %lt3A_52 = arith.cmpi slt, %rem3A_47, %lt3A_51 : vector<1000x128xi32>
    %lt3A_53 = arith.constant 0 : i32
    %lt3A_54 = arith.cmpi slt, %select_n3A_45, %lt3A_53 : i32
    %ne3A_55 = vector.broadcast %lt3A_54 : i1 to vector<1000x128xi1>
    %ne3A_56 = vector.broadcast %ne3A_55 : vector<1000x128xi1> to vector<1000x128xi1>
    %ne3A_57 = arith.xori %lt3A_52, %ne3A_56 : vector<1000x128xi1>
    %and3A_58 = arith.andi %ne3A_57, %ne3A_50 : vector<1000x128xi1>
    %add3A_59 = vector.broadcast %select_n3A_45 : i32 to vector<1000x128xi32>
    %add3A_60 = arith.addi %rem3A_47, %add3A_59 : vector<1000x128xi32>
    %select_n3A_61 = arith.select %and3A_58, %add3A_60, %rem3A_47 : vector<1000x128xi1>, vector<1000x128xi32>
    %eq3A_62 = arith.cmpi eq, %iota3A_37, %select_n3A_61 : vector<1000x128xi32>
    %jit3A_63 = arith.constant 0.000000e+00 : f32
    %broadcast_in_dim3A = vector.broadcast %jit3A_63 : f32 to vector<1000x128xf32>
    %select_n3A_64 = arith.select %eq3A_62, %dot_general3A_36, %broadcast_in_dim3A : vector<1000x128xi1>, vector<1000x128xf32>
    %reduce_sum3A = arith.constant dense<0.000000e+00> : vector<1000xf32>
    %reduce_sum3A_65 = vector.multi_reduction <add>, %select_n3A_64, %reduce_sum3A [1] : vector<1000x128xf32> to vector<1000xf32>
    %broadcast_in_dim3A_66 = vector.shape_cast %reduce_sum3A_65 : vector<1000xf32> to vector<1000x1xf32>
    %get3A_67 = arith.constant 0 : index
    %get3A_68 = arith.constant 0 : index
    %get3A_69 = vector.load %arg3[%get3A_67, %get3A_68] : memref<1000x128xf32, #tpu.memory_space<vmem>>, vector<1000x128xf32>
    %get3A_70 = arith.constant 0 : index
    %get3A_71 = arith.constant 0 : index
    %get3A_72 = vector.load %arg4[%get3A_70, %get3A_71] : memref<128x128xf32, #tpu.memory_space<vmem>>, vector<128x128xf32>
    %dot_general3A_73 = arith.constant dense<0.000000e+00> : vector<1000x128xf32>
    %dot_general3A_74 = tpu.matmul %get3A_69, %get3A_72, %dot_general3A_73 {dimension_numbers = #tpu.dot_dimension_numbers<[1], [0], [0], [1], [0, 0, 1, 1], [], []>, transpose_lhs_hint = false} : vector<1000x128xf32>, vector<128x128xf32>, vector<1000x128xf32> -> vector<1000x128xf32>
    %mul3A_75 = vector.broadcast %broadcast_in_dim3A_66 : vector<1000x1xf32> to vector<1000x128xf32>
    %mul3A_76 = arith.mulf %dot_general3A_74, %mul3A_75 : vector<1000x128xf32>
    %swap3A = arith.constant 0 : index
    %swap3A_77 = arith.constant 0 : index
    %swap3A_78 = vector.load %arg5[%swap3A, %swap3A_77] : memref<1000x128xf32, #tpu.memory_space<vmem>>, vector<1000x128xf32>
    tpu.vector_store %arg5[%swap3A, %swap3A_77], %mul3A_76 {strides = array<i32>} : memref<1000x128xf32, #tpu.memory_space<vmem>>, vector<1000x128xf32>,
    return
  }
  func.func @transform_0(%arg0: i32) -> (i32, i32) {
    %c0_i32 = arith.constant 0 : i32
    %c0_i32_0 = arith.constant 0 : i32
    %c0_i32_1 = arith.constant 0 : i32
    return %c0_i32, %c0_i32_0 : i32, i32
  }
  func.func @transform_1(%arg0: i32) -> (i32, i32) {
    %c0_i32 = arith.constant 0 : i32
    %c0_i32_0 = arith.constant 0 : i32
    %c0_i32_1 = arith.constant 0 : i32
    return %c0_i32, %c0_i32_0 : i32, i32
  }
  func.func @transform_2(%arg0: i32) -> (i32, i32) {
    %c0_i32 = arith.constant 0 : i32
    %c0_i32_0 = arith.constant 0 : i32
    return %arg0, %c0_i32 : i32, i32
  }
  func.func @transform_3(%arg0: i32) -> (i32, i32) {
    %c0_i32 = arith.constant 0 : i32
    %c0_i32_0 = arith.constant 0 : i32
    %c0_i32_1 = arith.constant 0 : i32
    return %c0_i32, %c0_i32_0 : i32, i32
  }
  func.func @transform_4(%arg0: i32) -> (i32, i32) {
    %c0_i32 = arith.constant 0 : i32
    %c0_i32_0 = arith.constant 0 : i32
    return %arg0, %c0_i32 : i32, i32
  }
}

module attributes {stable_mosaic.version = 14 : i64} {
  func.func @body(%arg0: i32, %arg1: memref<80x128xf32, #tpu.memory_space<vmem>>, %arg2: memref<80x128xf32, #tpu.memory_space<vmem>>, %arg3: memref<1000x128xf32, #tpu.memory_space<vmem>>, %arg4: memref<1000x128xf32, #tpu.memory_space<vmem>>, %arg5: memref<1000x128xf32, #tpu.memory_space<vmem>>, %arg6: memref<1x128xf32, #tpu.memory_space<vmem>>, %arg7: memref<128x64xf32, #tpu.memory_space<vmem>>, %arg8: memref<1000x64xf32, #tpu.memory_space<vmem>>) attributes {dimension_semantics = [#tpu.dimension_semantics<arbitrary>], iteration_bounds = array<i64: 10>, scalar_prefetch = 0 : i64, scratch_operands = 0 : i64, tpu.core_type = #tpu.core_type<tc>, window_params = [{pipeline_mode = #tpu.pipeline_mode<synchronous>, transform_indices = @transform_0, window_bounds = array<i64: 80, 128>}, {pipeline_mode = #tpu.pipeline_mode<synchronous>, transform_indices = @transform_1, window_bounds = array<i64: 80, 128>}, {transform_indices = @transform_2, window_bounds = array<i64: 1000, 128>}, {transform_indices = @transform_3, window_bounds = array<i64: 1000, 128>}, {transform_indices = @transform_4, window_bounds = array<i64: 1000, 128>}, {pipeline_mode = #tpu.pipeline_mode<synchronous>, transform_indices = @transform_5, window_bounds = array<i64: 1, 128>}, {pipeline_mode = #tpu.pipeline_mode<synchronous>, transform_indices = @transform_6, window_bounds = array<i64: 128, 64>}, {transform_indices = @transform_7, window_bounds = array<i64: 1000, 64>}]} {
    %mul3A = arith.constant 1000 : i32
    %mul3A_0 = arith.muli %arg0, %mul3A : i32
    %get3A = arith.constant 0 : index
    %get3A_1 = arith.constant 0 : index
    %get3A_2 = vector.load %arg1[%get3A, %get3A_1] : memref<80x128xf32, #tpu.memory_space<vmem>>, vector<80x128xf32>
    %get3A_3 = arith.constant 0 : index
    %get3A_4 = arith.constant 0 : index
    %get3A_5 = vector.load %arg2[%get3A_3, %get3A_4] : memref<80x128xf32, #tpu.memory_space<vmem>>, vector<80x128xf32>
    %add3A = arith.addf %get3A_2, %get3A_5 : vector<80x128xf32>
    %add3A_6 = arith.constant 1.000000e+00 : f32
    %add3A_7 = vector.broadcast %add3A_6 : f32 to vector<80x128xf32>
    %add3A_8 = arith.addf %add3A, %add3A_7 : vector<80x128xf32>
    %rsqrt3A = math.rsqrt %add3A_8 : vector<80x128xf32>
    %iota3A = tpu.iota {dimensions = array<i32: 0>} : vector<1000x80xi32>
    %add3A_9 = vector.broadcast %mul3A_0 : i32 to vector<1000x80xi32>
    %add3A_10 = arith.addi %iota3A, %add3A_9 : vector<1000x80xi32>
    %jit3A = arith.constant 128 : i32
    %div3A = vector.broadcast %jit3A : i32 to vector<1000x80xi32>
    %div3A_11 = arith.divsi %add3A_10, %div3A : vector<1000x80xi32>
    %sign3A = arith.constant 0 : i32
    %sign3A_12 = vector.broadcast %sign3A : i32 to vector<1000x80xi32>
    %sign3A_13 = arith.cmpi sgt, %add3A_10, %sign3A_12 : vector<1000x80xi32>
    %sign3A_14 = arith.extui %sign3A_13 : vector<1000x80xi1> to vector<1000x80xi32>
    %sign3A_15 = arith.constant 0 : i32
    %sign3A_16 = vector.broadcast %sign3A_15 : i32 to vector<1000x80xi32>
    %sign3A_17 = arith.cmpi slt, %add3A_10, %sign3A_16 : vector<1000x80xi32>
    %sign3A_18 = arith.extui %sign3A_17 : vector<1000x80xi1> to vector<1000x80xi32>
    %sign3A_19 = arith.subi %sign3A_14, %sign3A_18 : vector<1000x80xi32>
    %sign3A_20 = arith.constant 0 : i32
    %sign3A_21 = arith.cmpi sgt, %jit3A, %sign3A_20 : i32
    %sign3A_22 = arith.extui %sign3A_21 : i1 to i32
    %sign3A_23 = arith.constant 0 : i32
    %sign3A_24 = arith.cmpi slt, %jit3A, %sign3A_23 : i32
    %sign3A_25 = arith.extui %sign3A_24 : i1 to i32
    %sign3A_26 = arith.subi %sign3A_22, %sign3A_25 : i32
    %ne3A = vector.broadcast %sign3A_26 : i32 to vector<1000x80xi32>
    %ne3A_27 = arith.cmpi ne, %sign3A_19, %ne3A : vector<1000x80xi32>
    %rem3A = vector.broadcast %jit3A : i32 to vector<1000x80xi32>
    %rem3A_28 = arith.remsi %add3A_10, %rem3A : vector<1000x80xi32>
    %ne3A_29 = arith.constant 0 : i32
    %ne3A_30 = vector.broadcast %ne3A_29 : i32 to vector<1000x80xi32>
    %ne3A_31 = arith.cmpi ne, %rem3A_28, %ne3A_30 : vector<1000x80xi32>
    %and3A = arith.andi %ne3A_27, %ne3A_31 : vector<1000x80xi1>
    %sub3A = arith.constant 1 : i32
    %sub3A_32 = vector.broadcast %sub3A : i32 to vector<1000x80xi32>
    %sub3A_33 = arith.subi %div3A_11, %sub3A_32 : vector<1000x80xi32>
    %select_n3A = arith.select %and3A, %sub3A_33, %div3A_11 : vector<1000x80xi1>, vector<1000x80xi32>
    %iota3A_34 = tpu.iota {dimensions = array<i32: 1>} : vector<1000x80xi32>
    %eq3A = arith.cmpi eq, %select_n3A, %iota3A_34 : vector<1000x80xi32>
    %convert_element_type3A = arith.extui %eq3A : vector<1000x80xi1> to vector<1000x80xi32>
    %convert_element_type3A_35 = arith.sitofp %convert_element_type3A : vector<1000x80xi32> to vector<1000x80xf32>
    %dot_general3A = arith.constant dense<0.000000e+00> : vector<1000x128xf32>
    %dot_general3A_36 = tpu.matmul %convert_element_type3A_35, %rsqrt3A, %dot_general3A {dimension_numbers = #tpu.dot_dimension_numbers<[1], [0], [0], [1], [0, 0, 1, 1], [], []>, precision = #tpu.contract_precision<fp32>, transpose_lhs_hint = false} : vector<1000x80xf32>, vector<80x128xf32>, vector<1000x128xf32> -> vector<1000x128xf32>
    %iota3A_37 = tpu.iota {dimensions = array<i32: 1>} : vector<1000x128xi32>
    %iota3A_38 = tpu.iota {dimensions = array<i32: 0>} : vector<1000x128xi32>
    %add3A_39 = vector.broadcast %mul3A_0 : i32 to vector<1000x128xi32>
    %add3A_40 = arith.addi %iota3A_38, %add3A_39 : vector<1000x128xi32>
    %jit3A_41 = arith.constant 128 : i32
    %eq3A_42 = arith.constant 0 : i32
    %eq3A_43 = arith.cmpi eq, %jit3A_41, %eq3A_42 : i32
    %jit3A_44 = arith.constant 1 : i32
    %select_n3A_45 = arith.select %eq3A_43, %jit3A_44, %jit3A_41 : i32
    %rem3A_46 = vector.broadcast %select_n3A_45 : i32 to vector<1000x128xi32>
    %rem3A_47 = arith.remsi %add3A_40, %rem3A_46 : vector<1000x128xi32>
    %ne3A_48 = arith.constant 0 : i32
    %ne3A_49 = vector.broadcast %ne3A_48 : i32 to vector<1000x128xi32>
    %ne3A_50 = arith.cmpi ne, %rem3A_47, %ne3A_49 : vector<1000x128xi32>
    %lt3A = arith.constant 0 : i32
    %lt3A_51 = vector.broadcast %lt3A : i32 to vector<1000x128xi32>
    %lt3A_52 = arith.cmpi slt, %rem3A_47, %lt3A_51 : vector<1000x128xi32>
    %lt3A_53 = arith.constant 0 : i32
    %lt3A_54 = arith.cmpi slt, %select_n3A_45, %lt3A_53 : i32
    %ne3A_55 = vector.broadcast %lt3A_54 : i1 to vector<1000x128xi1>
    %ne3A_56 = vector.broadcast %ne3A_55 : vector<1000x128xi1> to vector<1000x128xi1>
    %ne3A_57 = arith.xori %lt3A_52, %ne3A_56 : vector<1000x128xi1>
    %and3A_58 = arith.andi %ne3A_57, %ne3A_50 : vector<1000x128xi1>
    %add3A_59 = vector.broadcast %select_n3A_45 : i32 to vector<1000x128xi32>
    %add3A_60 = arith.addi %rem3A_47, %add3A_59 : vector<1000x128xi32>
    %select_n3A_61 = arith.select %and3A_58, %add3A_60, %rem3A_47 : vector<1000x128xi1>, vector<1000x128xi32>
    %eq3A_62 = arith.cmpi eq, %iota3A_37, %select_n3A_61 : vector<1000x128xi32>
    %jit3A_63 = arith.constant 0.000000e+00 : f32
    %broadcast_in_dim3A = vector.broadcast %jit3A_63 : f32 to vector<1000x128xf32>
    %select_n3A_64 = arith.select %eq3A_62, %dot_general3A_36, %broadcast_in_dim3A : vector<1000x128xi1>, vector<1000x128xf32>
    %reduce_sum3A = arith.constant dense<0.000000e+00> : vector<1000xf32>
    %reduce_sum3A_65 = vector.multi_reduction <add>, %select_n3A_64, %reduce_sum3A [1] : vector<1000x128xf32> to vector<1000xf32>
    %broadcast_in_dim3A_66 = vector.shape_cast %reduce_sum3A_65 : vector<1000xf32> to vector<1000x1xf32>
    %get3A_67 = arith.constant 0 : index
    %get3A_68 = arith.constant 0 : index
    %get3A_69 = vector.load %arg3[%get3A_67, %get3A_68] : memref<1000x128xf32, #tpu.memory_space<vmem>>, vector<1000x128xf32>
    %get3A_70 = arith.constant 0 : index
    %get3A_71 = arith.constant 0 : index
    %get3A_72 = vector.load %arg4[%get3A_70, %get3A_71] : memref<1000x128xf32, #tpu.memory_space<vmem>>, vector<1000x128xf32>
    %add3A_73 = arith.addf %get3A_69, %get3A_72 : vector<1000x128xf32>
    %get3A_74 = arith.constant 0 : index
    %get3A_75 = arith.constant 0 : index
    %get3A_76 = vector.load %arg5[%get3A_74, %get3A_75] : memref<1000x128xf32, #tpu.memory_space<vmem>>, vector<1000x128xf32>
    %add3A_77 = arith.addf %add3A_73, %get3A_76 : vector<1000x128xf32>
    %mul3A_78 = vector.broadcast %broadcast_in_dim3A_66 : vector<1000x1xf32> to vector<1000x128xf32>
    %mul3A_79 = arith.mulf %mul3A_78, %add3A_77 : vector<1000x128xf32>
    %get3A_80 = arith.constant 0 : index
    %get3A_81 = arith.constant 0 : index
    %get3A_82 = vector.load %arg6[%get3A_80, %get3A_81] : memref<1x128xf32, #tpu.memory_space<vmem>>, vector<1x128xf32>
    %add3A_83 = vector.broadcast %get3A_82 : vector<1x128xf32> to vector<1000x128xf32>
    %add3A_84 = arith.addf %mul3A_79, %add3A_83 : vector<1000x128xf32>
    %max3A = arith.constant 0.000000e+00 : f32
    %max3A_85 = vector.broadcast %max3A : f32 to vector<1000x128xf32>
    %max3A_86 = arith.maximumf %add3A_84, %max3A_85 : vector<1000x128xf32>
    %get3A_87 = arith.constant 0 : index
    %get3A_88 = arith.constant 0 : index
    %get3A_89 = vector.load %arg7[%get3A_87, %get3A_88] : memref<128x64xf32, #tpu.memory_space<vmem>>, vector<128x64xf32>
    %dot_general3A_90 = arith.constant dense<0.000000e+00> : vector<1000x64xf32>
    %dot_general3A_91 = tpu.matmul %max3A_86, %get3A_89, %dot_general3A_90 {dimension_numbers = #tpu.dot_dimension_numbers<[1], [0], [0], [1], [0, 0, 1, 1], [], []>, transpose_lhs_hint = false} : vector<1000x128xf32>, vector<128x64xf32>, vector<1000x64xf32> -> vector<1000x64xf32>
    %mul3A_92 = vector.broadcast %broadcast_in_dim3A_66 : vector<1000x1xf32> to vector<1000x64xf32>
    %mul3A_93 = arith.mulf %dot_general3A_91, %mul3A_92 : vector<1000x64xf32>
    %swap3A = arith.constant 0 : index
    %swap3A_94 = arith.constant 0 : index
    %swap3A_95 = vector.load %arg8[%swap3A, %swap3A_94] : memref<1000x64xf32, #tpu.memory_space<vmem>>, vector<1000x64xf32>
    tpu.vector_store %arg8[%swap3A, %swap3A_94], %mul3A_93 {strides = array<i32>} : memref<1000x64xf32, #tpu.memory_space<vmem>>, vector<1000x64xf32>,
    return
  }
  func.func @transform_0(%arg0: i32) -> (i32, i32) {
    %c0_i32 = arith.constant 0 : i32
    %c0_i32_0 = arith.constant 0 : i32
    %c0_i32_1 = arith.constant 0 : i32
    return %c0_i32, %c0_i32_0 : i32, i32
  }
  func.func @transform_1(%arg0: i32) -> (i32, i32) {
    %c0_i32 = arith.constant 0 : i32
    %c0_i32_0 = arith.constant 0 : i32
    %c0_i32_1 = arith.constant 0 : i32
    return %c0_i32, %c0_i32_0 : i32, i32
  }
  func.func @transform_2(%arg0: i32) -> (i32, i32) {
    %c0_i32 = arith.constant 0 : i32
    %c0_i32_0 = arith.constant 0 : i32
    return %arg0, %c0_i32 : i32, i32
  }
  func.func @transform_3(%arg0: i32) -> (i32, i32) {
    %c0_i32 = arith.constant 0 : i32
    %c0_i32_0 = arith.constant 0 : i32
    return %arg0, %c0_i32 : i32, i32
  }
  func.func @transform_4(%arg0: i32) -> (i32, i32) {
    %c0_i32 = arith.constant 0 : i32
    %c0_i32_0 = arith.constant 0 : i32
    return %arg0, %c0_i32 : i32, i32
  }
  func.func @transform_5(%arg0: i32) -> (i32, i32) {
    %c0_i32 = arith.constant 0 : i32
    %c0_i32_0 = arith.constant 0 : i32
    %c0_i32_1 = arith.constant 0 : i32
    return %c0_i32, %c0_i32_0 : i32, i32
  }
  func.func @transform_6(%arg0: i32) -> (i32, i32) {
    %c0_i32 = arith.constant 0 : i32
    %c0_i32_0 = arith.constant 0 : i32
    %c0_i32_1 = arith.constant 0 : i32
    return %c0_i32, %c0_i32_0 : i32, i32
  }
  func.func @transform_7(%arg0: i32) -> (i32, i32) {
    %c0_i32 = arith.constant 0 : i32
    %c0_i32_0 = arith.constant 0 : i32
    return %arg0, %c0_i32 : i32, i32
  }
}

module attributes {stable_mosaic.version = 14 : i64} {
  func.func @body(%arg0: i32, %arg1: memref<80x128xf32, #tpu.memory_space<vmem>>, %arg2: memref<80x128xf32, #tpu.memory_space<vmem>>, %arg3: memref<1000x64xf32, #tpu.memory_space<vmem>>, %arg4: memref<1000x64xf32, #tpu.memory_space<vmem>>, %arg5: memref<1000x64xf32, #tpu.memory_space<vmem>>, %arg6: memref<1x64xf32, #tpu.memory_space<vmem>>, %arg7: memref<1000x64xf32, #tpu.memory_space<vmem>>) attributes {dimension_semantics = [#tpu.dimension_semantics<arbitrary>], iteration_bounds = array<i64: 10>, scalar_prefetch = 0 : i64, scratch_operands = 0 : i64, tpu.core_type = #tpu.core_type<tc>, window_params = [{pipeline_mode = #tpu.pipeline_mode<synchronous>, transform_indices = @transform_0, window_bounds = array<i64: 80, 128>}, {pipeline_mode = #tpu.pipeline_mode<synchronous>, transform_indices = @transform_1, window_bounds = array<i64: 80, 128>}, {transform_indices = @transform_2, window_bounds = array<i64: 1000, 64>}, {transform_indices = @transform_3, window_bounds = array<i64: 1000, 64>}, {transform_indices = @transform_4, window_bounds = array<i64: 1000, 64>}, {pipeline_mode = #tpu.pipeline_mode<synchronous>, transform_indices = @transform_5, window_bounds = array<i64: 1, 64>}, {transform_indices = @transform_6, window_bounds = array<i64: 1000, 64>}]} {
    %mul3A = arith.constant 1000 : i32
    %mul3A_0 = arith.muli %arg0, %mul3A : i32
    %get3A = arith.constant 0 : index
    %get3A_1 = arith.constant 0 : index
    %get3A_2 = vector.load %arg1[%get3A, %get3A_1] : memref<80x128xf32, #tpu.memory_space<vmem>>, vector<80x128xf32>
    %get3A_3 = arith.constant 0 : index
    %get3A_4 = arith.constant 0 : index
    %get3A_5 = vector.load %arg2[%get3A_3, %get3A_4] : memref<80x128xf32, #tpu.memory_space<vmem>>, vector<80x128xf32>
    %add3A = arith.addf %get3A_2, %get3A_5 : vector<80x128xf32>
    %add3A_6 = arith.constant 1.000000e+00 : f32
    %add3A_7 = vector.broadcast %add3A_6 : f32 to vector<80x128xf32>
    %add3A_8 = arith.addf %add3A, %add3A_7 : vector<80x128xf32>
    %rsqrt3A = math.rsqrt %add3A_8 : vector<80x128xf32>
    %iota3A = tpu.iota {dimensions = array<i32: 0>} : vector<1000x80xi32>
    %add3A_9 = vector.broadcast %mul3A_0 : i32 to vector<1000x80xi32>
    %add3A_10 = arith.addi %iota3A, %add3A_9 : vector<1000x80xi32>
    %jit3A = arith.constant 128 : i32
    %div3A = vector.broadcast %jit3A : i32 to vector<1000x80xi32>
    %div3A_11 = arith.divsi %add3A_10, %div3A : vector<1000x80xi32>
    %sign3A = arith.constant 0 : i32
    %sign3A_12 = vector.broadcast %sign3A : i32 to vector<1000x80xi32>
    %sign3A_13 = arith.cmpi sgt, %add3A_10, %sign3A_12 : vector<1000x80xi32>
    %sign3A_14 = arith.extui %sign3A_13 : vector<1000x80xi1> to vector<1000x80xi32>
    %sign3A_15 = arith.constant 0 : i32
    %sign3A_16 = vector.broadcast %sign3A_15 : i32 to vector<1000x80xi32>
    %sign3A_17 = arith.cmpi slt, %add3A_10, %sign3A_16 : vector<1000x80xi32>
    %sign3A_18 = arith.extui %sign3A_17 : vector<1000x80xi1> to vector<1000x80xi32>
    %sign3A_19 = arith.subi %sign3A_14, %sign3A_18 : vector<1000x80xi32>
    %sign3A_20 = arith.constant 0 : i32
    %sign3A_21 = arith.cmpi sgt, %jit3A, %sign3A_20 : i32
    %sign3A_22 = arith.extui %sign3A_21 : i1 to i32
    %sign3A_23 = arith.constant 0 : i32
    %sign3A_24 = arith.cmpi slt, %jit3A, %sign3A_23 : i32
    %sign3A_25 = arith.extui %sign3A_24 : i1 to i32
    %sign3A_26 = arith.subi %sign3A_22, %sign3A_25 : i32
    %ne3A = vector.broadcast %sign3A_26 : i32 to vector<1000x80xi32>
    %ne3A_27 = arith.cmpi ne, %sign3A_19, %ne3A : vector<1000x80xi32>
    %rem3A = vector.broadcast %jit3A : i32 to vector<1000x80xi32>
    %rem3A_28 = arith.remsi %add3A_10, %rem3A : vector<1000x80xi32>
    %ne3A_29 = arith.constant 0 : i32
    %ne3A_30 = vector.broadcast %ne3A_29 : i32 to vector<1000x80xi32>
    %ne3A_31 = arith.cmpi ne, %rem3A_28, %ne3A_30 : vector<1000x80xi32>
    %and3A = arith.andi %ne3A_27, %ne3A_31 : vector<1000x80xi1>
    %sub3A = arith.constant 1 : i32
    %sub3A_32 = vector.broadcast %sub3A : i32 to vector<1000x80xi32>
    %sub3A_33 = arith.subi %div3A_11, %sub3A_32 : vector<1000x80xi32>
    %select_n3A = arith.select %and3A, %sub3A_33, %div3A_11 : vector<1000x80xi1>, vector<1000x80xi32>
    %iota3A_34 = tpu.iota {dimensions = array<i32: 1>} : vector<1000x80xi32>
    %eq3A = arith.cmpi eq, %select_n3A, %iota3A_34 : vector<1000x80xi32>
    %convert_element_type3A = arith.extui %eq3A : vector<1000x80xi1> to vector<1000x80xi32>
    %convert_element_type3A_35 = arith.sitofp %convert_element_type3A : vector<1000x80xi32> to vector<1000x80xf32>
    %dot_general3A = arith.constant dense<0.000000e+00> : vector<1000x128xf32>
    %dot_general3A_36 = tpu.matmul %convert_element_type3A_35, %rsqrt3A, %dot_general3A {dimension_numbers = #tpu.dot_dimension_numbers<[1], [0], [0], [1], [0, 0, 1, 1], [], []>, precision = #tpu.contract_precision<fp32>, transpose_lhs_hint = false} : vector<1000x80xf32>, vector<80x128xf32>, vector<1000x128xf32> -> vector<1000x128xf32>
    %iota3A_37 = tpu.iota {dimensions = array<i32: 1>} : vector<1000x128xi32>
    %iota3A_38 = tpu.iota {dimensions = array<i32: 0>} : vector<1000x128xi32>
    %add3A_39 = vector.broadcast %mul3A_0 : i32 to vector<1000x128xi32>
    %add3A_40 = arith.addi %iota3A_38, %add3A_39 : vector<1000x128xi32>
    %jit3A_41 = arith.constant 128 : i32
    %eq3A_42 = arith.constant 0 : i32
    %eq3A_43 = arith.cmpi eq, %jit3A_41, %eq3A_42 : i32
    %jit3A_44 = arith.constant 1 : i32
    %select_n3A_45 = arith.select %eq3A_43, %jit3A_44, %jit3A_41 : i32
    %rem3A_46 = vector.broadcast %select_n3A_45 : i32 to vector<1000x128xi32>
    %rem3A_47 = arith.remsi %add3A_40, %rem3A_46 : vector<1000x128xi32>
    %ne3A_48 = arith.constant 0 : i32
    %ne3A_49 = vector.broadcast %ne3A_48 : i32 to vector<1000x128xi32>
    %ne3A_50 = arith.cmpi ne, %rem3A_47, %ne3A_49 : vector<1000x128xi32>
    %lt3A = arith.constant 0 : i32
    %lt3A_51 = vector.broadcast %lt3A : i32 to vector<1000x128xi32>
    %lt3A_52 = arith.cmpi slt, %rem3A_47, %lt3A_51 : vector<1000x128xi32>
    %lt3A_53 = arith.constant 0 : i32
    %lt3A_54 = arith.cmpi slt, %select_n3A_45, %lt3A_53 : i32
    %ne3A_55 = vector.broadcast %lt3A_54 : i1 to vector<1000x128xi1>
    %ne3A_56 = vector.broadcast %ne3A_55 : vector<1000x128xi1> to vector<1000x128xi1>
    %ne3A_57 = arith.xori %lt3A_52, %ne3A_56 : vector<1000x128xi1>
    %and3A_58 = arith.andi %ne3A_57, %ne3A_50 : vector<1000x128xi1>
    %add3A_59 = vector.broadcast %select_n3A_45 : i32 to vector<1000x128xi32>
    %add3A_60 = arith.addi %rem3A_47, %add3A_59 : vector<1000x128xi32>
    %select_n3A_61 = arith.select %and3A_58, %add3A_60, %rem3A_47 : vector<1000x128xi1>, vector<1000x128xi32>
    %eq3A_62 = arith.cmpi eq, %iota3A_37, %select_n3A_61 : vector<1000x128xi32>
    %jit3A_63 = arith.constant 0.000000e+00 : f32
    %broadcast_in_dim3A = vector.broadcast %jit3A_63 : f32 to vector<1000x128xf32>
    %select_n3A_64 = arith.select %eq3A_62, %dot_general3A_36, %broadcast_in_dim3A : vector<1000x128xi1>, vector<1000x128xf32>
    %reduce_sum3A = arith.constant dense<0.000000e+00> : vector<1000xf32>
    %reduce_sum3A_65 = vector.multi_reduction <add>, %select_n3A_64, %reduce_sum3A [1] : vector<1000x128xf32> to vector<1000xf32>
    %broadcast_in_dim3A_66 = vector.shape_cast %reduce_sum3A_65 : vector<1000xf32> to vector<1000x1xf32>
    %get3A_67 = arith.constant 0 : index
    %get3A_68 = arith.constant 0 : index
    %get3A_69 = vector.load %arg3[%get3A_67, %get3A_68] : memref<1000x64xf32, #tpu.memory_space<vmem>>, vector<1000x64xf32>
    %get3A_70 = arith.constant 0 : index
    %get3A_71 = arith.constant 0 : index
    %get3A_72 = vector.load %arg4[%get3A_70, %get3A_71] : memref<1000x64xf32, #tpu.memory_space<vmem>>, vector<1000x64xf32>
    %add3A_73 = arith.addf %get3A_69, %get3A_72 : vector<1000x64xf32>
    %get3A_74 = arith.constant 0 : index
    %get3A_75 = arith.constant 0 : index
    %get3A_76 = vector.load %arg5[%get3A_74, %get3A_75] : memref<1000x64xf32, #tpu.memory_space<vmem>>, vector<1000x64xf32>
    %add3A_77 = arith.addf %add3A_73, %get3A_76 : vector<1000x64xf32>
    %mul3A_78 = vector.broadcast %broadcast_in_dim3A_66 : vector<1000x1xf32> to vector<1000x64xf32>
    %mul3A_79 = arith.mulf %mul3A_78, %add3A_77 : vector<1000x64xf32>
    %get3A_80 = arith.constant 0 : index
    %get3A_81 = arith.constant 0 : index
    %get3A_82 = vector.load %arg6[%get3A_80, %get3A_81] : memref<1x64xf32, #tpu.memory_space<vmem>>, vector<1x64xf32>
    %add3A_83 = vector.broadcast %get3A_82 : vector<1x64xf32> to vector<1000x64xf32>
    %add3A_84 = arith.addf %mul3A_79, %add3A_83 : vector<1000x64xf32>
    %reduce_max3A = arith.constant dense<0xFF800000> : vector<1000xf32>
    %reduce_max3A_85 = vector.multi_reduction <maximumf>, %add3A_84, %reduce_max3A [1] : vector<1000x64xf32> to vector<1000xf32>
    %broadcast_in_dim3A_86 = vector.shape_cast %reduce_max3A_85 : vector<1000xf32> to vector<1000x1xf32>
    %sub3A_87 = vector.broadcast %broadcast_in_dim3A_86 : vector<1000x1xf32> to vector<1000x64xf32>
    %sub3A_88 = arith.subf %add3A_84, %sub3A_87 : vector<1000x64xf32>
    %exp3A = math.exp %sub3A_88 : vector<1000x64xf32>
    %reduce_sum3A_89 = arith.constant dense<0.000000e+00> : vector<1000xf32>
    %reduce_sum3A_90 = vector.multi_reduction <add>, %exp3A, %reduce_sum3A_89 [1] : vector<1000x64xf32> to vector<1000xf32>
    %broadcast_in_dim3A_91 = vector.shape_cast %reduce_sum3A_90 : vector<1000xf32> to vector<1000x1xf32>
    %log3A = math.log %broadcast_in_dim3A_91 : vector<1000x1xf32>
    %sub3A_92 = vector.broadcast %broadcast_in_dim3A_86 : vector<1000x1xf32> to vector<1000x64xf32>
    %sub3A_93 = arith.subf %add3A_84, %sub3A_92 : vector<1000x64xf32>
    %sub3A_94 = vector.broadcast %log3A : vector<1000x1xf32> to vector<1000x64xf32>
    %sub3A_95 = arith.subf %sub3A_93, %sub3A_94 : vector<1000x64xf32>
    %swap3A = arith.constant 0 : index
    %swap3A_96 = arith.constant 0 : index
    %swap3A_97 = vector.load %arg7[%swap3A, %swap3A_96] : memref<1000x64xf32, #tpu.memory_space<vmem>>, vector<1000x64xf32>
    tpu.vector_store %arg7[%swap3A, %swap3A_96], %sub3A_95 {strides = array<i32>} : memref<1000x64xf32, #tpu.memory_space<vmem>>, vector<1000x64xf32>,
    return
  }
  func.func @transform_0(%arg0: i32) -> (i32, i32) {
    %c0_i32 = arith.constant 0 : i32
    %c0_i32_0 = arith.constant 0 : i32
    %c0_i32_1 = arith.constant 0 : i32
    return %c0_i32, %c0_i32_0 : i32, i32
  }
  func.func @transform_1(%arg0: i32) -> (i32, i32) {
    %c0_i32 = arith.constant 0 : i32
    %c0_i32_0 = arith.constant 0 : i32
    %c0_i32_1 = arith.constant 0 : i32
    return %c0_i32, %c0_i32_0 : i32, i32
  }
  func.func @transform_2(%arg0: i32) -> (i32, i32) {
    %c0_i32 = arith.constant 0 : i32
    %c0_i32_0 = arith.constant 0 : i32
    return %arg0, %c0_i32 : i32, i32
  }
  func.func @transform_3(%arg0: i32) -> (i32, i32) {
    %c0_i32 = arith.constant 0 : i32
    %c0_i32_0 = arith.constant 0 : i32
    return %arg0, %c0_i32 : i32, i32
  }
  func.func @transform_4(%arg0: i32) -> (i32, i32) {
    %c0_i32 = arith.constant 0 : i32
    %c0_i32_0 = arith.constant 0 : i32
    return %arg0, %c0_i32 : i32, i32
  }
  func.func @transform_5(%arg0: i32) -> (i32, i32) {
    %c0_i32 = arith.constant 0 : i32
    %c0_i32_0 = arith.constant 0 : i32
    %c0_i32_1 = arith.constant 0 : i32
    return %c0_i32, %c0_i32_0 : i32, i32
  }
  func.func @transform_6(%arg0: i32) -> (i32, i32) {
    %c0_i32 = arith.constant 0 : i32
    %c0_i32_0 = arith.constant 0 : i32
    return %arg0, %c0_i32 : i32, i32
  }
}

</mosaic_0001>

<sc_bundles>
// kernel: kernel.11.cloned.1.call-start
scs
__scs_entry_jumppad:
0x0: {  	(pc) =	sbr.rel $0x88, $3  }
0x1: {  	(tag) =	ssettag $0x0;
	lr =	simm.s32 $0x1  }
0x2: {  	[smem:$0x3F9B] =	sst lr;
	_ =	strace $0xD0000000  }
0x3: {  	_ = 	snop  }
0x4: {  	_ = 	snop  }
0x5: {  	_ = 	snop  }
0x6: {  	_ = 	snop  }
0x7: {  	_ = 	snop  }
__scs_overlays_trampoline_lowered:
0x8: {  	[smem:$0x3FAA] =	sst s0  }
0x9: {  	[smem:$0x3FAB] =	sst s1  }
0xa: {  	[smem:$0x3FAC] =	sst s2  }
0xb: {  	[smem:$0x3FAD] =	sst s3  }
0xc: {  	[smem:$0x3FAE] =	sst s4  }
0xd: {  	[smem:$0x3FAF] =	sst s5  }
0xe: {  	[smem:$0x3FB0] =	sst s6  }
0xf: {  	[smem:$0x3FB1] =	sst s7  }
0x10: {  	[smem:$0x3FB2] =	sst s8  }
0x11: {  	[smem:$0x3FB3] =	sst s9;
	s0 =	simm.s32 @!p0 $0x0  }
0x12: {  	s1 =	sld [smem:$0x3F99];
	s0 =	simm.s32 @p0 $0x1  }
0x13: {  	[smem:$0x3FB4] =	sst s0;
	s0 =	simm.s32 @!p1 $0x0  }
0x14: {  	s2 =	sld [smem:$0x3F98];
	s0 =	simm.s32 @p1 $0x1  }
0x15: {  	[smem:$0x3FB5] =	sst s0;
	s0 =	simm.s32 @!p2 $0x0  }
0x16: {  	s3 =	sld [smem:$0x3FDB];
	s0 =	simm.s32 @p2 $0x1  }
0x17: {  	s4 =	simm.s32 $0x1BF5;
	[smem:$0x3FB7] =	sst s0  }
0x18: {  	s0 =	sld [smem:$0x3F9A];
	_ =	swait.ge [sflag:s4], $0x0  }
0x19: {  	s7 =	sld [smem:$0x3F9B]  }
0x1a: {  	s8 =	sadd.s32 $0xFFFFE003, lr  }
0x1b: {  	s9 =	sadd.s32 $0xFFFFFEF7, lr;
	s5 =	simm.s32 $0xFFFFFFFF;
	p2 =	slt.u32 s8, $0xFFFFF086  }
0x1c: {  	p1 =	slt.u32 s9, $0xF7A;
	s5 =	simm.s32 @!p2 $0x0  }
0x1d: {  	s5 =	simm.s32 @p1 $0x1;
	p0 =	seq.s32 s7, s2  }
0x1e: {  	s7 =	smul.u32 @!p0 $0xF7A, s2;
	p2 =	seq.s32 @!p0 s5, $0x0  }
0x1f: {  	s9 =	smul.u32 $0xF7A, s1;
	s8 =	simm.s32 @!p0 $0x1BF5;
	p2 =	por !p2, p0  }
0x20: {  	[sflag:s8] =	ssyncset.s32 @!p0 $0xFFFFF086;
	s6 =	sadd.s32 @!p0 s3, s7;
	s7 =	simm.s32 @!p0 $0x108  }
0x21: {  	s3 =	sadd.s32 s3, s9;
	s6 =	sadd.s32 @!p0 $0x88, s6;
	s7 =	simm.s32 @p2 $0x1082  }
0x22: {  	[simem:s7], [sflag:s8] =	dma.local @!p0 [hbm:s6], $0xF7A  }
0x23: {  	s9 =	sor.u32 $0xD0000000, s2;
	s6 =	simm.s32 $0x108;
	_ =	swait.ge @!p0 [sflag:s8], $0x0  }
0x24: {  	s3 =	sadd.s32 $0x88, s3;
	s6 =	simm.s32 @!p1 $0x1082;
	[sflag:s4] =	ssyncset.s32 $0xFFFFF086  }
0x25: {  	[simem:s6], [sflag:s4] =	dma.local [hbm:s3], $0xF7A  }
0x26: {  	[smem:$0x3F9B] =	sst s1;
	(tag) =	ssettag s2;
	_ =	strace s9  }
0x27: {  	s1 =	sld [smem:$0x3FAB]  }
0x28: {  	s2 =	sld [smem:$0x3FAC]  }
0x29: {  	s4 =	sld [smem:$0x3FAE]  }
0x2a: {  	p0 =	seq.s32 s5, $0x0;
	s5 =	sld [smem:$0x3FAF]  }
0x2b: {  	s6 =	sld [smem:$0x3FB0]  }
0x2c: {  	s7 =	sld [smem:$0x3FB1]  }
0x2d: {  	s3 =	simm.s32 $0x108;
	s8 =	sld [smem:$0x3FB2]  }
0x2e: {  	s3 =	simm.s32 @!p0 $0x1082;
	s9 =	sld [smem:$0x3FB3]  }
0x2f: {  	lr =	sadd.s32 s0, s3;
	s0 =	sld [smem:$0x3FAA]  }
0x30: {  	s3 =	sld [smem:$0x3FAD]  }
0x31: {  	[smem:$0x3FB6] =	sst s10  }
0x32: {  	s10 =	sld [smem:$0x3FB4];
	_ =	sdelay $0x3  }
0x33: {  	p0 =	seq.s32 s10, $0x1;
	s10 =	sld [smem:$0x3FB6];
	_ =	sdelay $0x3  }
0x34: {  	[smem:$0x3FB6] =	sst s10  }
0x35: {  	s10 =	sld [smem:$0x3FB5];
	_ =	sdelay $0x3  }
0x36: {  	p1 =	seq.s32 s10, $0x1;
	s10 =	sld [smem:$0x3FB6];
	_ =	sdelay $0x3  }
0x37: {  	[smem:$0x3FB6] =	sst s10  }
0x38: {  	s10 =	sld [smem:$0x3FB7]  }
0x39: {  	_ = 	snop;
	(pc) =	sbr.ind lr, $3  }
0x3a: {  	_ = 	snop  }
0x3b: {  	_ = 	snop  }
0x3c: {  	p2 =	seq.s32 s10, $0x1;
	s10 =	sld [smem:$0x3FB6]  }
0x3d: {  	_ =	shalt  }
0x3e: {  	_ =	shalt  }
0x3f: {  	_ =	shalt  }
0x40: {  	_ =	shalt  }
0x41: {  	_ =	shalt  }
0x42: {  	_ =	shalt  }
0x43: {  	_ =	shalt  }
0x44: {  	_ =	shalt  }
0x45: {  	_ =	shalt  }
0x46: {  	_ =	shalt  }
0x47: {  	_ =	shalt  }
0x48: {  	_ =	shalt  }
0x49: {  	_ =	shalt  }
0x4a: {  	_ =	shalt  }
0x4b: {  	_ =	shalt  }
0x4c: {  	_ =	shalt  }
0x4d: {  	_ =	shalt  }
0x4e: {  	_ =	shalt  }
0x4f: {  	_ =	shalt  }
0x50: {  	_ =	shalt  }
0x51: {  	_ =	shalt  }
0x52: {  	_ =	shalt  }
0x53: {  	_ =	shalt  }
0x54: {  	_ =	shalt  }
0x55: {  	_ =	shalt  }
0x56: {  	_ =	shalt  }
0x57: {  	_ =	shalt  }
0x58: {  	_ =	shalt  }
0x59: {  	_ =	shalt  }
0x5a: {  	_ =	shalt  }
0x5b: {  	_ =	shalt  }
0x5c: {  	_ =	shalt  }
0x5d: {  	_ =	shalt  }
0x5e: {  	_ =	shalt  }
0x5f: {  	_ =	shalt  }
0x60: {  	_ =	shalt  }
0x61: {  	_ =	shalt  }
0x62: {  	_ =	shalt  }
0x63: {  	_ =	shalt  }
0x64: {  	_ =	shalt  }
0x65: {  	_ =	shalt  }
0x66: {  	_ =	shalt  }
0x67: {  	_ =	shalt  }
0x68: {  	_ =	shalt  }
0x69: {  	_ =	shalt  }
0x6a: {  	_ =	shalt  }
0x6b: {  	_ =	shalt  }
0x6c: {  	_ =	shalt  }
0x6d: {  	_ =	shalt  }
0x6e: {  	_ =	shalt  }
0x6f: {  	_ =	shalt  }
0x70: {  	_ =	shalt  }
0x71: {  	_ =	shalt  }
0x72: {  	_ =	shalt  }
0x73: {  	_ =	shalt  }
0x74: {  	_ =	shalt  }
0x75: {  	_ =	shalt  }
0x76: {  	_ =	shalt  }
0x77: {  	_ =	shalt  }
0x78: {  	_ =	shalt  }
0x79: {  	_ =	shalt  }
0x7a: {  	_ =	shalt  }
0x7b: {  	_ =	shalt  }
0x7c: {  	_ =	shalt  }
0x7d: {  	_ =	shalt  }
0x7e: {  	_ =	shalt  }
0x7f: {  	_ =	shalt  }
0x80: {  	_ =	shalt  }
0x81: {  	_ =	shalt  }
0x82: {  	_ =	shalt  }
0x83: {  	_ =	shalt  }
0x84: {  	_ =	shalt  }
0x85: {  	_ =	shalt  }
0x86: {  	_ =	shalt  }
0x87: {  	_ =	shalt  }
.Lfunc_end0:
.L_simem_size_0:
called_computation.1_lowered:
.L_overlay_start_0:
0x88: {  	s2 =	sld [smem:$0x3FD9]  }
0x89: {  	s3 =	sld [smem:$0x3FFE];
	_ =	sdelay $0x1  }
0x8a: {  	s1 =	srdreg.scid  }
0x8b: {  	s0 =	sand.u32 $0x1, s1  }
0x8c: {  	s17 =	sshll.u32 s0, $0xA;
	s2 =	sadd.s32 s3, s2  }
0x8d: {  	s2 =	sadd.s32 s2, s17  }
0x8e: {  	[smem:$0x3FC2] =	sst s2  }
0x8f: {  	_ = 	snop  }
0x90: {  	s2 =	sld [smem:$0x3FD0];
	(tm) =	ssettm $0x1  }
0x91: {  	s18 =	sld [smem:$0x3FFB];
	_ =	sdelay $0x3  }
0x92: {  	_ =	strace s18  }
0x93: {  	s3 =	sld [smem:$0x3FFC];
	_ =	sdelay $0x3  }
0x94: {  	_ =	strace s3  }
0x95: {  	s3 =	sld [smem:$0x3FFD];
	_ =	sdelay $0x3  }
0x96: {  	_ =	strace s3  }
0x97: {  	_ =	strace $0x8FFFFFFF  }
0x98: {  	s19 =	sld [smem:$0x3FDB];
	_ =	sdelay $0x1  }
0x99: {  	s4 =	simm.s32 $_scs_section_size  }
0x9a: {  	s5 =	simm.s32 $_size__tile_overlayer_lowered;
	s6 =	simm.s32 $_tile_overlayer_lowered  }
0x9b: {  	s22 =	simm.s32 $0x1BFF;
	s21 =	sshll.u32 s6, $0x1;
	s3 =	sadd.s32 s4, s19  }
0x9c: {  	s7 =	simm.s32 $0x0;
	s20 =	sshll.u32 s5, $0x1;
	s5 =	sadd.s32 s21, s3  }
0x9d: {  	[timem:s7], [sflag:s22] =	dma.local [hbm:s5], s20  }
0x9e: {  	_ =	swait.ge [sflag:s22], s20  }
0x9f: {  	s4 =	ssub.s32 $0x0, s20;
	[sflag:s22] =	ssyncset.done $0x0  }
0xa0: {  	[sflag:s22] =	ssyncadd.s32 s4;
	_ =	sdelay $0x1  }
0xa1: {  	s23 =	simm.s32 $0x1B8B  }
0xa2: {  	_ =	swait.ge [sflag:s23], $0x1  }
0xa3: {  	[sflag:s23] =	ssyncset.done $0x0  }
0xa4: {  	s25 =	simm.s32 $0x1B8E;
	s24 =	sld [smem:$0x3FFE];
	[sflag:s23] =	ssyncadd.s32 $0xFFFFFFFF  }
0xa5: {  	s26 =	simm.s32 $execute0_lowered;
	[smem:$0x3FD2] =	sst s25  }
0xa6: {  	s5 =	sshll.u32 s26, $0x1;
	_ =	strace $0x80000049;
	[dreg:$0x1] =	wrdreg $0xFFFFFFFF  }
0xa7: {  	s28 =	simm.s32 $_size_execute0_lowered;
	s3 =	sadd.s32 s3, s5;
	[dreg:$0x0] =	wrdreg $0x0  }
0xa8: {  	s5 =	sshll.u32 s28, $0x1;
	[dreg:$0x2] =	wrdreg s3  }
0xa9: {  	[dreg:$0x3] =	wrdreg s5  }
0xaa: {  	[dreg:$0x4] =	wrdreg $0xC0  }
0xab: {  	_ =	task [dreg:s7], $0x5FFFF  }
0xac: {  	[dreg:$0x1] =	wrdreg $0xFFFFFFFF  }
0xad: {  	[dreg:$0x0] =	wrdreg $0x60  }
0xae: {  	[dreg:$0x2] =	wrdreg s24  }
0xaf: {  	[dreg:$0x3] =	wrdreg s2  }
0xb0: {  	[dreg:$0x4] =	wrdreg $0x90000  }
0xb1: {  	[dreg:$0x5] =	wrdreg $0x9  }
0xb2: {  	_ =	task.clear_ibuf [dreg:s7], $0x6FFFF;
	_ =	strace $0x90000049  }
0xb3: {  	s29 =	simm.s32 $0x9;
	_ =	strace $0x8000004B  }
0xb4: {  	_ =	swait.ge [sflag:s29], $0x1  }
0xb5: {  	[sflag:s29] =	ssyncadd.s32 $0xFFFFFFFF  }
0xb6: {  	_ =	strace $0x9000004B  }
0xb7: {  	_ =	sfence  }
0xb8: {  	s30 =	sld [smem:$0x0];
	_ =	sdelay $0x2  }
0xb9: {  	s31 =	sshll.u32 s1, $0xD;
	s1 =	sshrl.u32 s1, $0x2  }
0xba: {  	s3 =	sand.u32 $0x4000, s31;
	s1 =	sadd.s32 s1, s30  }
0xbb: {  	s0 =	sor.u32 s3, s0;
	s1 =	sshll.u32 s1, $0x11  }
0xbc: {  	s0 =	sor.u32 s1, s0  }
0xbd: {  	s0 =	sadd.s32 $0x8F2B, s0  }
0xbe: {  	[sflag:s0] =	ssyncadd.remote.s32 $0x1  }
0xbf: {  	_ =	sfence.sel $0xFFFF  }
0xc0: {  	[dreg:$0x0] =	wrdreg $0xFFFFFFFF;
	(pc) =	sbr.abs _section_cstart, $3  }
0xc1: {  	[dreg:$0x1] =	wrdreg $0xFFFFFFFF  }
0xc2: {  	_ =	task.clear_ibuf [dreg:s7], $0x2FFFF;
	_ =	strace $0x9FFFFFFF  }
0xc3: {  	(tm) =	ssettm $0x7FFFFFFF  }
tec
execute0_lowered:
.L_overlay_start_1:
0x0: {  	(tag) =	ssettag $0x1  }
0x1: {  	s0 =	rddreg [dreg:$0x0]  }
0x2: {  	s3 =	rddreg [dreg:$0x2]  }
0x3: {  	s1 =	srdreg.scid;
	s9 =	stileid.u32  }
0x4: {  	s4 =	simm.s32 $0x0;
	s28 =	simm.s32 $0xC00;
	s2 =	smul.u32 $0x2800, s9  }
0x5: {  	s29 =	simm.s32 $0x500;
	s30 =	simm.s32 $0xC80;
	s7 =	smul.u32 $0x280, s9  }
0x6: {  	s31 =	simm.s32 $0x580;
	s1 =	sand.u32 $0x1, s1;
	s9 =	smul.u32 $0x50000, s9  }
0x7: {  	[smem:$0x7FF] =	sst s4;
	s5 =	sadd.s32 $0x17600, s0;
	s6 =	smul.u32 $0x28000, s1  }
0x8: {  	_ =	strace $0x8000004A;
	s8 =	ssub.s32 $0x2, s1;
	p0 =	seq.s32 s1, $0x0  }
0x9: {  	s10 =	sshrl.u32 s8, $0x1;
	s11 =	sadd.s32 $0x80, s7;
	s9 =	sshrl.u32 s9, $0x2  }
0xa: {  	s26 =	sadd.s32 $0x100, s7;
	s12 =	sadd.s32 $0x180, s7;
	s7 =	sadd.s32 $0x200, s7  }
0xb: {  	s6 =	sadd.s32 s2, s6;
	s17 =	ssub.s32 s8, s10;
	s25 =	sshll.u32 s11, $0x7  }
0xc: {  	s14 =	sadd.s32 s9, s3;
	s18 =	sshll.u32 s26, $0x7;
	s19 =	sshll.u32 s12, $0x7  }
0xd: {  	s13 =	sshll.u32 s7, $0x7;
	s22 =	sshll.u32 s11, $0x4;
	s9 =	sshll.u32 s26, $0x4  }
0xe: {  	s23 =	sshll.u32 s12, $0x4;
	s7 =	sshll.u32 s7, $0x4;
	s26 =	simm.s32 $0x100  }
0xf: {  	s11 =	simm.s32 $0x3E800;
	s12 =	simm.s32 $0x880;
	[dreg:$0x6] =	wrdreg s26  }
0x10: {  	s6 =	sshrl.u32 s6, $0x3;
	s20 =	sadd.s32 s19, s3;
	[dreg:$0x7] =	wrdreg s12  }
0x11: {  	s15 =	sadd.s32 s25, s3;
	s21 =	sadd.s32 s13, s3;
	[dreg:$0x15] =	wrdreg s20  }
0x12: {  	s16 =	sadd.s32 s18, s3;
	s24 =	smax.u32 s17, $0x1;
	[dreg:$0x16] =	wrdreg s21  }
0x13: {  	s8 =	smov.u32 s14;
	s13 =	simm.s32 $0x180;
	[dreg:$0x17] =	wrdreg s24  }
0x14: {  	s11 =	simm.s32 @!p0 $0x66800;
	s14 =	simm.s32 $0x900;
	[dreg:$0x8] =	wrdreg s13  }
0x15: {  	s18 =	simm.s32 $0x200;
	s26 =	simm.s32 $0xB00;
	[dreg:$0x9] =	wrdreg s14  }
0x16: {  	s12 =	simm.s32 $0xE00;
	s6 =	sadd.s32 s6, s0;
	[dreg:$0xa] =	wrdreg s18  }
0x17: {  	s0 =	sadd.s32 s11, s0;
	s10 =	smov.u32 s16;
	[dreg:$0x11] =	wrdreg s26  }
0x18: {  	s20 =	simm.s32 $0x980;
	s21 =	simm.s32 $0x280;
	[dreg:$0x12] =	wrdreg s8  }
0x19: {  	s18 =	simm.s32 $0x3;
	s24 =	simm.s32 $0xA80;
	[dreg:$0xb] =	wrdreg s20  }
0x1a: {  	s26 =	simm.s32 $0x480;
	s11 =	simm.s32 $0x680;
	[dreg:$0xc] =	wrdreg s21  }
0x1b: {  	s13 =	simm.s32 $0x700;
	s14 =	simm.s32 $0xE80;
	[dreg:$0xf] =	wrdreg s24  }
0x1c: {  	s16 =	simm.s32 $0xF00;
	s25 =	sadd.s32 $0x3600, s6;
	[dreg:$0x14] =	wrdreg s10  }
0x1d: {  	s6 =	sadd.s32 $0xD600, s6;
	s2 =	sadd.s32 s0, s2;
	[dreg:$0x4] =	wrdreg s25  }
0x1e: {  	s1 =	sadd.s32 s0, s22;
	s17 =	sadd.s32 s0, s9;
	[dreg:$0x5] =	wrdreg s6  }
0x1f: {  	s9 =	smov.u32 s15;
	s19 =	sadd.s32 s0, s23;
	[dreg:$0x18] =	wrdreg s2  }
0x20: {  	s0 =	sadd.s32 s0, s7;
	s22 =	simm.s32 $0xA00;
	[dreg:$0x19] =	wrdreg s1  }
0x21: {  	s23 =	simm.s32 $0x300;
	s20 =	simm.s32 $0x80;
	[dreg:$0x1a] =	wrdreg s17  }
0x22: {  	s21 =	simm.s32 $0x5000;
	s24 =	simm.s32 $0x400;
	[dreg:$0x1b] =	wrdreg s19  }
0x23: {  	s15 =	simm.s32 $0x780;
	s7 =	simm.s32 $0x0;
	[dreg:$0x1c] =	wrdreg s0  }
0x24: {  	s17 =	simm.s32 $0x1000;
	[dreg:$0xd] =	wrdreg s22;
	s19 =	simm.s32 $0x800  }
0x25: {  	[dreg:$0xe] =	wrdreg s23;
	s25 =	simm.s32 $0x380;
	s22 =	simm.s32 $0x1  }
0x26: {  	s23 =	simm.s32 $0x2;
	s0 =	simm.s32 $0xD00;
	[dreg:$0x1d] =	wrdreg s7  }
0x27: {  	s1 =	simm.s32 $0x600;
	s2 =	simm.s32 $0xD80;
	[dreg:$0x13] =	wrdreg s9  }
0x28: {  	s6 =	simm.s32 $0xF80;
	[dreg:$0x10] =	wrdreg s25;
	s25 =	simm.s32 $0xB80  }
.LBB2_1:
0x29: {  	s7 =	rddreg [dreg:$0x1]  }
0x2a: {  	[tilespmem:s17], [sflag:$0x3] =	stream.linear.gather [hbm4b:s7+s4], $0x4000, $0x38;
	[tilespmem:$0x1D000] =	vst v63  }
0x2b: {  	_ =	swait.ge [sflag:s18], $0x4000  }
0x2c: {  	[sflag:s18] =	ssyncset.done $0x0  }
0x2d: {  	[sflag:s18] =	ssyncadd.s32 $0xFFFFC000  }
0x2e: {  	[spmem:s8] =	stream.linear.scatter [tilespmem:s17], [sflag:$0x3], $0x4000, $0x38;
	[tilespmem:$0x1D000] =	vst v63  }
0x2f: {  	_ =	swait.ge [sflag:s18], $0x4000  }
0x30: {  	[sflag:s18] =	ssyncset.done $0x0  }
0x31: {  	[sflag:s18] =	ssyncadd.s32 $0xFFFFC000  }
0x32: {  	[spmem:s9] =	stream.linear.scatter [tilespmem:s17], [sflag:$0x3], $0x4000, $0x38;
	[tilespmem:$0x1D000] =	vst v63  }
0x33: {  	_ =	swait.ge [sflag:s18], $0x4000  }
0x34: {  	[sflag:s18] =	ssyncset.done $0x0  }
0x35: {  	[sflag:s18] =	ssyncadd.s32 $0xFFFFC000  }
0x36: {  	[spmem:s10] =	stream.linear.scatter [tilespmem:s17], [sflag:$0x3], $0x4000, $0x38;
	[tilespmem:$0x1D000] =	vst v63  }
0x37: {  	_ =	swait.ge [sflag:s18], $0x4000  }
0x38: {  	[sflag:s18] =	ssyncset.done $0x0  }
0x39: {  	s10 =	rddreg [dreg:$0x15];
	[sflag:s18] =	ssyncadd.s32 $0xFFFFC000  }
0x3a: {  	[spmem:s10] =	stream.linear.scatter [tilespmem:s17], [sflag:$0x3], $0x4000, $0x38;
	[tilespmem:$0x1D000] =	vst v63  }
0x3b: {  	_ =	swait.ge [sflag:s18], $0x4000  }
0x3c: {  	[sflag:s18] =	ssyncset.done $0x0  }
0x3d: {  	s8 =	rddreg [dreg:$0x16];
	[sflag:s18] =	ssyncadd.s32 $0xFFFFC000  }
0x3e: {  	[spmem:s8] =	stream.linear.scatter [tilespmem:s17], [sflag:$0x3], $0x4000, $0x38;
	[tilespmem:$0x1D000] =	vst v63  }
0x3f: {  	_ =	swait.ge [sflag:s18], $0x4000  }
0x40: {  	[sflag:s18] =	ssyncset.done $0x0  }
0x41: {  	[sflag:s18] =	ssyncadd.s32 $0xFFFFC000  }
0x42: {  	[bflag:$0x0] =	sbarrier.arrive $0xFFFF  }
0x43: {  	s9 =	rddreg [dreg:$0x5]  }
0x44: {  	s8 =	sadd.s32 $0x0, s9  }
0x45: {  	[tilespmem:s4], [sflag:$0x3] =	stream.linear.gather [hbm4b:s8+s4], $0x800, $0x38;
	[tilespmem:$0x1D000] =	vst v63  }
0x46: {  	_ =	swait.ge [sflag:s18], $0x800  }
0x47: {  	s10 =	rddreg [dreg:$0x4];
	[sflag:s18] =	ssyncset.done $0x0  }
0x48: {  	[sflag:s18] =	ssyncadd.s32 $0xFFFFF800;
	s8 =	sadd.s32 $0x0, s10  }
0x49: {  	[tilespmem:s19], [sflag:$0x3] =	stream.linear.gather [hbm4b:s8+s4], $0x800, $0x38;
	[tilespmem:$0x1D000] =	vst v63  }
0x4a: {  	_ =	swait.ge [sflag:s18], $0x800  }
0x4b: {  	[sflag:s18] =	ssyncset.done $0x0  }
0x4c: {  	[sflag:s18] =	ssyncadd.s32 $0xFFFFF800  }
0x4d: {  	[tilespmem:s17], [sflag:$0x1] =	stream.indirect.gather [hbm4b:s5+s20], $0x80, s4, s20, $0xb8;
	[tilespmem:$0x1D000] =	vst v63  }
0x4e: {  	_ = 	snop  }
0x4f: {  	[tilespmem:s21], [sflag:$0x2] =	stream.indirect.gather [hbm4b:s5+s20], $0x80, s20, s20, $0xb8;
	[tilespmem:$0x1D000] =	vst v63  }
0x50: {  	_ =	swait.ge [sflag:s22], $0x4000  }
0x51: {  	[sflag:s22] =	ssyncset.done $0x0  }
0x52: {  	[sflag:s22] =	ssyncadd.s32 $0xFFFFC000  }
0x53: {  	[spmem:s3] =	stream.indirect.scatter.add.f32 [tilespmem:s17], [sflag:$0x3], $0x80, s19, s20, $0xb8;
	[tilespmem:$0x1D000] =	vst v63  }
0x54: {  	_ =	swait.ge [sflag:s18], $0x4000  }
0x55: {  	[sflag:s18] =	ssyncset.done $0x0  }
0x56: {  	s7 =	rddreg [dreg:$0x6];
	[sflag:s18] =	ssyncadd.s32 $0xFFFFC000  }
0x57: {  	[tilespmem:s17], [sflag:$0x1] =	stream.indirect.gather [hbm4b:s5+s20], $0x80, s7, s20, $0xb8;
	[tilespmem:$0x1D000] =	vst v63  }
0x58: {  	_ =	swait.ge [sflag:s23], $0x4000  }
0x59: {  	[sflag:s23] =	ssyncset.done $0x0  }
0x5a: {  	s9 =	rddreg [dreg:$0x7];
	[sflag:s23] =	ssyncadd.s32 $0xFFFFC000  }
0x5b: {  	[spmem:s3] =	stream.indirect.scatter.add.f32 [tilespmem:s21], [sflag:$0x3], $0x80, s9, s20, $0xb8;
	[tilespmem:$0x1D000] =	vst v63  }
0x5c: {  	_ =	swait.ge [sflag:s18], $0x4000  }
0x5d: {  	[sflag:s18] =	ssyncset.done $0x0  }
0x5e: {  	s10 =	rddreg [dreg:$0x8];
	[sflag:s18] =	ssyncadd.s32 $0xFFFFC000  }
0x5f: {  	[tilespmem:s21], [sflag:$0x2] =	stream.indirect.gather [hbm4b:s5+s20], $0x80, s10, s20, $0xb8;
	[tilespmem:$0x1D000] =	vst v63  }
0x60: {  	_ =	swait.ge [sflag:s22], $0x4000  }
0x61: {  	[sflag:s22] =	ssyncset.done $0x0  }
0x62: {  	s7 =	rddreg [dreg:$0x9];
	[sflag:s22] =	ssyncadd.s32 $0xFFFFC000  }
0x63: {  	[spmem:s3] =	stream.indirect.scatter.add.f32 [tilespmem:s17], [sflag:$0x3], $0x80, s7, s20, $0xb8;
	[tilespmem:$0x1D000] =	vst v63  }
0x64: {  	_ =	swait.ge [sflag:s18], $0x4000  }
0x65: {  	[sflag:s18] =	ssyncset.done $0x0  }
0x66: {  	s9 =	rddreg [dreg:$0xa];
	[sflag:s18] =	ssyncadd.s32 $0xFFFFC000  }
0x67: {  	[tilespmem:s17], [sflag:$0x1] =	stream.indirect.gather [hbm4b:s5+s20], $0x80, s9, s20, $0xb8;
	[tilespmem:$0x1D000] =	vst v63  }
0x68: {  	_ =	swait.ge [sflag:s23], $0x4000  }
0x69: {  	[sflag:s23] =	ssyncset.done $0x0  }
0x6a: {  	s10 =	rddreg [dreg:$0xb];
	[sflag:s23] =	ssyncadd.s32 $0xFFFFC000  }
0x6b: {  	[spmem:s3] =	stream.indirect.scatter.add.f32 [tilespmem:s21], [sflag:$0x3], $0x80, s10, s20, $0xb8;
	[tilespmem:$0x1D000] =	vst v63  }
0x6c: {  	_ =	swait.ge [sflag:s18], $0x4000  }
0x6d: {  	[sflag:s18] =	ssyncset.done $0x0  }
0x6e: {  	s7 =	rddreg [dreg:$0xc];
	[sflag:s18] =	ssyncadd.s32 $0xFFFFC000  }
0x6f: {  	[tilespmem:s21], [sflag:$0x2] =	stream.indirect.gather [hbm4b:s5+s20], $0x80, s7, s20, $0xb8;
	[tilespmem:$0x1D000] =	vst v63  }
0x70: {  	_ =	swait.ge [sflag:s22], $0x4000  }
0x71: {  	[sflag:s22] =	ssyncset.done $0x0  }
0x72: {  	s9 =	rddreg [dreg:$0xd];
	[sflag:s22] =	ssyncadd.s32 $0xFFFFC000  }
0x73: {  	[spmem:s3] =	stream.indirect.scatter.add.f32 [tilespmem:s17], [sflag:$0x3], $0x80, s9, s20, $0xb8;
	[tilespmem:$0x1D000] =	vst v63  }
0x74: {  	_ =	swait.ge [sflag:s18], $0x4000  }
0x75: {  	[sflag:s18] =	ssyncset.done $0x0  }
0x76: {  	s10 =	rddreg [dreg:$0xe];
	[sflag:s18] =	ssyncadd.s32 $0xFFFFC000  }
0x77: {  	[tilespmem:s17], [sflag:$0x1] =	stream.indirect.gather [hbm4b:s5+s20], $0x80, s10, s20, $0xb8;
	[tilespmem:$0x1D000] =	vst v63  }
0x78: {  	_ =	swait.ge [sflag:s23], $0x4000  }
0x79: {  	[sflag:s23] =	ssyncset.done $0x0  }
0x7a: {  	s7 =	rddreg [dreg:$0xf];
	[sflag:s23] =	ssyncadd.s32 $0xFFFFC000  }
0x7b: {  	[spmem:s3] =	stream.indirect.scatter.add.f32 [tilespmem:s21], [sflag:$0x3], $0x80, s7, s20, $0xb8;
	[tilespmem:$0x1D000] =	vst v63  }
0x7c: {  	_ =	swait.ge [sflag:s18], $0x4000  }
0x7d: {  	[sflag:s18] =	ssyncset.done $0x0  }
0x7e: {  	s9 =	rddreg [dreg:$0x10];
	[sflag:s18] =	ssyncadd.s32 $0xFFFFC000  }
0x7f: {  	[tilespmem:s21], [sflag:$0x2] =	stream.indirect.gather [hbm4b:s5+s20], $0x80, s9, s20, $0xb8;
	[tilespmem:$0x1D000] =	vst v63  }
0x80: {  	_ =	swait.ge [sflag:s22], $0x4000  }
0x81: {  	[sflag:s22] =	ssyncset.done $0x0  }
0x82: {  	s10 =	rddreg [dreg:$0x11];
	[sflag:s22] =	ssyncadd.s32 $0xFFFFC000  }
0x83: {  	[spmem:s3] =	stream.indirect.scatter.add.f32 [tilespmem:s17], [sflag:$0x3], $0x80, s10, s20, $0xb8;
	[tilespmem:$0x1D000] =	vst v63  }
0x84: {  	_ =	swait.ge [sflag:s18], $0x4000  }
0x85: {  	[sflag:s18] =	ssyncset.done $0x0  }
0x86: {  	[sflag:s18] =	ssyncadd.s32 $0xFFFFC000  }
0x87: {  	[tilespmem:s17], [sflag:$0x1] =	stream.indirect.gather [hbm4b:s5+s20], $0x80, s24, s20, $0xb8;
	[tilespmem:$0x1D000] =	vst v63  }
0x88: {  	_ =	swait.ge [sflag:s23], $0x4000  }
0x89: {  	[sflag:s23] =	ssyncset.done $0x0  }
0x8a: {  	[sflag:s23] =	ssyncadd.s32 $0xFFFFC000  }
0x8b: {  	[spmem:s3] =	stream.indirect.scatter.add.f32 [tilespmem:s21], [sflag:$0x3], $0x80, s25, s20, $0xb8;
	[tilespmem:$0x1D000] =	vst v63  }
0x8c: {  	_ =	swait.ge [sflag:s18], $0x4000  }
0x8d: {  	[sflag:s18] =	ssyncset.done $0x0  }
0x8e: {  	[sflag:s18] =	ssyncadd.s32 $0xFFFFC000  }
0x8f: {  	[tilespmem:s21], [sflag:$0x2] =	stream.indirect.gather [hbm4b:s5+s20], $0x80, s26, s20, $0xb8;
	[tilespmem:$0x1D000] =	vst v63  }
0x90: {  	_ =	swait.ge [sflag:s22], $0x4000  }
0x91: {  	[sflag:s22] =	ssyncset.done $0x0  }
0x92: {  	[sflag:s22] =	ssyncadd.s32 $0xFFFFC000  }
0x93: {  	[spmem:s3] =	stream.indirect.scatter.add.f32 [tilespmem:s17], [sflag:$0x3], $0x80, s28, s20, $0xb8;
	[tilespmem:$0x1D000] =	vst v63  }
0x94: {  	_ =	swait.ge [sflag:s18], $0x4000  }
0x95: {  	[sflag:s18] =	ssyncset.done $0x0  }
0x96: {  	[sflag:s18] =	ssyncadd.s32 $0xFFFFC000  }
0x97: {  	[tilespmem:s17], [sflag:$0x1] =	stream.indirect.gather [hbm4b:s5+s20], $0x80, s29, s20, $0xb8;
	[tilespmem:$0x1D000] =	vst v63  }
0x98: {  	_ =	swait.ge [sflag:s23], $0x4000  }
0x99: {  	[sflag:s23] =	ssyncset.done $0x0  }
0x9a: {  	[sflag:s23] =	ssyncadd.s32 $0xFFFFC000  }
0x9b: {  	[spmem:s3] =	stream.indirect.scatter.add.f32 [tilespmem:s21], [sflag:$0x3], $0x80, s30, s20, $0xb8;
	[tilespmem:$0x1D000] =	vst v63  }
0x9c: {  	_ =	swait.ge [sflag:s18], $0x4000  }
0x9d: {  	[sflag:s18] =	ssyncset.done $0x0  }
0x9e: {  	[sflag:s18] =	ssyncadd.s32 $0xFFFFC000  }
0x9f: {  	[tilespmem:s21], [sflag:$0x2] =	stream.indirect.gather [hbm4b:s5+s20], $0x80, s31, s20, $0xb8;
	[tilespmem:$0x1D000] =	vst v63  }
0xa0: {  	_ =	swait.ge [sflag:s22], $0x4000  }
0xa1: {  	[sflag:s22] =	ssyncset.done $0x0  }
0xa2: {  	[sflag:s22] =	ssyncadd.s32 $0xFFFFC000  }
0xa3: {  	[spmem:s3] =	stream.indirect.scatter.add.f32 [tilespmem:s17], [sflag:$0x3], $0x80, s0, s20, $0xb8;
	[tilespmem:$0x1D000] =	vst v63  }
0xa4: {  	_ =	swait.ge [sflag:s18], $0x4000  }
0xa5: {  	[sflag:s18] =	ssyncset.done $0x0  }
0xa6: {  	[sflag:s18] =	ssyncadd.s32 $0xFFFFC000  }
0xa7: {  	[tilespmem:s17], [sflag:$0x1] =	stream.indirect.gather [hbm4b:s5+s20], $0x80, s1, s20, $0xb8;
	[tilespmem:$0x1D000] =	vst v63  }
0xa8: {  	_ =	swait.ge [sflag:s23], $0x4000  }
0xa9: {  	[sflag:s23] =	ssyncset.done $0x0  }
0xaa: {  	[sflag:s23] =	ssyncadd.s32 $0xFFFFC000  }
0xab: {  	[spmem:s3] =	stream.indirect.scatter.add.f32 [tilespmem:s21], [sflag:$0x3], $0x80, s2, s20, $0xb8;
	[tilespmem:$0x1D000] =	vst v63  }
0xac: {  	_ =	swait.ge [sflag:s18], $0x4000  }
0xad: {  	[sflag:s18] =	ssyncset.done $0x0  }
0xae: {  	[sflag:s18] =	ssyncadd.s32 $0xFFFFC000  }
0xaf: {  	[tilespmem:s21], [sflag:$0x2] =	stream.indirect.gather [hbm4b:s5+s20], $0x80, s11, s20, $0xb8;
	[tilespmem:$0x1D000] =	vst v63  }
0xb0: {  	_ =	swait.ge [sflag:s22], $0x4000  }
0xb1: {  	[sflag:s22] =	ssyncset.done $0x0  }
0xb2: {  	[sflag:s22] =	ssyncadd.s32 $0xFFFFC000  }
0xb3: {  	[spmem:s3] =	stream.indirect.scatter.add.f32 [tilespmem:s17], [sflag:$0x3], $0x80, s12, s20, $0xb8;
	[tilespmem:$0x1D000] =	vst v63  }
0xb4: {  	_ =	swait.ge [sflag:s18], $0x4000  }
0xb5: {  	[sflag:s18] =	ssyncset.done $0x0  }
0xb6: {  	[sflag:s18] =	ssyncadd.s32 $0xFFFFC000  }
0xb7: {  	[tilespmem:s17], [sflag:$0x1] =	stream.indirect.gather [hbm4b:s5+s20], $0x80, s13, s20, $0xb8;
	[tilespmem:$0x1D000] =	vst v63  }
0xb8: {  	_ =	swait.ge [sflag:s23], $0x4000  }
0xb9: {  	[sflag:s23] =	ssyncset.done $0x0  }
0xba: {  	[sflag:s23] =	ssyncadd.s32 $0xFFFFC000  }
0xbb: {  	[spmem:s3] =	stream.indirect.scatter.add.f32 [tilespmem:s21], [sflag:$0x3], $0x80, s14, s20, $0xb8;
	[tilespmem:$0x1D000] =	vst v63  }
0xbc: {  	_ =	swait.ge [sflag:s18], $0x4000  }
0xbd: {  	[sflag:s18] =	ssyncset.done $0x0  }
0xbe: {  	[sflag:s18] =	ssyncadd.s32 $0xFFFFC000  }
0xbf: {  	[tilespmem:s21], [sflag:$0x2] =	stream.indirect.gather [hbm4b:s5+s20], $0x80, s15, s20, $0xb8;
	[tilespmem:$0x1D000] =	vst v63  }
0xc0: {  	_ =	swait.ge [sflag:s22], $0x4000  }
0xc1: {  	[sflag:s22] =	ssyncset.done $0x0  }
0xc2: {  	[sflag:s22] =	ssyncadd.s32 $0xFFFFC000  }
0xc3: {  	[spmem:s3] =	stream.indirect.scatter.add.f32 [tilespmem:s17], [sflag:$0x3], $0x80, s16, s20, $0xb8;
	[tilespmem:$0x1D000] =	vst v63  }
0xc4: {  	_ =	swait.ge [sflag:s18], $0x4000  }
0xc5: {  	[sflag:s18] =	ssyncset.done $0x0  }
0xc6: {  	[sflag:s18] =	ssyncadd.s32 $0xFFFFC000  }
0xc7: {  	_ =	swait.ge [sflag:s23], $0x4000  }
0xc8: {  	[sflag:s23] =	ssyncset.done $0x0  }
0xc9: {  	[sflag:s23] =	ssyncadd.s32 $0xFFFFC000  }
0xca: {  	[spmem:s3] =	stream.indirect.scatter.add.f32 [tilespmem:s21], [sflag:$0x3], $0x80, s6, s20, $0xb8;
	[tilespmem:$0x1D000] =	vst v63  }
0xcb: {  	s8 =	simm.s32 $0x100;
	_ =	swait.ge [sflag:s18], $0x4000  }
0xcc: {  	s9 =	simm.s32 $0x200;
	s10 =	rddreg [dreg:$0x5];
	[sflag:s18] =	ssyncset.done $0x0  }
.LBB2_2:
0xcd: {  	[sflag:s18] =	ssyncadd.s32 $0xFFFFC000;
	s10 =	sadd.s32 s8, s10  }
0xce: {  	[tilespmem:s4], [sflag:$0x3] =	stream.linear.gather [hbm4b:s10+s4], $0x800, $0x38;
	[tilespmem:$0x1D000] =	vst v63  }
0xcf: {  	_ =	swait.ge [sflag:s18], $0x800  }
0xd0: {  	s10 =	rddreg [dreg:$0x4];
	[sflag:s18] =	ssyncset.done $0x0  }
0xd1: {  	[sflag:s18] =	ssyncadd.s32 $0xFFFFF800;
	s10 =	sadd.s32 s8, s10  }
0xd2: {  	[tilespmem:s19], [sflag:$0x3] =	stream.linear.gather [hbm4b:s10+s4], $0x800, $0x38;
	[tilespmem:$0x1D000] =	vst v63  }
0xd3: {  	_ =	swait.ge [sflag:s18], $0x800  }
0xd4: {  	[sflag:s18] =	ssyncset.done $0x0  }
0xd5: {  	[sflag:s18] =	ssyncadd.s32 $0xFFFFF800  }
0xd6: {  	[tilespmem:s17], [sflag:$0x1] =	stream.indirect.gather [hbm4b:s5+s20], $0x80, s4, s20, $0xb8;
	[tilespmem:$0x1D000] =	vst v63  }
0xd7: {  	_ = 	snop  }
0xd8: {  	[tilespmem:s21], [sflag:$0x2] =	stream.indirect.gather [hbm4b:s5+s20], $0x80, s20, s20, $0xb8;
	[tilespmem:$0x1D000] =	vst v63  }
0xd9: {  	_ =	swait.ge [sflag:s22], $0x4000  }
0xda: {  	[sflag:s22] =	ssyncset.done $0x0  }
0xdb: {  	[sflag:s22] =	ssyncadd.s32 $0xFFFFC000  }
0xdc: {  	[spmem:s3] =	stream.indirect.scatter.add.f32 [tilespmem:s17], [sflag:$0x3], $0x80, s19, s20, $0xb8;
	[tilespmem:$0x1D000] =	vst v63  }
0xdd: {  	_ =	swait.ge [sflag:s18], $0x4000  }
0xde: {  	[sflag:s18] =	ssyncset.done $0x0  }
0xdf: {  	s10 =	rddreg [dreg:$0x6];
	[sflag:s18] =	ssyncadd.s32 $0xFFFFC000  }
0xe0: {  	[tilespmem:s17], [sflag:$0x1] =	stream.indirect.gather [hbm4b:s5+s20], $0x80, s10, s20, $0xb8;
	[tilespmem:$0x1D000] =	vst v63  }
0xe1: {  	_ =	swait.ge [sflag:s23], $0x4000  }
0xe2: {  	[sflag:s23] =	ssyncset.done $0x0  }
0xe3: {  	s10 =	rddreg [dreg:$0x7];
	[sflag:s23] =	ssyncadd.s32 $0xFFFFC000  }
0xe4: {  	[spmem:s3] =	stream.indirect.scatter.add.f32 [tilespmem:s21], [sflag:$0x3], $0x80, s10, s20, $0xb8;
	[tilespmem:$0x1D000] =	vst v63  }
0xe5: {  	_ =	swait.ge [sflag:s18], $0x4000  }
0xe6: {  	[sflag:s18] =	ssyncset.done $0x0  }
0xe7: {  	s10 =	rddreg [dreg:$0x8];
	[sflag:s18] =	ssyncadd.s32 $0xFFFFC000  }
0xe8: {  	[tilespmem:s21], [sflag:$0x2] =	stream.indirect.gather [hbm4b:s5+s20], $0x80, s10, s20, $0xb8;
	[tilespmem:$0x1D000] =	vst v63  }
0xe9: {  	_ =	swait.ge [sflag:s22], $0x4000  }
0xea: {  	[sflag:s22] =	ssyncset.done $0x0  }
0xeb: {  	s10 =	rddreg [dreg:$0x9];
	[sflag:s22] =	ssyncadd.s32 $0xFFFFC000  }
0xec: {  	[spmem:s3] =	stream.indirect.scatter.add.f32 [tilespmem:s17], [sflag:$0x3], $0x80, s10, s20, $0xb8;
	[tilespmem:$0x1D000] =	vst v63  }
0xed: {  	_ =	swait.ge [sflag:s18], $0x4000  }
0xee: {  	[sflag:s18] =	ssyncset.done $0x0  }
0xef: {  	s10 =	rddreg [dreg:$0xa];
	[sflag:s18] =	ssyncadd.s32 $0xFFFFC000  }
0xf0: {  	[tilespmem:s17], [sflag:$0x1] =	stream.indirect.gather [hbm4b:s5+s20], $0x80, s10, s20, $0xb8;
	[tilespmem:$0x1D000] =	vst v63  }
0xf1: {  	_ =	swait.ge [sflag:s23], $0x4000  }
0xf2: {  	[sflag:s23] =	ssyncset.done $0x0  }
0xf3: {  	s10 =	rddreg [dreg:$0xb];
	[sflag:s23] =	ssyncadd.s32 $0xFFFFC000  }
0xf4: {  	[spmem:s3] =	stream.indirect.scatter.add.f32 [tilespmem:s21], [sflag:$0x3], $0x80, s10, s20, $0xb8;
	[tilespmem:$0x1D000] =	vst v63  }
0xf5: {  	_ =	swait.ge [sflag:s18], $0x4000  }
0xf6: {  	[sflag:s18] =	ssyncset.done $0x0  }
0xf7: {  	s10 =	rddreg [dreg:$0xc];
	[sflag:s18] =	ssyncadd.s32 $0xFFFFC000  }
0xf8: {  	[tilespmem:s21], [sflag:$0x2] =	stream.indirect.gather [hbm4b:s5+s20], $0x80, s10, s20, $0xb8;
	[tilespmem:$0x1D000] =	vst v63  }
0xf9: {  	_ =	swait.ge [sflag:s22], $0x4000  }
0xfa: {  	[sflag:s22] =	ssyncset.done $0x0  }
0xfb: {  	s10 =	rddreg [dreg:$0xd];
	[sflag:s22] =	ssyncadd.s32 $0xFFFFC000  }
0xfc: {  	[spmem:s3] =	stream.indirect.scatter.add.f32 [tilespmem:s17], [sflag:$0x3], $0x80, s10, s20, $0xb8;
	[tilespmem:$0x1D000] =	vst v63  }
0xfd: {  	_ =	swait.ge [sflag:s18], $0x4000  }
0xfe: {  	[sflag:s18] =	ssyncset.done $0x0  }
0xff: {  	s10 =	rddreg [dreg:$0xe];
	[sflag:s18] =	ssyncadd.s32 $0xFFFFC000  }
0x100: {  	[tilespmem:s17], [sflag:$0x1] =	stream.indirect.gather [hbm4b:s5+s20], $0x80, s10, s20, $0xb8;
	[tilespmem:$0x1D000] =	vst v63  }
0x101: {  	_ =	swait.ge [sflag:s23], $0x4000  }
0x102: {  	[sflag:s23] =	ssyncset.done $0x0  }
0x103: {  	s10 =	rddreg [dreg:$0xf];
	[sflag:s23] =	ssyncadd.s32 $0xFFFFC000  }
0x104: {  	[spmem:s3] =	stream.indirect.scatter.add.f32 [tilespmem:s21], [sflag:$0x3], $0x80, s10, s20, $0xb8;
	[tilespmem:$0x1D000] =	vst v63  }
0x105: {  	_ =	swait.ge [sflag:s18], $0x4000  }
0x106: {  	[sflag:s18] =	ssyncset.done $0x0  }
0x107: {  	s10 =	rddreg [dreg:$0x10];
	[sflag:s18] =	ssyncadd.s32 $0xFFFFC000  }
0x108: {  	[tilespmem:s21], [sflag:$0x2] =	stream.indirect.gather [hbm4b:s5+s20], $0x80, s10, s20, $0xb8;
	[tilespmem:$0x1D000] =	vst v63  }
0x109: {  	_ =	swait.ge [sflag:s22], $0x4000  }
0x10a: {  	[sflag:s22] =	ssyncset.done $0x0  }
0x10b: {  	s10 =	rddreg [dreg:$0x11];
	[sflag:s22] =	ssyncadd.s32 $0xFFFFC000  }
0x10c: {  	[spmem:s3] =	stream.indirect.scatter.add.f32 [tilespmem:s17], [sflag:$0x3], $0x80, s10, s20, $0xb8;
	[tilespmem:$0x1D000] =	vst v63  }
0x10d: {  	_ =	swait.ge [sflag:s18], $0x4000  }
0x10e: {  	[sflag:s18] =	ssyncset.done $0x0  }
0x10f: {  	[sflag:s18] =	ssyncadd.s32 $0xFFFFC000  }
0x110: {  	[tilespmem:s17], [sflag:$0x1] =	stream.indirect.gather [hbm4b:s5+s20], $0x80, s24, s20, $0xb8;
	[tilespmem:$0x1D000] =	vst v63  }
0x111: {  	_ =	swait.ge [sflag:s23], $0x4000  }
0x112: {  	[sflag:s23] =	ssyncset.done $0x0  }
0x113: {  	[sflag:s23] =	ssyncadd.s32 $0xFFFFC000  }
0x114: {  	[spmem:s3] =	stream.indirect.scatter.add.f32 [tilespmem:s21], [sflag:$0x3], $0x80, s25, s20, $0xb8;
	[tilespmem:$0x1D000] =	vst v63  }
0x115: {  	_ =	swait.ge [sflag:s18], $0x4000  }
0x116: {  	[sflag:s18] =	ssyncset.done $0x0  }
0x117: {  	[sflag:s18] =	ssyncadd.s32 $0xFFFFC000  }
0x118: {  	[tilespmem:s21], [sflag:$0x2] =	stream.indirect.gather [hbm4b:s5+s20], $0x80, s26, s20, $0xb8;
	[tilespmem:$0x1D000] =	vst v63  }
0x119: {  	_ =	swait.ge [sflag:s22], $0x4000  }
0x11a: {  	[sflag:s22] =	ssyncset.done $0x0  }
0x11b: {  	[sflag:s22] =	ssyncadd.s32 $0xFFFFC000  }
0x11c: {  	[spmem:s3] =	stream.indirect.scatter.add.f32 [tilespmem:s17], [sflag:$0x3], $0x80, s28, s20, $0xb8;
	[tilespmem:$0x1D000] =	vst v63  }
0x11d: {  	_ =	swait.ge [sflag:s18], $0x4000  }
0x11e: {  	[sflag:s18] =	ssyncset.done $0x0  }
0x11f: {  	[sflag:s18] =	ssyncadd.s32 $0xFFFFC000  }
0x120: {  	[tilespmem:s17], [sflag:$0x1] =	stream.indirect.gather [hbm4b:s5+s20], $0x80, s29, s20, $0xb8;
	[tilespmem:$0x1D000] =	vst v63  }
0x121: {  	_ =	swait.ge [sflag:s23], $0x4000  }
0x122: {  	[sflag:s23] =	ssyncset.done $0x0  }
0x123: {  	[sflag:s23] =	ssyncadd.s32 $0xFFFFC000  }
0x124: {  	[spmem:s3] =	stream.indirect.scatter.add.f32 [tilespmem:s21], [sflag:$0x3], $0x80, s30, s20, $0xb8;
	[tilespmem:$0x1D000] =	vst v63  }
0x125: {  	_ =	swait.ge [sflag:s18], $0x4000  }
0x126: {  	[sflag:s18] =	ssyncset.done $0x0  }
0x127: {  	[sflag:s18] =	ssyncadd.s32 $0xFFFFC000  }
0x128: {  	[tilespmem:s21], [sflag:$0x2] =	stream.indirect.gather [hbm4b:s5+s20], $0x80, s31, s20, $0xb8;
	[tilespmem:$0x1D000] =	vst v63  }
0x129: {  	_ =	swait.ge [sflag:s22], $0x4000  }
0x12a: {  	[sflag:s22] =	ssyncset.done $0x0  }
0x12b: {  	[sflag:s22] =	ssyncadd.s32 $0xFFFFC000  }
0x12c: {  	[spmem:s3] =	stream.indirect.scatter.add.f32 [tilespmem:s17], [sflag:$0x3], $0x80, s0, s20, $0xb8;
	[tilespmem:$0x1D000] =	vst v63  }
0x12d: {  	_ =	swait.ge [sflag:s18], $0x4000  }
0x12e: {  	[sflag:s18] =	ssyncset.done $0x0  }
0x12f: {  	[sflag:s18] =	ssyncadd.s32 $0xFFFFC000  }
0x130: {  	[tilespmem:s17], [sflag:$0x1] =	stream.indirect.gather [hbm4b:s5+s20], $0x80, s1, s20, $0xb8;
	[tilespmem:$0x1D000] =	vst v63  }
0x131: {  	_ =	swait.ge [sflag:s23], $0x4000  }
0x132: {  	[sflag:s23] =	ssyncset.done $0x0  }
0x133: {  	[sflag:s23] =	ssyncadd.s32 $0xFFFFC000  }
0x134: {  	[spmem:s3] =	stream.indirect.scatter.add.f32 [tilespmem:s21], [sflag:$0x3], $0x80, s2, s20, $0xb8;
	[tilespmem:$0x1D000] =	vst v63  }
0x135: {  	_ =	swait.ge [sflag:s18], $0x4000  }
0x136: {  	[sflag:s18] =	ssyncset.done $0x0  }
0x137: {  	[sflag:s18] =	ssyncadd.s32 $0xFFFFC000  }
0x138: {  	[tilespmem:s21], [sflag:$0x2] =	stream.indirect.gather [hbm4b:s5+s20], $0x80, s11, s20, $0xb8;
	[tilespmem:$0x1D000] =	vst v63  }
0x139: {  	_ =	swait.ge [sflag:s22], $0x4000  }
0x13a: {  	[sflag:s22] =	ssyncset.done $0x0  }
0x13b: {  	[sflag:s22] =	ssyncadd.s32 $0xFFFFC000  }
0x13c: {  	[spmem:s3] =	stream.indirect.scatter.add.f32 [tilespmem:s17], [sflag:$0x3], $0x80, s12, s20, $0xb8;
	[tilespmem:$0x1D000] =	vst v63  }
0x13d: {  	_ =	swait.ge [sflag:s18], $0x4000  }
0x13e: {  	[sflag:s18] =	ssyncset.done $0x0  }
0x13f: {  	[sflag:s18] =	ssyncadd.s32 $0xFFFFC000  }
0x140: {  	[tilespmem:s17], [sflag:$0x1] =	stream.indirect.gather [hbm4b:s5+s20], $0x80, s13, s20, $0xb8;
	[tilespmem:$0x1D000] =	vst v63  }
0x141: {  	_ =	swait.ge [sflag:s23], $0x4000  }
0x142: {  	[sflag:s23] =	ssyncset.done $0x0  }
0x143: {  	[sflag:s23] =	ssyncadd.s32 $0xFFFFC000  }
0x144: {  	[spmem:s3] =	stream.indirect.scatter.add.f32 [tilespmem:s21], [sflag:$0x3], $0x80, s14, s20, $0xb8;
	[tilespmem:$0x1D000] =	vst v63  }
0x145: {  	_ =	swait.ge [sflag:s18], $0x4000  }
0x146: {  	[sflag:s18] =	ssyncset.done $0x0  }
0x147: {  	[sflag:s18] =	ssyncadd.s32 $0xFFFFC000  }
0x148: {  	[tilespmem:s21], [sflag:$0x2] =	stream.indirect.gather [hbm4b:s5+s20], $0x80, s15, s20, $0xb8;
	[tilespmem:$0x1D000] =	vst v63  }
0x149: {  	_ =	swait.ge [sflag:s22], $0x4000  }
0x14a: {  	[sflag:s22] =	ssyncset.done $0x0  }
0x14b: {  	[sflag:s22] =	ssyncadd.s32 $0xFFFFC000  }
0x14c: {  	[spmem:s3] =	stream.indirect.scatter.add.f32 [tilespmem:s17], [sflag:$0x3], $0x80, s16, s20, $0xb8;
	[tilespmem:$0x1D000] =	vst v63  }
0x14d: {  	_ =	swait.ge [sflag:s18], $0x4000  }
0x14e: {  	[sflag:s18] =	ssyncset.done $0x0  }
0x14f: {  	[sflag:s18] =	ssyncadd.s32 $0xFFFFC000  }
0x150: {  	p0 =	sne.s32 s9, $0x400;
	_ =	swait.ge [sflag:s23], $0x4000  }
.Ltmp0:
0x151: {  	[sflag:s23] =	ssyncset.done $0x0;
	(pc) =	sbr.rel @p0 .LBB2_2-.Ltmp0, $4  }
0x152: {  	[sflag:s23] =	ssyncadd.s32 $0xFFFFC000  }
0x153: {  	[spmem:s3] =	stream.indirect.scatter.add.f32 [tilespmem:s21], [sflag:$0x3], $0x80, s6, s20, $0xb8;
	[tilespmem:$0x1D000] =	vst v63  }
0x154: {  	s7 =	smov.u32 s9;
	s9 =	sadd.s32 $0x100, s9;
	_ =	swait.ge [sflag:s18], $0x4000  }
0x155: {  	s8 =	smov.u32 s7;
	s10 =	rddreg [dreg:$0x5];
	[sflag:s18] =	ssyncset.done $0x0  }
0x156: {  	[sflag:s18] =	ssyncadd.s32 $0xFFFFC000;
	s7 =	sadd.s32 s8, s10  }
0x157: {  	[tilespmem:s4], [sflag:$0x3] =	stream.linear.gather [hbm4b:s7+s4], $0x800, $0x38;
	[tilespmem:$0x1D000] =	vst v63  }
0x158: {  	_ =	swait.ge [sflag:s18], $0x800  }
0x159: {  	s10 =	rddreg [dreg:$0x4];
	[sflag:s18] =	ssyncset.done $0x0  }
0x15a: {  	s7 =	sadd.s32 s8, s10;
	[sflag:s18] =	ssyncadd.s32 $0xFFFFF800  }
0x15b: {  	[tilespmem:s19], [sflag:$0x3] =	stream.linear.gather [hbm4b:s7+s4], $0x800, $0x38;
	[tilespmem:$0x1D000] =	vst v63  }
0x15c: {  	_ =	swait.ge [sflag:s18], $0x800  }
0x15d: {  	[sflag:s18] =	ssyncset.done $0x0  }
0x15e: {  	[sflag:s18] =	ssyncadd.s32 $0xFFFFF800  }
0x15f: {  	[tilespmem:s17], [sflag:$0x1] =	stream.indirect.gather [hbm4b:s5+s20], $0x80, s4, s20, $0xb8;
	[tilespmem:$0x1D000] =	vst v63  }
0x160: {  	_ = 	snop  }
0x161: {  	[tilespmem:s21], [sflag:$0x2] =	stream.indirect.gather [hbm4b:s5+s20], $0x80, s20, s20, $0xb8;
	[tilespmem:$0x1D000] =	vst v63  }
0x162: {  	_ =	swait.ge [sflag:s22], $0x4000  }
0x163: {  	[sflag:s22] =	ssyncset.done $0x0  }
0x164: {  	[sflag:s22] =	ssyncadd.s32 $0xFFFFC000  }
0x165: {  	[spmem:s3] =	stream.indirect.scatter.add.f32 [tilespmem:s17], [sflag:$0x3], $0x80, s19, s20, $0xb8;
	[tilespmem:$0x1D000] =	vst v63  }
0x166: {  	_ =	swait.ge [sflag:s18], $0x4000  }
0x167: {  	[sflag:s18] =	ssyncset.done $0x0  }
0x168: {  	s8 =	rddreg [dreg:$0x6];
	[sflag:s18] =	ssyncadd.s32 $0xFFFFC000  }
0x169: {  	[tilespmem:s17], [sflag:$0x1] =	stream.indirect.gather [hbm4b:s5+s20], $0x80, s8, s20, $0xb8;
	[tilespmem:$0x1D000] =	vst v63  }
0x16a: {  	_ =	swait.ge [sflag:s23], $0x4000  }
0x16b: {  	[sflag:s23] =	ssyncset.done $0x0  }
0x16c: {  	s9 =	rddreg [dreg:$0x7];
	[sflag:s23] =	ssyncadd.s32 $0xFFFFC000  }
0x16d: {  	[spmem:s3] =	stream.indirect.scatter.add.f32 [tilespmem:s21], [sflag:$0x3], $0x80, s9, s20, $0xb8;
	[tilespmem:$0x1D000] =	vst v63  }
0x16e: {  	_ =	swait.ge [sflag:s18], $0x4000  }
0x16f: {  	[sflag:s18] =	ssyncset.done $0x0  }
0x170: {  	s10 =	rddreg [dreg:$0x8];
	[sflag:s18] =	ssyncadd.s32 $0xFFFFC000  }
0x171: {  	[tilespmem:s21], [sflag:$0x2] =	stream.indirect.gather [hbm4b:s5+s20], $0x80, s10, s20, $0xb8;
	[tilespmem:$0x1D000] =	vst v63  }
0x172: {  	_ =	swait.ge [sflag:s22], $0x4000  }
0x173: {  	[sflag:s22] =	ssyncset.done $0x0  }
0x174: {  	s8 =	rddreg [dreg:$0x9];
	[sflag:s22] =	ssyncadd.s32 $0xFFFFC000  }
0x175: {  	[spmem:s3] =	stream.indirect.scatter.add.f32 [tilespmem:s17], [sflag:$0x3], $0x80, s8, s20, $0xb8;
	[tilespmem:$0x1D000] =	vst v63  }
0x176: {  	_ =	swait.ge [sflag:s18], $0x4000  }
0x177: {  	[sflag:s18] =	ssyncset.done $0x0  }
0x178: {  	s9 =	rddreg [dreg:$0xa];
	[sflag:s18] =	ssyncadd.s32 $0xFFFFC000  }
0x179: {  	[tilespmem:s17], [sflag:$0x1] =	stream.indirect.gather [hbm4b:s5+s20], $0x80, s9, s20, $0xb8;
	[tilespmem:$0x1D000] =	vst v63  }
0x17a: {  	_ =	swait.ge [sflag:s23], $0x4000  }
0x17b: {  	[sflag:s23] =	ssyncset.done $0x0  }
0x17c: {  	s10 =	rddreg [dreg:$0xb];
	[sflag:s23] =	ssyncadd.s32 $0xFFFFC000  }
0x17d: {  	[spmem:s3] =	stream.indirect.scatter.add.f32 [tilespmem:s21], [sflag:$0x3], $0x80, s10, s20, $0xb8;
	[tilespmem:$0x1D000] =	vst v63  }
0x17e: {  	_ =	swait.ge [sflag:s18], $0x4000  }
0x17f: {  	[sflag:s18] =	ssyncset.done $0x0  }
0x180: {  	s8 =	rddreg [dreg:$0xc];
	[sflag:s18] =	ssyncadd.s32 $0xFFFFC000  }
0x181: {  	[tilespmem:s21], [sflag:$0x2] =	stream.indirect.gather [hbm4b:s5+s20], $0x80, s8, s20, $0xb8;
	[tilespmem:$0x1D000] =	vst v63  }
0x182: {  	_ =	swait.ge [sflag:s22], $0x4000  }
0x183: {  	[sflag:s22] =	ssyncset.done $0x0  }
0x184: {  	s9 =	rddreg [dreg:$0xd];
	[sflag:s22] =	ssyncadd.s32 $0xFFFFC000  }
0x185: {  	[spmem:s3] =	stream.indirect.scatter.add.f32 [tilespmem:s17], [sflag:$0x3], $0x80, s9, s20, $0xb8;
	[tilespmem:$0x1D000] =	vst v63  }
0x186: {  	_ =	swait.ge [sflag:s18], $0x4000  }
0x187: {  	[sflag:s18] =	ssyncset.done $0x0  }
0x188: {  	s10 =	rddreg [dreg:$0xe];
	[sflag:s18] =	ssyncadd.s32 $0xFFFFC000  }
0x189: {  	[tilespmem:s17], [sflag:$0x1] =	stream.indirect.gather [hbm4b:s5+s20], $0x80, s10, s20, $0xb8;
	[tilespmem:$0x1D000] =	vst v63  }
0x18a: {  	_ =	swait.ge [sflag:s23], $0x4000  }
0x18b: {  	[sflag:s23] =	ssyncset.done $0x0  }
0x18c: {  	s8 =	rddreg [dreg:$0xf];
	[sflag:s23] =	ssyncadd.s32 $0xFFFFC000  }
0x18d: {  	[spmem:s3] =	stream.indirect.scatter.add.f32 [tilespmem:s21], [sflag:$0x3], $0x80, s8, s20, $0xb8;
	[tilespmem:$0x1D000] =	vst v63  }
0x18e: {  	_ =	swait.ge [sflag:s18], $0x4000  }
0x18f: {  	[sflag:s18] =	ssyncset.done $0x0  }
0x190: {  	s9 =	rddreg [dreg:$0x10];
	[sflag:s18] =	ssyncadd.s32 $0xFFFFC000  }
0x191: {  	[tilespmem:s21], [sflag:$0x2] =	stream.indirect.gather [hbm4b:s5+s20], $0x80, s9, s20, $0xb8;
	[tilespmem:$0x1D000] =	vst v63  }
0x192: {  	_ =	swait.ge [sflag:s22], $0x4000  }
0x193: {  	[sflag:s22] =	ssyncset.done $0x0  }
0x194: {  	s10 =	rddreg [dreg:$0x11];
	[sflag:s22] =	ssyncadd.s32 $0xFFFFC000  }
0x195: {  	[spmem:s3] =	stream.indirect.scatter.add.f32 [tilespmem:s17], [sflag:$0x3], $0x80, s10, s20, $0xb8;
	[tilespmem:$0x1D000] =	vst v63  }
0x196: {  	_ =	swait.ge [sflag:s18], $0x4000  }
0x197: {  	[sflag:s18] =	ssyncset.done $0x0  }
0x198: {  	[sflag:s18] =	ssyncadd.s32 $0xFFFFC000  }
0x199: {  	[tilespmem:s17], [sflag:$0x1] =	stream.indirect.gather [hbm4b:s5+s20], $0x80, s24, s20, $0xb8;
	[tilespmem:$0x1D000] =	vst v63  }
0x19a: {  	_ =	swait.ge [sflag:s23], $0x4000  }
0x19b: {  	[sflag:s23] =	ssyncset.done $0x0  }
0x19c: {  	[sflag:s23] =	ssyncadd.s32 $0xFFFFC000  }
0x19d: {  	[spmem:s3] =	stream.indirect.scatter.add.f32 [tilespmem:s21], [sflag:$0x3], $0x80, s25, s20, $0xb8;
	[tilespmem:$0x1D000] =	vst v63  }
0x19e: {  	_ =	swait.ge [sflag:s18], $0x4000  }
0x19f: {  	[sflag:s18] =	ssyncset.done $0x0  }
0x1a0: {  	[sflag:s18] =	ssyncadd.s32 $0xFFFFC000  }
0x1a1: {  	[tilespmem:s21], [sflag:$0x2] =	stream.indirect.gather [hbm4b:s5+s20], $0x80, s26, s20, $0xb8;
	[tilespmem:$0x1D000] =	vst v63  }
0x1a2: {  	_ =	swait.ge [sflag:s22], $0x4000  }
0x1a3: {  	[sflag:s22] =	ssyncset.done $0x0  }
0x1a4: {  	[sflag:s22] =	ssyncadd.s32 $0xFFFFC000  }
0x1a5: {  	[spmem:s3] =	stream.indirect.scatter.add.f32 [tilespmem:s17], [sflag:$0x3], $0x80, s28, s20, $0xb8;
	[tilespmem:$0x1D000] =	vst v63  }
0x1a6: {  	_ =	swait.ge [sflag:s18], $0x4000  }
0x1a7: {  	[sflag:s18] =	ssyncset.done $0x0  }
0x1a8: {  	[sflag:s18] =	ssyncadd.s32 $0xFFFFC000  }
0x1a9: {  	[tilespmem:s17], [sflag:$0x1] =	stream.indirect.gather [hbm4b:s5+s20], $0x80, s29, s20, $0xb8;
	[tilespmem:$0x1D000] =	vst v63  }
0x1aa: {  	_ =	swait.ge [sflag:s23], $0x4000  }
0x1ab: {  	[sflag:s23] =	ssyncset.done $0x0  }
0x1ac: {  	[sflag:s23] =	ssyncadd.s32 $0xFFFFC000  }
0x1ad: {  	[spmem:s3] =	stream.indirect.scatter.add.f32 [tilespmem:s21], [sflag:$0x3], $0x80, s30, s20, $0xb8;
	[tilespmem:$0x1D000] =	vst v63  }
0x1ae: {  	_ =	swait.ge [sflag:s18], $0x4000  }
0x1af: {  	[sflag:s18] =	ssyncset.done $0x0  }
0x1b0: {  	[sflag:s18] =	ssyncadd.s32 $0xFFFFC000  }
0x1b1: {  	[tilespmem:s21], [sflag:$0x2] =	stream.indirect.gather [hbm4b:s5+s20], $0x80, s31, s20, $0xb8;
	[tilespmem:$0x1D000] =	vst v63  }
0x1b2: {  	_ =	swait.ge [sflag:s22], $0x4000  }
0x1b3: {  	[sflag:s22] =	ssyncset.done $0x0  }
0x1b4: {  	[sflag:s22] =	ssyncadd.s32 $0xFFFFC000  }
0x1b5: {  	[spmem:s3] =	stream.indirect.scatter.add.f32 [tilespmem:s17], [sflag:$0x3], $0x80, s0, s20, $0xb8;
	[tilespmem:$0x1D000] =	vst v63  }
0x1b6: {  	_ =	swait.ge [sflag:s18], $0x4000  }
0x1b7: {  	[sflag:s18] =	ssyncset.done $0x0  }
0x1b8: {  	[sflag:s18] =	ssyncadd.s32 $0xFFFFC000  }
0x1b9: {  	[tilespmem:s17], [sflag:$0x1] =	stream.indirect.gather [hbm4b:s5+s20], $0x80, s1, s20, $0xb8;
	[tilespmem:$0x1D000] =	vst v63  }
0x1ba: {  	_ =	swait.ge [sflag:s23], $0x4000  }
0x1bb: {  	[sflag:s23] =	ssyncset.done $0x0  }
0x1bc: {  	[sflag:s23] =	ssyncadd.s32 $0xFFFFC000  }
0x1bd: {  	[spmem:s3] =	stream.indirect.scatter.add.f32 [tilespmem:s21], [sflag:$0x3], $0x80, s2, s20, $0xb8;
	[tilespmem:$0x1D000] =	vst v63  }
0x1be: {  	_ =	swait.ge [sflag:s18], $0x4000  }
0x1bf: {  	[sflag:s18] =	ssyncset.done $0x0  }
0x1c0: {  	[sflag:s18] =	ssyncadd.s32 $0xFFFFC000  }
0x1c1: {  	[tilespmem:s21], [sflag:$0x2] =	stream.indirect.gather [hbm4b:s5+s20], $0x80, s11, s20, $0xb8;
	[tilespmem:$0x1D000] =	vst v63  }
0x1c2: {  	_ =	swait.ge [sflag:s22], $0x4000  }
0x1c3: {  	[sflag:s22] =	ssyncset.done $0x0  }
0x1c4: {  	[sflag:s22] =	ssyncadd.s32 $0xFFFFC000  }
0x1c5: {  	[spmem:s3] =	stream.indirect.scatter.add.f32 [tilespmem:s17], [sflag:$0x3], $0x80, s12, s20, $0xb8;
	[tilespmem:$0x1D000] =	vst v63  }
0x1c6: {  	_ =	swait.ge [sflag:s18], $0x4000  }
0x1c7: {  	[sflag:s18] =	ssyncset.done $0x0  }
0x1c8: {  	[sflag:s18] =	ssyncadd.s32 $0xFFFFC000  }
0x1c9: {  	[tilespmem:s17], [sflag:$0x1] =	stream.indirect.gather [hbm4b:s5+s20], $0x80, s13, s20, $0xb8;
	[tilespmem:$0x1D000] =	vst v63  }
0x1ca: {  	_ =	swait.ge [sflag:s23], $0x4000  }
0x1cb: {  	[sflag:s23] =	ssyncset.done $0x0  }
0x1cc: {  	[sflag:s23] =	ssyncadd.s32 $0xFFFFC000  }
0x1cd: {  	[spmem:s3] =	stream.indirect.scatter.add.f32 [tilespmem:s21], [sflag:$0x3], $0x80, s14, s20, $0xb8;
	[tilespmem:$0x1D000] =	vst v63  }
0x1ce: {  	_ =	swait.ge [sflag:s18], $0x4000  }
0x1cf: {  	[sflag:s18] =	ssyncset.done $0x0  }
0x1d0: {  	[sflag:s18] =	ssyncadd.s32 $0xFFFFC000  }
0x1d1: {  	[tilespmem:s21], [sflag:$0x2] =	stream.indirect.gather [hbm4b:s5+s20], $0x80, s15, s20, $0xb8;
	[tilespmem:$0x1D000] =	vst v63  }
0x1d2: {  	_ =	swait.ge [sflag:s22], $0x4000  }
0x1d3: {  	[sflag:s22] =	ssyncset.done $0x0  }
0x1d4: {  	[sflag:s22] =	ssyncadd.s32 $0xFFFFC000  }
0x1d5: {  	[spmem:s3] =	stream.indirect.scatter.add.f32 [tilespmem:s17], [sflag:$0x3], $0x80, s16, s20, $0xb8;
	[tilespmem:$0x1D000] =	vst v63  }
0x1d6: {  	_ =	swait.ge [sflag:s18], $0x4000  }
0x1d7: {  	[sflag:s18] =	ssyncset.done $0x0  }
0x1d8: {  	[sflag:s18] =	ssyncadd.s32 $0xFFFFC000  }
0x1d9: {  	_ =	swait.ge [sflag:s23], $0x4000  }
0x1da: {  	[sflag:s23] =	ssyncset.done $0x0  }
0x1db: {  	[sflag:s23] =	ssyncadd.s32 $0xFFFFC000  }
0x1dc: {  	[spmem:s3] =	stream.indirect.scatter.add.f32 [tilespmem:s21], [sflag:$0x3], $0x80, s6, s20, $0xb8;
	[tilespmem:$0x1D000] =	vst v63  }
0x1dd: {  	_ =	swait.ge [sflag:s18], $0x4000  }
0x1de: {  	[sflag:s18] =	ssyncset.done $0x0  }
0x1df: {  	[sflag:s18] =	ssyncadd.s32 $0xFFFFC000  }
0x1e0: {  	[bflag:$0x0] =	sbarrier.arrive $0xFFFF  }
0x1e1: {  	s8 =	rddreg [dreg:$0x12]  }
0x1e2: {  	[tilespmem:s17], [sflag:$0x3] =	stream.linear.gather [spmem:s8], $0x4000, $0x38;
	[tilespmem:$0x1D000] =	vst v63  }
0x1e3: {  	_ =	swait.ge [sflag:s18], $0x4000  }
0x1e4: {  	[sflag:s18] =	ssyncset.done $0x0  }
0x1e5: {  	s9 =	rddreg [dreg:$0x18];
	[sflag:s18] =	ssyncadd.s32 $0xFFFFC000  }
0x1e6: {  	[hbm4b:s9+s4] =	stream.linear.scatter [tilespmem:s17], [sflag:$0x3], $0x4000, $0x38;
	[tilespmem:$0x1D000] =	vst v63  }
0x1e7: {  	_ =	swait.ge [sflag:s18], $0x4000  }
0x1e8: {  	[sflag:s18] =	ssyncset.done $0x0  }
0x1e9: {  	s9 =	rddreg [dreg:$0x13];
	[sflag:s18] =	ssyncadd.s32 $0xFFFFC000  }
0x1ea: {  	[tilespmem:s17], [sflag:$0x3] =	stream.linear.gather [spmem:s9], $0x4000, $0x38;
	[tilespmem:$0x1D000] =	vst v63  }
0x1eb: {  	_ =	swait.ge [sflag:s18], $0x4000  }
0x1ec: {  	[sflag:s18] =	ssyncset.done $0x0  }
0x1ed: {  	s10 =	rddreg [dreg:$0x19];
	[sflag:s18] =	ssyncadd.s32 $0xFFFFC000  }
0x1ee: {  	[hbm4b:s10+s4] =	stream.linear.scatter [tilespmem:s17], [sflag:$0x3], $0x4000, $0x38;
	[tilespmem:$0x1D000] =	vst v63  }
0x1ef: {  	_ =	swait.ge [sflag:s18], $0x4000  }
0x1f0: {  	[sflag:s18] =	ssyncset.done $0x0  }
0x1f1: {  	s10 =	rddreg [dreg:$0x14];
	[sflag:s18] =	ssyncadd.s32 $0xFFFFC000  }
0x1f2: {  	[tilespmem:s17], [sflag:$0x3] =	stream.linear.gather [spmem:s10], $0x4000, $0x38;
	[tilespmem:$0x1D000] =	vst v63  }
0x1f3: {  	_ =	swait.ge [sflag:s18], $0x4000  }
0x1f4: {  	[sflag:s18] =	ssyncset.done $0x0  }
0x1f5: {  	s8 =	rddreg [dreg:$0x1a];
	[sflag:s18] =	ssyncadd.s32 $0xFFFFC000  }
0x1f6: {  	[hbm4b:s8+s4] =	stream.linear.scatter [tilespmem:s17], [sflag:$0x3], $0x4000, $0x38;
	[tilespmem:$0x1D000] =	vst v63  }
0x1f7: {  	_ =	swait.ge [sflag:s18], $0x4000  }
0x1f8: {  	[sflag:s18] =	ssyncset.done $0x0  }
0x1f9: {  	s8 =	rddreg [dreg:$0x15];
	[sflag:s18] =	ssyncadd.s32 $0xFFFFC000  }
0x1fa: {  	[tilespmem:s17], [sflag:$0x3] =	stream.linear.gather [spmem:s8], $0x4000, $0x38;
	[tilespmem:$0x1D000] =	vst v63  }
0x1fb: {  	_ =	swait.ge [sflag:s18], $0x4000  }
0x1fc: {  	[sflag:s18] =	ssyncset.done $0x0  }
0x1fd: {  	s8 =	rddreg [dreg:$0x1b];
	[sflag:s18] =	ssyncadd.s32 $0xFFFFC000  }
0x1fe: {  	[hbm4b:s8+s4] =	stream.linear.scatter [tilespmem:s17], [sflag:$0x3], $0x4000, $0x38;
	[tilespmem:$0x1D000] =	vst v63  }
0x1ff: {  	_ =	swait.ge [sflag:s18], $0x4000  }
0x200: {  	[sflag:s18] =	ssyncset.done $0x0  }
0x201: {  	s8 =	rddreg [dreg:$0x16];
	[sflag:s18] =	ssyncadd.s32 $0xFFFFC000  }
0x202: {  	[tilespmem:s17], [sflag:$0x3] =	stream.linear.gather [spmem:s8], $0x4000, $0x38;
	[tilespmem:$0x1D000] =	vst v63  }
0x203: {  	_ =	swait.ge [sflag:s18], $0x4000  }
0x204: {  	[sflag:s18] =	ssyncset.done $0x0  }
0x205: {  	s8 =	rddreg [dreg:$0x1c];
	[sflag:s18] =	ssyncadd.s32 $0xFFFFC000  }
0x206: {  	[hbm4b:s8+s4] =	stream.linear.scatter [tilespmem:s17], [sflag:$0x3], $0x4000, $0x38;
	[tilespmem:$0x1D000] =	vst v63  }
0x207: {  	_ =	swait.ge [sflag:s18], $0x4000  }
0x208: {  	s7 =	rddreg [dreg:$0x1d]  }
0x209: {  	s8 =	sadd.s32 $0x1, s7;
	s7 =	rddreg [dreg:$0x17]  }
0x20a: {  	p0 =	sne.s32 s8, s7  }
.Ltmp1:
0x20b: {  	_ = 	snop;
	(pc) =	sbr.rel @p0 .LBB2_1-.Ltmp1, $3  }
0x20c: {  	_ =	sdelay $0x1  }
0x20d: {  	[sflag:s18] =	ssyncset.done $0x0;
	[dreg:$0x1d] =	wrdreg s8  }
0x20e: {  	[sflag:s18] =	ssyncadd.s32 $0xFFFFC000;
	s8 =	rddreg [dreg:$0x12]  }
0x20f: {  	_ =	sfence.sel $0x180000  }
0x210: {  	[bflag:$0x0] =	sbarrier.arrive $0xFFFF  }
0x211: {  	_ =	strace $0x9000004A  }
0x212: {  	s0 =	stileid.u32;
	[bflag:$0x2] =	sbarrier.arrive $0xFFFF  }
0x213: {  	p0 =	sne.s32 s0, $0x0;
	s0 =	rddreg [dreg:$0x3]  }
0x214: {  	s0 =	sadd.s32 @!p0 $0x100000, s0  }
0x215: {  	[sflag:s0] =	ssyncadd.tile.s32 @!p0 $0x1;
	_ =	shalt  }
.Lfunc_end2:
_tile_overlayer_lowered:
.L_overlay_start_2:
0x216: {  	(tag) =	ssettag $0x2  }
0x217: {  	s0 =	rddreg [dreg:$0x0];
	s2 =	stileid.u32  }
0x218: {  	s1 =	rddreg [dreg:$0x1];
	p0 =	sne.s32 s2, $0x0  }
0x219: {  	s3 =	rddreg [dreg:$0x2];
	[bflag:$0x3] =	sbarrier.arrive $0xFFFF;
	s2 =	simm.s32 @!p0 $0x1C03  }
0x21a: {  	[timem:s3], [sflag:s2] =	dma.local @!p0 [hbm:s0], s1  }
0x21b: {  	s0 =	simm.s32 @!p0 $0x3  }
0x21c: {  	_ =	swait.ge @!p0 [sflag:s0], s1  }
0x21d: {  	s1 =	ssub.s32 @!p0 $0x0, s1;
	[sflag:s0] =	ssyncset.done @!p0 $0x0  }
0x21e: {  	[sflag:s0] =	ssyncadd.s32 @!p0 s1  }
0x21f: {  	[bflag:$0x3] =	sbarrier.arrive $0xFFFF  }
0x220: {  	_ =	shalt  }

// kernel: kernel.14.cloned.1.call-start
scs
__scs_entry_jumppad:
0x0: {  	(pc) =	sbr.rel $0x88, $3  }
0x1: {  	(tag) =	ssettag $0x0;
	lr =	simm.s32 $0x1  }
0x2: {  	[smem:$0x3F9B] =	sst lr;
	_ =	strace $0xD0000000  }
0x3: {  	_ = 	snop  }
0x4: {  	_ = 	snop  }
0x5: {  	_ = 	snop  }
0x6: {  	_ = 	snop  }
0x7: {  	_ = 	snop  }
__scs_overlays_trampoline_lowered:
0x8: {  	[smem:$0x3FAA] =	sst s0  }
0x9: {  	[smem:$0x3FAB] =	sst s1  }
0xa: {  	[smem:$0x3FAC] =	sst s2  }
0xb: {  	[smem:$0x3FAD] =	sst s3  }
0xc: {  	[smem:$0x3FAE] =	sst s4  }
0xd: {  	[smem:$0x3FAF] =	sst s5  }
0xe: {  	[smem:$0x3FB0] =	sst s6  }
0xf: {  	[smem:$0x3FB1] =	sst s7  }
0x10: {  	[smem:$0x3FB2] =	sst s8  }
0x11: {  	[smem:$0x3FB3] =	sst s9;
	s0 =	simm.s32 @!p0 $0x0  }
0x12: {  	s1 =	sld [smem:$0x3F99];
	s0 =	simm.s32 @p0 $0x1  }
0x13: {  	[smem:$0x3FB4] =	sst s0;
	s0 =	simm.s32 @!p1 $0x0  }
0x14: {  	s2 =	sld [smem:$0x3F98];
	s0 =	simm.s32 @p1 $0x1  }
0x15: {  	[smem:$0x3FB5] =	sst s0;
	s0 =	simm.s32 @!p2 $0x0  }
0x16: {  	s3 =	sld [smem:$0x3FDB];
	s0 =	simm.s32 @p2 $0x1  }
0x17: {  	s4 =	simm.s32 $0x1BF5;
	[smem:$0x3FB7] =	sst s0  }
0x18: {  	s0 =	sld [smem:$0x3F9A];
	_ =	swait.ge [sflag:s4], $0x0  }
0x19: {  	s7 =	sld [smem:$0x3F9B]  }
0x1a: {  	s8 =	sadd.s32 $0xFFFFE003, lr  }
0x1b: {  	s9 =	sadd.s32 $0xFFFFFEF7, lr;
	s5 =	simm.s32 $0xFFFFFFFF;
	p2 =	slt.u32 s8, $0xFFFFF086  }
0x1c: {  	p1 =	slt.u32 s9, $0xF7A;
	s5 =	simm.s32 @!p2 $0x0  }
0x1d: {  	s5 =	simm.s32 @p1 $0x1;
	p0 =	seq.s32 s7, s2  }
0x1e: {  	s7 =	smul.u32 @!p0 $0xF7A, s2;
	p2 =	seq.s32 @!p0 s5, $0x0  }
0x1f: {  	s9 =	smul.u32 $0xF7A, s1;
	s8 =	simm.s32 @!p0 $0x1BF5;
	p2 =	por !p2, p0  }
0x20: {  	[sflag:s8] =	ssyncset.s32 @!p0 $0xFFFFF086;
	s6 =	sadd.s32 @!p0 s3, s7;
	s7 =	simm.s32 @!p0 $0x108  }
0x21: {  	s3 =	sadd.s32 s3, s9;
	s6 =	sadd.s32 @!p0 $0x88, s6;
	s7 =	simm.s32 @p2 $0x1082  }
0x22: {  	[simem:s7], [sflag:s8] =	dma.local @!p0 [hbm:s6], $0xF7A  }
0x23: {  	s9 =	sor.u32 $0xD0000000, s2;
	s6 =	simm.s32 $0x108;
	_ =	swait.ge @!p0 [sflag:s8], $0x0  }
0x24: {  	s3 =	sadd.s32 $0x88, s3;
	s6 =	simm.s32 @!p1 $0x1082;
	[sflag:s4] =	ssyncset.s32 $0xFFFFF086  }
0x25: {  	[simem:s6], [sflag:s4] =	dma.local [hbm:s3], $0xF7A  }
0x26: {  	[smem:$0x3F9B] =	sst s1;
	(tag) =	ssettag s2;
	_ =	strace s9  }
0x27: {  	s1 =	sld [smem:$0x3FAB]  }
0x28: {  	s2 =	sld [smem:$0x3FAC]  }
0x29: {  	s4 =	sld [smem:$0x3FAE]  }
0x2a: {  	p0 =	seq.s32 s5, $0x0;
	s5 =	sld [smem:$0x3FAF]  }
0x2b: {  	s6 =	sld [smem:$0x3FB0]  }
0x2c: {  	s7 =	sld [smem:$0x3FB1]  }
0x2d: {  	s3 =	simm.s32 $0x108;
	s8 =	sld [smem:$0x3FB2]  }
0x2e: {  	s3 =	simm.s32 @!p0 $0x1082;
	s9 =	sld [smem:$0x3FB3]  }
0x2f: {  	lr =	sadd.s32 s0, s3;
	s0 =	sld [smem:$0x3FAA]  }
0x30: {  	s3 =	sld [smem:$0x3FAD]  }
0x31: {  	[smem:$0x3FB6] =	sst s10  }
0x32: {  	s10 =	sld [smem:$0x3FB4];
	_ =	sdelay $0x3  }
0x33: {  	p0 =	seq.s32 s10, $0x1;
	s10 =	sld [smem:$0x3FB6];
	_ =	sdelay $0x3  }
0x34: {  	[smem:$0x3FB6] =	sst s10  }
0x35: {  	s10 =	sld [smem:$0x3FB5];
	_ =	sdelay $0x3  }
0x36: {  	p1 =	seq.s32 s10, $0x1;
	s10 =	sld [smem:$0x3FB6];
	_ =	sdelay $0x3  }
0x37: {  	[smem:$0x3FB6] =	sst s10  }
0x38: {  	s10 =	sld [smem:$0x3FB7]  }
0x39: {  	_ = 	snop;
	(pc) =	sbr.ind lr, $3  }
0x3a: {  	_ = 	snop  }
0x3b: {  	_ = 	snop  }
0x3c: {  	p2 =	seq.s32 s10, $0x1;
	s10 =	sld [smem:$0x3FB6]  }
0x3d: {  	_ =	shalt  }
0x3e: {  	_ =	shalt  }
0x3f: {  	_ =	shalt  }
0x40: {  	_ =	shalt  }
0x41: {  	_ =	shalt  }
0x42: {  	_ =	shalt  }
0x43: {  	_ =	shalt  }
0x44: {  	_ =	shalt  }
0x45: {  	_ =	shalt  }
0x46: {  	_ =	shalt  }
0x47: {  	_ =	shalt  }
0x48: {  	_ =	shalt  }
0x49: {  	_ =	shalt  }
0x4a: {  	_ =	shalt  }
0x4b: {  	_ =	shalt  }
0x4c: {  	_ =	shalt  }
0x4d: {  	_ =	shalt  }
0x4e: {  	_ =	shalt  }
0x4f: {  	_ =	shalt  }
0x50: {  	_ =	shalt  }
0x51: {  	_ =	shalt  }
0x52: {  	_ =	shalt  }
0x53: {  	_ =	shalt  }
0x54: {  	_ =	shalt  }
0x55: {  	_ =	shalt  }
0x56: {  	_ =	shalt  }
0x57: {  	_ =	shalt  }
0x58: {  	_ =	shalt  }
0x59: {  	_ =	shalt  }
0x5a: {  	_ =	shalt  }
0x5b: {  	_ =	shalt  }
0x5c: {  	_ =	shalt  }
0x5d: {  	_ =	shalt  }
0x5e: {  	_ =	shalt  }
0x5f: {  	_ =	shalt  }
0x60: {  	_ =	shalt  }
0x61: {  	_ =	shalt  }
0x62: {  	_ =	shalt  }
0x63: {  	_ =	shalt  }
0x64: {  	_ =	shalt  }
0x65: {  	_ =	shalt  }
0x66: {  	_ =	shalt  }
0x67: {  	_ =	shalt  }
0x68: {  	_ =	shalt  }
0x69: {  	_ =	shalt  }
0x6a: {  	_ =	shalt  }
0x6b: {  	_ =	shalt  }
0x6c: {  	_ =	shalt  }
0x6d: {  	_ =	shalt  }
0x6e: {  	_ =	shalt  }
0x6f: {  	_ =	shalt  }
0x70: {  	_ =	shalt  }
0x71: {  	_ =	shalt  }
0x72: {  	_ =	shalt  }
0x73: {  	_ =	shalt  }
0x74: {  	_ =	shalt  }
0x75: {  	_ =	shalt  }
0x76: {  	_ =	shalt  }
0x77: {  	_ =	shalt  }
0x78: {  	_ =	shalt  }
0x79: {  	_ =	shalt  }
0x7a: {  	_ =	shalt  }
0x7b: {  	_ =	shalt  }
0x7c: {  	_ =	shalt  }
0x7d: {  	_ =	shalt  }
0x7e: {  	_ =	shalt  }
0x7f: {  	_ =	shalt  }
0x80: {  	_ =	shalt  }
0x81: {  	_ =	shalt  }
0x82: {  	_ =	shalt  }
0x83: {  	_ =	shalt  }
0x84: {  	_ =	shalt  }
0x85: {  	_ =	shalt  }
0x86: {  	_ =	shalt  }
0x87: {  	_ =	shalt  }
.Lfunc_end0:
.L_simem_size_0:
called_computation.2_lowered:
.L_overlay_start_0:
0x88: {  	s2 =	sld [smem:$0x3FD9]  }
0x89: {  	s3 =	sld [smem:$0x3FFE];
	_ =	sdelay $0x1  }
0x8a: {  	s1 =	srdreg.scid  }
0x8b: {  	s0 =	sand.u32 $0x1, s1  }
0x8c: {  	s17 =	sshll.u32 s0, $0xA;
	s2 =	sadd.s32 s3, s2  }
0x8d: {  	s2 =	sadd.s32 s2, s17  }
0x8e: {  	[smem:$0x3FC2] =	sst s2  }
0x8f: {  	_ = 	snop  }
0x90: {  	s2 =	sld [smem:$0x3FD0];
	(tm) =	ssettm $0x1  }
0x91: {  	s18 =	sld [smem:$0x3FFB];
	_ =	sdelay $0x3  }
0x92: {  	_ =	strace s18  }
0x93: {  	s3 =	sld [smem:$0x3FFC];
	_ =	sdelay $0x3  }
0x94: {  	_ =	strace s3  }
0x95: {  	s3 =	sld [smem:$0x3FFD];
	_ =	sdelay $0x3  }
0x96: {  	_ =	strace s3  }
0x97: {  	_ =	strace $0x8FFFFFFF  }
0x98: {  	s19 =	sld [smem:$0x3FDB];
	_ =	sdelay $0x1  }
0x99: {  	s4 =	simm.s32 $_scs_section_size  }
0x9a: {  	s5 =	simm.s32 $_size__tile_overlayer_lowered;
	s6 =	simm.s32 $_tile_overlayer_lowered  }
0x9b: {  	s22 =	simm.s32 $0x1BFF;
	s21 =	sshll.u32 s6, $0x1;
	s3 =	sadd.s32 s4, s19  }
0x9c: {  	s7 =	simm.s32 $0x0;
	s20 =	sshll.u32 s5, $0x1;
	s5 =	sadd.s32 s21, s3  }
0x9d: {  	[timem:s7], [sflag:s22] =	dma.local [hbm:s5], s20  }
0x9e: {  	_ =	swait.ge [sflag:s22], s20  }
0x9f: {  	s4 =	ssub.s32 $0x0, s20;
	[sflag:s22] =	ssyncset.done $0x0  }
0xa0: {  	[sflag:s22] =	ssyncadd.s32 s4;
	_ =	sdelay $0x1  }
0xa1: {  	s23 =	simm.s32 $0x1B8B  }
0xa2: {  	_ =	swait.ge [sflag:s23], $0x1  }
0xa3: {  	[sflag:s23] =	ssyncset.done $0x0  }
0xa4: {  	s25 =	simm.s32 $0x1B8E;
	s24 =	sld [smem:$0x3FFE];
	[sflag:s23] =	ssyncadd.s32 $0xFFFFFFFF  }
0xa5: {  	s26 =	simm.s32 $execute0_lowered;
	[smem:$0x3FD2] =	sst s25  }
0xa6: {  	s5 =	sshll.u32 s26, $0x1;
	_ =	strace $0x8000004C;
	[dreg:$0x1] =	wrdreg $0xFFFFFFFF  }
0xa7: {  	s28 =	simm.s32 $_size_execute0_lowered;
	s3 =	sadd.s32 s3, s5;
	[dreg:$0x0] =	wrdreg $0x0  }
0xa8: {  	s5 =	sshll.u32 s28, $0x1;
	[dreg:$0x2] =	wrdreg s3  }
0xa9: {  	[dreg:$0x3] =	wrdreg s5  }
0xaa: {  	[dreg:$0x4] =	wrdreg $0xC0  }
0xab: {  	_ =	task [dreg:s7], $0x5FFFF  }
0xac: {  	[dreg:$0x1] =	wrdreg $0xFFFFFFFF  }
0xad: {  	[dreg:$0x0] =	wrdreg $0x60  }
0xae: {  	[dreg:$0x2] =	wrdreg s2  }
0xaf: {  	[dreg:$0x3] =	wrdreg s24  }
0xb0: {  	[dreg:$0x4] =	wrdreg $0x50000  }
0xb1: {  	[dreg:$0x5] =	wrdreg $0x9  }
0xb2: {  	_ =	task.clear_ibuf [dreg:s7], $0x6FFFF;
	_ =	strace $0x9000004C  }
0xb3: {  	s29 =	simm.s32 $0x9;
	_ =	strace $0x8000004E  }
0xb4: {  	_ =	swait.ge [sflag:s29], $0x1  }
0xb5: {  	[sflag:s29] =	ssyncadd.s32 $0xFFFFFFFF  }
0xb6: {  	_ =	strace $0x9000004E  }
0xb7: {  	_ =	sfence  }
0xb8: {  	s30 =	sld [smem:$0x0];
	_ =	sdelay $0x2  }
0xb9: {  	s31 =	sshll.u32 s1, $0xD;
	s1 =	sshrl.u32 s1, $0x2  }
0xba: {  	s3 =	sand.u32 $0x4000, s31;
	s1 =	sadd.s32 s1, s30  }
0xbb: {  	s0 =	sor.u32 s3, s0;
	s1 =	sshll.u32 s1, $0x11  }
0xbc: {  	s0 =	sor.u32 s1, s0  }
0xbd: {  	s0 =	sadd.s32 $0x8F2B, s0  }
0xbe: {  	[sflag:s0] =	ssyncadd.remote.s32 $0x1  }
0xbf: {  	_ =	sfence.sel $0xFFFF  }
0xc0: {  	[dreg:$0x0] =	wrdreg $0xFFFFFFFF;
	(pc) =	sbr.abs _section_cstart, $3  }
0xc1: {  	[dreg:$0x1] =	wrdreg $0xFFFFFFFF  }
0xc2: {  	_ =	task.clear_ibuf [dreg:s7], $0x2FFFF;
	_ =	strace $0x9FFFFFFF  }
0xc3: {  	(tm) =	ssettm $0x7FFFFFFF  }
tec
execute0_lowered:
.L_overlay_start_1:
0x0: {  	(tag) =	ssettag $0x1  }
0x1: {  	s0 =	rddreg [dreg:$0x0]  }
0x2: {  	s1 =	rddreg [dreg:$0x1]  }
0x3: {  	s2 =	srdreg.scid;
	s3 =	rddreg [dreg:$0x2]  }
0x4: {  	s7 =	stileid.u32;
	s4 =	simm.s32 $0x0;
	s26 =	simm.s32 $0x100  }
0x5: {  	s28 =	simm.s32 $0xC00;
	s29 =	simm.s32 $0x500;
	s30 =	simm.s32 $0xC80  }
0x6: {  	s31 =	simm.s32 $0x580;
	s2 =	sand.u32 $0x1, s2;
	s6 =	smul.u32 $0x2800, s7  }
0x7: {  	[smem:$0x7FF] =	sst s4;
	s7 =	smul.u32 $0xA000, s7;
	s8 =	sadd.s32 $0x17600, s1  }
0x8: {  	s5 =	smul.u32 $0x28000, s2;
	_ =	strace $0x8000004D;
	[dreg:$0x12] =	wrdreg s8  }
0x9: {  	s16 =	ssub.s32 $0x2, s2;
	p0 =	seq.s32 s2, $0x0;
	[dreg:$0x6] =	wrdreg s26  }
0xa: {  	s26 =	simm.s32 $0xB00;
	s17 =	sshrl.u32 s16, $0x1;
	s12 =	sadd.s32 s7, s3  }
0xb: {  	s18 =	sadd.s32 $0x2000, s7;
	s9 =	sadd.s32 $0x4000, s7;
	s10 =	sadd.s32 $0x6000, s7  }
0xc: {  	s19 =	sadd.s32 $0x8000, s7;
	s20 =	sshrl.u32 s7, $0x3;
	[dreg:$0x11] =	wrdreg s26  }
0xd: {  	s26 =	simm.s32 $0x480;
	s7 =	simm.s32 $0x0;
	s5 =	sadd.s32 s6, s5  }
0xe: {  	s6 =	ssub.s32 s16, s17;
	s11 =	sadd.s32 s10, s3;
	[dreg:$0x1e] =	wrdreg s7  }
0xf: {  	s13 =	sadd.s32 s18, s3;
	s15 =	sadd.s32 s19, s3;
	[dreg:$0x16] =	wrdreg s11  }
0x10: {  	s14 =	sadd.s32 s9, s3;
	s16 =	simm.s32 $0x900;
	[dreg:$0x17] =	wrdreg s15  }
0x11: {  	s21 =	sshrl.u32 s18, $0x3;
	s18 =	simm.s32 $0x200;
	[dreg:$0x9] =	wrdreg s16  }
0x12: {  	s22 =	sshrl.u32 s9, $0x3;
	s8 =	smov.u32 s12;
	[dreg:$0xa] =	wrdreg s18  }
0x13: {  	s23 =	sshrl.u32 s10, $0x3;
	s6 =	smax.u32 s6, $0x1;
	[dreg:$0x13] =	wrdreg s8  }
0x14: {  	s24 =	sshrl.u32 s19, $0x3;
	s9 =	smov.u32 s13;
	[dreg:$0x18] =	wrdreg s6  }
0x15: {  	s5 =	sshrl.u32 s5, $0x3;
	s10 =	smov.u32 s14;
	[dreg:$0x14] =	wrdreg s9  }
0x16: {  	s5 =	sadd.s32 s5, s1;
	s6 =	simm.s32 $0x880;
	[dreg:$0x15] =	wrdreg s10  }
0x17: {  	s11 =	simm.s32 $0x2BA00;
	s25 =	sadd.s32 $0x3600, s5;
	[dreg:$0x7] =	wrdreg s6  }
0x18: {  	s11 =	simm.s32 @!p0 $0x17A00;
	s5 =	sadd.s32 $0xD600, s5;
	[dreg:$0x4] =	wrdreg s25  }
0x19: {  	s1 =	sadd.s32 s11, s1;
	s11 =	simm.s32 $0x180;
	[dreg:$0x5] =	wrdreg s5  }
0x1a: {  	s12 =	simm.s32 $0xE00;
	s2 =	sadd.s32 s1, s20;
	[dreg:$0x8] =	wrdreg s11  }
0x1b: {  	s18 =	simm.s32 $0x3;
	s15 =	sadd.s32 s1, s21;
	[dreg:$0x19] =	wrdreg s2  }
0x1c: {  	s13 =	simm.s32 $0x700;
	s17 =	sadd.s32 s1, s22;
	[dreg:$0x1a] =	wrdreg s15  }
0x1d: {  	s14 =	simm.s32 $0xE80;
	s19 =	sadd.s32 s1, s23;
	[dreg:$0x1b] =	wrdreg s17  }
0x1e: {  	s16 =	simm.s32 $0xF00;
	s1 =	sadd.s32 s1, s24;
	[dreg:$0x1c] =	wrdreg s19  }
0x1f: {  	s6 =	simm.s32 $0xF80;
	s20 =	simm.s32 $0x980;
	[dreg:$0x1d] =	wrdreg s1  }
0x20: {  	s21 =	simm.s32 $0x280;
	s22 =	simm.s32 $0xA00;
	[dreg:$0xb] =	wrdreg s20  }
0x21: {  	s23 =	simm.s32 $0x300;
	s24 =	simm.s32 $0xA80;
	[dreg:$0xc] =	wrdreg s21  }
0x22: {  	s25 =	simm.s32 $0x380;
	s5 =	simm.s32 $0xD80;
	[dreg:$0xd] =	wrdreg s22  }
0x23: {  	s11 =	simm.s32 $0x680;
	s17 =	simm.s32 $0x1000;
	[dreg:$0xe] =	wrdreg s23  }
0x24: {  	s19 =	simm.s32 $0x800;
	s20 =	simm.s32 $0x80;
	[dreg:$0xf] =	wrdreg s24  }
0x25: {  	s21 =	simm.s32 $0x3000;
	[dreg:$0x10] =	wrdreg s25;
	s22 =	simm.s32 $0x1  }
0x26: {  	s23 =	simm.s32 $0x2;
	s24 =	simm.s32 $0x400;
	s25 =	simm.s32 $0xB80  }
0x27: {  	s1 =	simm.s32 $0xD00;
	s2 =	simm.s32 $0x600;
	s15 =	simm.s32 $0x780  }
.LBB2_1:
0x28: {  	s7 =	rddreg [dreg:$0x12]  }
0x29: {  	[tilespmem:s17], [sflag:$0x3] =	stream.linear.gather [hbm4b:s7+s4], $0x2000, $0x38;
	[tilespmem:$0xF000] =	vst v63  }
0x2a: {  	_ =	swait.ge [sflag:s18], $0x2000  }
0x2b: {  	[sflag:s18] =	ssyncset.done $0x0  }
0x2c: {  	[sflag:s18] =	ssyncadd.s32 $0xFFFFE000  }
0x2d: {  	[spmem:s8] =	stream.linear.scatter [tilespmem:s17], [sflag:$0x3], $0x2000, $0x38;
	[tilespmem:$0xF000] =	vst v63  }
0x2e: {  	_ =	swait.ge [sflag:s18], $0x2000  }
0x2f: {  	[sflag:s18] =	ssyncset.done $0x0  }
0x30: {  	[sflag:s18] =	ssyncadd.s32 $0xFFFFE000  }
0x31: {  	[spmem:s9] =	stream.linear.scatter [tilespmem:s17], [sflag:$0x3], $0x2000, $0x38;
	[tilespmem:$0xF000] =	vst v63  }
0x32: {  	_ =	swait.ge [sflag:s18], $0x2000  }
0x33: {  	[sflag:s18] =	ssyncset.done $0x0  }
0x34: {  	[sflag:s18] =	ssyncadd.s32 $0xFFFFE000  }
0x35: {  	[spmem:s10] =	stream.linear.scatter [tilespmem:s17], [sflag:$0x3], $0x2000, $0x38;
	[tilespmem:$0xF000] =	vst v63  }
0x36: {  	_ =	swait.ge [sflag:s18], $0x2000  }
0x37: {  	[sflag:s18] =	ssyncset.done $0x0  }
0x38: {  	s10 =	rddreg [dreg:$0x16];
	[sflag:s18] =	ssyncadd.s32 $0xFFFFE000  }
0x39: {  	[spmem:s10] =	stream.linear.scatter [tilespmem:s17], [sflag:$0x3], $0x2000, $0x38;
	[tilespmem:$0xF000] =	vst v63  }
0x3a: {  	_ =	swait.ge [sflag:s18], $0x2000  }
0x3b: {  	[sflag:s18] =	ssyncset.done $0x0  }
0x3c: {  	s8 =	rddreg [dreg:$0x17];
	[sflag:s18] =	ssyncadd.s32 $0xFFFFE000  }
0x3d: {  	[spmem:s8] =	stream.linear.scatter [tilespmem:s17], [sflag:$0x3], $0x2000, $0x38;
	[tilespmem:$0xF000] =	vst v63  }
0x3e: {  	_ =	swait.ge [sflag:s18], $0x2000  }
0x3f: {  	[sflag:s18] =	ssyncset.done $0x0  }
0x40: {  	[sflag:s18] =	ssyncadd.s32 $0xFFFFE000  }
0x41: {  	[bflag:$0x0] =	sbarrier.arrive $0xFFFF  }
0x42: {  	s9 =	rddreg [dreg:$0x5]  }
0x43: {  	s8 =	sadd.s32 $0x0, s9  }
0x44: {  	[tilespmem:s4], [sflag:$0x3] =	stream.linear.gather [hbm4b:s8+s4], $0x800, $0x38;
	[tilespmem:$0xF000] =	vst v63  }
0x45: {  	_ =	swait.ge [sflag:s18], $0x800  }
0x46: {  	s10 =	rddreg [dreg:$0x4];
	[sflag:s18] =	ssyncset.done $0x0  }
0x47: {  	[sflag:s18] =	ssyncadd.s32 $0xFFFFF800;
	s8 =	sadd.s32 $0x0, s10  }
0x48: {  	[tilespmem:s19], [sflag:$0x3] =	stream.linear.gather [hbm4b:s8+s4], $0x800, $0x38;
	[tilespmem:$0xF000] =	vst v63  }
0x49: {  	_ =	swait.ge [sflag:s18], $0x800  }
0x4a: {  	[sflag:s18] =	ssyncset.done $0x0  }
0x4b: {  	[sflag:s18] =	ssyncadd.s32 $0xFFFFF800  }
0x4c: {  	[tilespmem:s17], [sflag:$0x1] =	stream.indirect.gather [hbm4b:s0+s20], $0x40, s4, s20, $0xb8;
	[tilespmem:$0xF000] =	vst v63  }
0x4d: {  	_ = 	snop  }
0x4e: {  	[tilespmem:s21], [sflag:$0x2] =	stream.indirect.gather [hbm4b:s0+s20], $0x40, s20, s20, $0xb8;
	[tilespmem:$0xF000] =	vst v63  }
0x4f: {  	_ =	swait.ge [sflag:s22], $0x2000  }
0x50: {  	[sflag:s22] =	ssyncset.done $0x0  }
0x51: {  	[sflag:s22] =	ssyncadd.s32 $0xFFFFE000  }
0x52: {  	[spmem:s3] =	stream.indirect.scatter.add.f32 [tilespmem:s17], [sflag:$0x3], $0x40, s19, s20, $0xb8;
	[tilespmem:$0xF000] =	vst v63  }
0x53: {  	_ =	swait.ge [sflag:s18], $0x2000  }
0x54: {  	[sflag:s18] =	ssyncset.done $0x0  }
0x55: {  	s7 =	rddreg [dreg:$0x6];
	[sflag:s18] =	ssyncadd.s32 $0xFFFFE000  }
0x56: {  	[tilespmem:s17], [sflag:$0x1] =	stream.indirect.gather [hbm4b:s0+s20], $0x40, s7, s20, $0xb8;
	[tilespmem:$0xF000] =	vst v63  }
0x57: {  	_ =	swait.ge [sflag:s23], $0x2000  }
0x58: {  	[sflag:s23] =	ssyncset.done $0x0  }
0x59: {  	s9 =	rddreg [dreg:$0x7];
	[sflag:s23] =	ssyncadd.s32 $0xFFFFE000  }
0x5a: {  	[spmem:s3] =	stream.indirect.scatter.add.f32 [tilespmem:s21], [sflag:$0x3], $0x40, s9, s20, $0xb8;
	[tilespmem:$0xF000] =	vst v63  }
0x5b: {  	_ =	swait.ge [sflag:s18], $0x2000  }
0x5c: {  	[sflag:s18] =	ssyncset.done $0x0  }
0x5d: {  	s10 =	rddreg [dreg:$0x8];
	[sflag:s18] =	ssyncadd.s32 $0xFFFFE000  }
0x5e: {  	[tilespmem:s21], [sflag:$0x2] =	stream.indirect.gather [hbm4b:s0+s20], $0x40, s10, s20, $0xb8;
	[tilespmem:$0xF000] =	vst v63  }
0x5f: {  	_ =	swait.ge [sflag:s22], $0x2000  }
0x60: {  	[sflag:s22] =	ssyncset.done $0x0  }
0x61: {  	s7 =	rddreg [dreg:$0x9];
	[sflag:s22] =	ssyncadd.s32 $0xFFFFE000  }
0x62: {  	[spmem:s3] =	stream.indirect.scatter.add.f32 [tilespmem:s17], [sflag:$0x3], $0x40, s7, s20, $0xb8;
	[tilespmem:$0xF000] =	vst v63  }
0x63: {  	_ =	swait.ge [sflag:s18], $0x2000  }
0x64: {  	[sflag:s18] =	ssyncset.done $0x0  }
0x65: {  	s9 =	rddreg [dreg:$0xa];
	[sflag:s18] =	ssyncadd.s32 $0xFFFFE000  }
0x66: {  	[tilespmem:s17], [sflag:$0x1] =	stream.indirect.gather [hbm4b:s0+s20], $0x40, s9, s20, $0xb8;
	[tilespmem:$0xF000] =	vst v63  }
0x67: {  	_ =	swait.ge [sflag:s23], $0x2000  }
0x68: {  	[sflag:s23] =	ssyncset.done $0x0  }
0x69: {  	s10 =	rddreg [dreg:$0xb];
	[sflag:s23] =	ssyncadd.s32 $0xFFFFE000  }
0x6a: {  	[spmem:s3] =	stream.indirect.scatter.add.f32 [tilespmem:s21], [sflag:$0x3], $0x40, s10, s20, $0xb8;
	[tilespmem:$0xF000] =	vst v63  }
0x6b: {  	_ =	swait.ge [sflag:s18], $0x2000  }
0x6c: {  	[sflag:s18] =	ssyncset.done $0x0  }
0x6d: {  	s7 =	rddreg [dreg:$0xc];
	[sflag:s18] =	ssyncadd.s32 $0xFFFFE000  }
0x6e: {  	[tilespmem:s21], [sflag:$0x2] =	stream.indirect.gather [hbm4b:s0+s20], $0x40, s7, s20, $0xb8;
	[tilespmem:$0xF000] =	vst v63  }
0x6f: {  	_ =	swait.ge [sflag:s22], $0x2000  }
0x70: {  	[sflag:s22] =	ssyncset.done $0x0  }
0x71: {  	s9 =	rddreg [dreg:$0xd];
	[sflag:s22] =	ssyncadd.s32 $0xFFFFE000  }
0x72: {  	[spmem:s3] =	stream.indirect.scatter.add.f32 [tilespmem:s17], [sflag:$0x3], $0x40, s9, s20, $0xb8;
	[tilespmem:$0xF000] =	vst v63  }
0x73: {  	_ =	swait.ge [sflag:s18], $0x2000  }
0x74: {  	[sflag:s18] =	ssyncset.done $0x0  }
0x75: {  	s10 =	rddreg [dreg:$0xe];
	[sflag:s18] =	ssyncadd.s32 $0xFFFFE000  }
0x76: {  	[tilespmem:s17], [sflag:$0x1] =	stream.indirect.gather [hbm4b:s0+s20], $0x40, s10, s20, $0xb8;
	[tilespmem:$0xF000] =	vst v63  }
0x77: {  	_ =	swait.ge [sflag:s23], $0x2000  }
0x78: {  	[sflag:s23] =	ssyncset.done $0x0  }
0x79: {  	s7 =	rddreg [dreg:$0xf];
	[sflag:s23] =	ssyncadd.s32 $0xFFFFE000  }
0x7a: {  	[spmem:s3] =	stream.indirect.scatter.add.f32 [tilespmem:s21], [sflag:$0x3], $0x40, s7, s20, $0xb8;
	[tilespmem:$0xF000] =	vst v63  }
0x7b: {  	_ =	swait.ge [sflag:s18], $0x2000  }
0x7c: {  	[sflag:s18] =	ssyncset.done $0x0  }
0x7d: {  	s9 =	rddreg [dreg:$0x10];
	[sflag:s18] =	ssyncadd.s32 $0xFFFFE000  }
0x7e: {  	[tilespmem:s21], [sflag:$0x2] =	stream.indirect.gather [hbm4b:s0+s20], $0x40, s9, s20, $0xb8;
	[tilespmem:$0xF000] =	vst v63  }
0x7f: {  	_ =	swait.ge [sflag:s22], $0x2000  }
0x80: {  	[sflag:s22] =	ssyncset.done $0x0  }
0x81: {  	s10 =	rddreg [dreg:$0x11];
	[sflag:s22] =	ssyncadd.s32 $0xFFFFE000  }
0x82: {  	[spmem:s3] =	stream.indirect.scatter.add.f32 [tilespmem:s17], [sflag:$0x3], $0x40, s10, s20, $0xb8;
	[tilespmem:$0xF000] =	vst v63  }
0x83: {  	_ =	swait.ge [sflag:s18], $0x2000  }
0x84: {  	[sflag:s18] =	ssyncset.done $0x0  }
0x85: {  	[sflag:s18] =	ssyncadd.s32 $0xFFFFE000  }
0x86: {  	[tilespmem:s17], [sflag:$0x1] =	stream.indirect.gather [hbm4b:s0+s20], $0x40, s24, s20, $0xb8;
	[tilespmem:$0xF000] =	vst v63  }
0x87: {  	_ =	swait.ge [sflag:s23], $0x2000  }
0x88: {  	[sflag:s23] =	ssyncset.done $0x0  }
0x89: {  	[sflag:s23] =	ssyncadd.s32 $0xFFFFE000  }
0x8a: {  	[spmem:s3] =	stream.indirect.scatter.add.f32 [tilespmem:s21], [sflag:$0x3], $0x40, s25, s20, $0xb8;
	[tilespmem:$0xF000] =	vst v63  }
0x8b: {  	_ =	swait.ge [sflag:s18], $0x2000  }
0x8c: {  	[sflag:s18] =	ssyncset.done $0x0  }
0x8d: {  	[sflag:s18] =	ssyncadd.s32 $0xFFFFE000  }
0x8e: {  	[tilespmem:s21], [sflag:$0x2] =	stream.indirect.gather [hbm4b:s0+s20], $0x40, s26, s20, $0xb8;
	[tilespmem:$0xF000] =	vst v63  }
0x8f: {  	_ =	swait.ge [sflag:s22], $0x2000  }
0x90: {  	[sflag:s22] =	ssyncset.done $0x0  }
0x91: {  	[sflag:s22] =	ssyncadd.s32 $0xFFFFE000  }
0x92: {  	[spmem:s3] =	stream.indirect.scatter.add.f32 [tilespmem:s17], [sflag:$0x3], $0x40, s28, s20, $0xb8;
	[tilespmem:$0xF000] =	vst v63  }
0x93: {  	_ =	swait.ge [sflag:s18], $0x2000  }
0x94: {  	[sflag:s18] =	ssyncset.done $0x0  }
0x95: {  	[sflag:s18] =	ssyncadd.s32 $0xFFFFE000  }
0x96: {  	[tilespmem:s17], [sflag:$0x1] =	stream.indirect.gather [hbm4b:s0+s20], $0x40, s29, s20, $0xb8;
	[tilespmem:$0xF000] =	vst v63  }
0x97: {  	_ =	swait.ge [sflag:s23], $0x2000  }
0x98: {  	[sflag:s23] =	ssyncset.done $0x0  }
0x99: {  	[sflag:s23] =	ssyncadd.s32 $0xFFFFE000  }
0x9a: {  	[spmem:s3] =	stream.indirect.scatter.add.f32 [tilespmem:s21], [sflag:$0x3], $0x40, s30, s20, $0xb8;
	[tilespmem:$0xF000] =	vst v63  }
0x9b: {  	_ =	swait.ge [sflag:s18], $0x2000  }
0x9c: {  	[sflag:s18] =	ssyncset.done $0x0  }
0x9d: {  	[sflag:s18] =	ssyncadd.s32 $0xFFFFE000  }
0x9e: {  	[tilespmem:s21], [sflag:$0x2] =	stream.indirect.gather [hbm4b:s0+s20], $0x40, s31, s20, $0xb8;
	[tilespmem:$0xF000] =	vst v63  }
0x9f: {  	_ =	swait.ge [sflag:s22], $0x2000  }
0xa0: {  	[sflag:s22] =	ssyncset.done $0x0  }
0xa1: {  	[sflag:s22] =	ssyncadd.s32 $0xFFFFE000  }
0xa2: {  	[spmem:s3] =	stream.indirect.scatter.add.f32 [tilespmem:s17], [sflag:$0x3], $0x40, s1, s20, $0xb8;
	[tilespmem:$0xF000] =	vst v63  }
0xa3: {  	_ =	swait.ge [sflag:s18], $0x2000  }
0xa4: {  	[sflag:s18] =	ssyncset.done $0x0  }
0xa5: {  	[sflag:s18] =	ssyncadd.s32 $0xFFFFE000  }
0xa6: {  	[tilespmem:s17], [sflag:$0x1] =	stream.indirect.gather [hbm4b:s0+s20], $0x40, s2, s20, $0xb8;
	[tilespmem:$0xF000] =	vst v63  }
0xa7: {  	_ =	swait.ge [sflag:s23], $0x2000  }
0xa8: {  	[sflag:s23] =	ssyncset.done $0x0  }
0xa9: {  	[sflag:s23] =	ssyncadd.s32 $0xFFFFE000  }
0xaa: {  	[spmem:s3] =	stream.indirect.scatter.add.f32 [tilespmem:s21], [sflag:$0x3], $0x40, s5, s20, $0xb8;
	[tilespmem:$0xF000] =	vst v63  }
0xab: {  	_ =	swait.ge [sflag:s18], $0x2000  }
0xac: {  	[sflag:s18] =	ssyncset.done $0x0  }
0xad: {  	[sflag:s18] =	ssyncadd.s32 $0xFFFFE000  }
0xae: {  	[tilespmem:s21], [sflag:$0x2] =	stream.indirect.gather [hbm4b:s0+s20], $0x40, s11, s20, $0xb8;
	[tilespmem:$0xF000] =	vst v63  }
0xaf: {  	_ =	swait.ge [sflag:s22], $0x2000  }
0xb0: {  	[sflag:s22] =	ssyncset.done $0x0  }
0xb1: {  	[sflag:s22] =	ssyncadd.s32 $0xFFFFE000  }
0xb2: {  	[spmem:s3] =	stream.indirect.scatter.add.f32 [tilespmem:s17], [sflag:$0x3], $0x40, s12, s20, $0xb8;
	[tilespmem:$0xF000] =	vst v63  }
0xb3: {  	_ =	swait.ge [sflag:s18], $0x2000  }
0xb4: {  	[sflag:s18] =	ssyncset.done $0x0  }
0xb5: {  	[sflag:s18] =	ssyncadd.s32 $0xFFFFE000  }
0xb6: {  	[tilespmem:s17], [sflag:$0x1] =	stream.indirect.gather [hbm4b:s0+s20], $0x40, s13, s20, $0xb8;
	[tilespmem:$0xF000] =	vst v63  }
0xb7: {  	_ =	swait.ge [sflag:s23], $0x2000  }
0xb8: {  	[sflag:s23] =	ssyncset.done $0x0  }
0xb9: {  	[sflag:s23] =	ssyncadd.s32 $0xFFFFE000  }
0xba: {  	[spmem:s3] =	stream.indirect.scatter.add.f32 [tilespmem:s21], [sflag:$0x3], $0x40, s14, s20, $0xb8;
	[tilespmem:$0xF000] =	vst v63  }
0xbb: {  	_ =	swait.ge [sflag:s18], $0x2000  }
0xbc: {  	[sflag:s18] =	ssyncset.done $0x0  }
0xbd: {  	[sflag:s18] =	ssyncadd.s32 $0xFFFFE000  }
0xbe: {  	[tilespmem:s21], [sflag:$0x2] =	stream.indirect.gather [hbm4b:s0+s20], $0x40, s15, s20, $0xb8;
	[tilespmem:$0xF000] =	vst v63  }
0xbf: {  	_ =	swait.ge [sflag:s22], $0x2000  }
0xc0: {  	[sflag:s22] =	ssyncset.done $0x0  }
0xc1: {  	[sflag:s22] =	ssyncadd.s32 $0xFFFFE000  }
0xc2: {  	[spmem:s3] =	stream.indirect.scatter.add.f32 [tilespmem:s17], [sflag:$0x3], $0x40, s16, s20, $0xb8;
	[tilespmem:$0xF000] =	vst v63  }
0xc3: {  	_ =	swait.ge [sflag:s18], $0x2000  }
0xc4: {  	[sflag:s18] =	ssyncset.done $0x0  }
0xc5: {  	[sflag:s18] =	ssyncadd.s32 $0xFFFFE000  }
0xc6: {  	_ =	swait.ge [sflag:s23], $0x2000  }
0xc7: {  	[sflag:s23] =	ssyncset.done $0x0  }
0xc8: {  	[sflag:s23] =	ssyncadd.s32 $0xFFFFE000  }
0xc9: {  	[spmem:s3] =	stream.indirect.scatter.add.f32 [tilespmem:s21], [sflag:$0x3], $0x40, s6, s20, $0xb8;
	[tilespmem:$0xF000] =	vst v63  }
0xca: {  	s8 =	simm.s32 $0x100;
	_ =	swait.ge [sflag:s18], $0x2000  }
0xcb: {  	s9 =	simm.s32 $0x200;
	s10 =	rddreg [dreg:$0x5];
	[sflag:s18] =	ssyncset.done $0x0  }
.LBB2_2:
0xcc: {  	[sflag:s18] =	ssyncadd.s32 $0xFFFFE000;
	s10 =	sadd.s32 s8, s10  }
0xcd: {  	[tilespmem:s4], [sflag:$0x3] =	stream.linear.gather [hbm4b:s10+s4], $0x800, $0x38;
	[tilespmem:$0xF000] =	vst v63  }
0xce: {  	_ =	swait.ge [sflag:s18], $0x800  }
0xcf: {  	s10 =	rddreg [dreg:$0x4];
	[sflag:s18] =	ssyncset.done $0x0  }
0xd0: {  	[sflag:s18] =	ssyncadd.s32 $0xFFFFF800;
	s10 =	sadd.s32 s8, s10  }
0xd1: {  	[tilespmem:s19], [sflag:$0x3] =	stream.linear.gather [hbm4b:s10+s4], $0x800, $0x38;
	[tilespmem:$0xF000] =	vst v63  }
0xd2: {  	_ =	swait.ge [sflag:s18], $0x800  }
0xd3: {  	[sflag:s18] =	ssyncset.done $0x0  }
0xd4: {  	[sflag:s18] =	ssyncadd.s32 $0xFFFFF800  }
0xd5: {  	[tilespmem:s17], [sflag:$0x1] =	stream.indirect.gather [hbm4b:s0+s20], $0x40, s4, s20, $0xb8;
	[tilespmem:$0xF000] =	vst v63  }
0xd6: {  	_ = 	snop  }
0xd7: {  	[tilespmem:s21], [sflag:$0x2] =	stream.indirect.gather [hbm4b:s0+s20], $0x40, s20, s20, $0xb8;
	[tilespmem:$0xF000] =	vst v63  }
0xd8: {  	_ =	swait.ge [sflag:s22], $0x2000  }
0xd9: {  	[sflag:s22] =	ssyncset.done $0x0  }
0xda: {  	[sflag:s22] =	ssyncadd.s32 $0xFFFFE000  }
0xdb: {  	[spmem:s3] =	stream.indirect.scatter.add.f32 [tilespmem:s17], [sflag:$0x3], $0x40, s19, s20, $0xb8;
	[tilespmem:$0xF000] =	vst v63  }
0xdc: {  	_ =	swait.ge [sflag:s18], $0x2000  }
0xdd: {  	[sflag:s18] =	ssyncset.done $0x0  }
0xde: {  	s10 =	rddreg [dreg:$0x6];
	[sflag:s18] =	ssyncadd.s32 $0xFFFFE000  }
0xdf: {  	[tilespmem:s17], [sflag:$0x1] =	stream.indirect.gather [hbm4b:s0+s20], $0x40, s10, s20, $0xb8;
	[tilespmem:$0xF000] =	vst v63  }
0xe0: {  	_ =	swait.ge [sflag:s23], $0x2000  }
0xe1: {  	[sflag:s23] =	ssyncset.done $0x0  }
0xe2: {  	s10 =	rddreg [dreg:$0x7];
	[sflag:s23] =	ssyncadd.s32 $0xFFFFE000  }
0xe3: {  	[spmem:s3] =	stream.indirect.scatter.add.f32 [tilespmem:s21], [sflag:$0x3], $0x40, s10, s20, $0xb8;
	[tilespmem:$0xF000] =	vst v63  }
0xe4: {  	_ =	swait.ge [sflag:s18], $0x2000  }
0xe5: {  	[sflag:s18] =	ssyncset.done $0x0  }
0xe6: {  	s10 =	rddreg [dreg:$0x8];
	[sflag:s18] =	ssyncadd.s32 $0xFFFFE000  }
0xe7: {  	[tilespmem:s21], [sflag:$0x2] =	stream.indirect.gather [hbm4b:s0+s20], $0x40, s10, s20, $0xb8;
	[tilespmem:$0xF000] =	vst v63  }
0xe8: {  	_ =	swait.ge [sflag:s22], $0x2000  }
0xe9: {  	[sflag:s22] =	ssyncset.done $0x0  }
0xea: {  	s10 =	rddreg [dreg:$0x9];
	[sflag:s22] =	ssyncadd.s32 $0xFFFFE000  }
0xeb: {  	[spmem:s3] =	stream.indirect.scatter.add.f32 [tilespmem:s17], [sflag:$0x3], $0x40, s10, s20, $0xb8;
	[tilespmem:$0xF000] =	vst v63  }
0xec: {  	_ =	swait.ge [sflag:s18], $0x2000  }
0xed: {  	[sflag:s18] =	ssyncset.done $0x0  }
0xee: {  	s10 =	rddreg [dreg:$0xa];
	[sflag:s18] =	ssyncadd.s32 $0xFFFFE000  }
0xef: {  	[tilespmem:s17], [sflag:$0x1] =	stream.indirect.gather [hbm4b:s0+s20], $0x40, s10, s20, $0xb8;
	[tilespmem:$0xF000] =	vst v63  }
0xf0: {  	_ =	swait.ge [sflag:s23], $0x2000  }
0xf1: {  	[sflag:s23] =	ssyncset.done $0x0  }
0xf2: {  	s10 =	rddreg [dreg:$0xb];
	[sflag:s23] =	ssyncadd.s32 $0xFFFFE000  }
0xf3: {  	[spmem:s3] =	stream.indirect.scatter.add.f32 [tilespmem:s21], [sflag:$0x3], $0x40, s10, s20, $0xb8;
	[tilespmem:$0xF000] =	vst v63  }
0xf4: {  	_ =	swait.ge [sflag:s18], $0x2000  }
0xf5: {  	[sflag:s18] =	ssyncset.done $0x0  }
0xf6: {  	s10 =	rddreg [dreg:$0xc];
	[sflag:s18] =	ssyncadd.s32 $0xFFFFE000  }
0xf7: {  	[tilespmem:s21], [sflag:$0x2] =	stream.indirect.gather [hbm4b:s0+s20], $0x40, s10, s20, $0xb8;
	[tilespmem:$0xF000] =	vst v63  }
0xf8: {  	_ =	swait.ge [sflag:s22], $0x2000  }
0xf9: {  	[sflag:s22] =	ssyncset.done $0x0  }
0xfa: {  	s10 =	rddreg [dreg:$0xd];
	[sflag:s22] =	ssyncadd.s32 $0xFFFFE000  }
0xfb: {  	[spmem:s3] =	stream.indirect.scatter.add.f32 [tilespmem:s17], [sflag:$0x3], $0x40, s10, s20, $0xb8;
	[tilespmem:$0xF000] =	vst v63  }
0xfc: {  	_ =	swait.ge [sflag:s18], $0x2000  }
0xfd: {  	[sflag:s18] =	ssyncset.done $0x0  }
0xfe: {  	s10 =	rddreg [dreg:$0xe];
	[sflag:s18] =	ssyncadd.s32 $0xFFFFE000  }
0xff: {  	[tilespmem:s17], [sflag:$0x1] =	stream.indirect.gather [hbm4b:s0+s20], $0x40, s10, s20, $0xb8;
	[tilespmem:$0xF000] =	vst v63  }
0x100: {  	_ =	swait.ge [sflag:s23], $0x2000  }
0x101: {  	[sflag:s23] =	ssyncset.done $0x0  }
0x102: {  	s10 =	rddreg [dreg:$0xf];
	[sflag:s23] =	ssyncadd.s32 $0xFFFFE000  }
0x103: {  	[spmem:s3] =	stream.indirect.scatter.add.f32 [tilespmem:s21], [sflag:$0x3], $0x40, s10, s20, $0xb8;
	[tilespmem:$0xF000] =	vst v63  }
0x104: {  	_ =	swait.ge [sflag:s18], $0x2000  }
0x105: {  	[sflag:s18] =	ssyncset.done $0x0  }
0x106: {  	s10 =	rddreg [dreg:$0x10];
	[sflag:s18] =	ssyncadd.s32 $0xFFFFE000  }
0x107: {  	[tilespmem:s21], [sflag:$0x2] =	stream.indirect.gather [hbm4b:s0+s20], $0x40, s10, s20, $0xb8;
	[tilespmem:$0xF000] =	vst v63  }
0x108: {  	_ =	swait.ge [sflag:s22], $0x2000  }
0x109: {  	[sflag:s22] =	ssyncset.done $0x0  }
0x10a: {  	s10 =	rddreg [dreg:$0x11];
	[sflag:s22] =	ssyncadd.s32 $0xFFFFE000  }
0x10b: {  	[spmem:s3] =	stream.indirect.scatter.add.f32 [tilespmem:s17], [sflag:$0x3], $0x40, s10, s20, $0xb8;
	[tilespmem:$0xF000] =	vst v63  }
0x10c: {  	_ =	swait.ge [sflag:s18], $0x2000  }
0x10d: {  	[sflag:s18] =	ssyncset.done $0x0  }
0x10e: {  	[sflag:s18] =	ssyncadd.s32 $0xFFFFE000  }
0x10f: {  	[tilespmem:s17], [sflag:$0x1] =	stream.indirect.gather [hbm4b:s0+s20], $0x40, s24, s20, $0xb8;
	[tilespmem:$0xF000] =	vst v63  }
0x110: {  	_ =	swait.ge [sflag:s23], $0x2000  }
0x111: {  	[sflag:s23] =	ssyncset.done $0x0  }
0x112: {  	[sflag:s23] =	ssyncadd.s32 $0xFFFFE000  }
0x113: {  	[spmem:s3] =	stream.indirect.scatter.add.f32 [tilespmem:s21], [sflag:$0x3], $0x40, s25, s20, $0xb8;
	[tilespmem:$0xF000] =	vst v63  }
0x114: {  	_ =	swait.ge [sflag:s18], $0x2000  }
0x115: {  	[sflag:s18] =	ssyncset.done $0x0  }
0x116: {  	[sflag:s18] =	ssyncadd.s32 $0xFFFFE000  }
0x117: {  	[tilespmem:s21], [sflag:$0x2] =	stream.indirect.gather [hbm4b:s0+s20], $0x40, s26, s20, $0xb8;
	[tilespmem:$0xF000] =	vst v63  }
0x118: {  	_ =	swait.ge [sflag:s22], $0x2000  }
0x119: {  	[sflag:s22] =	ssyncset.done $0x0  }
0x11a: {  	[sflag:s22] =	ssyncadd.s32 $0xFFFFE000  }
0x11b: {  	[spmem:s3] =	stream.indirect.scatter.add.f32 [tilespmem:s17], [sflag:$0x3], $0x40, s28, s20, $0xb8;
	[tilespmem:$0xF000] =	vst v63  }
0x11c: {  	_ =	swait.ge [sflag:s18], $0x2000  }
0x11d: {  	[sflag:s18] =	ssyncset.done $0x0  }
0x11e: {  	[sflag:s18] =	ssyncadd.s32 $0xFFFFE000  }
0x11f: {  	[tilespmem:s17], [sflag:$0x1] =	stream.indirect.gather [hbm4b:s0+s20], $0x40, s29, s20, $0xb8;
	[tilespmem:$0xF000] =	vst v63  }
0x120: {  	_ =	swait.ge [sflag:s23], $0x2000  }
0x121: {  	[sflag:s23] =	ssyncset.done $0x0  }
0x122: {  	[sflag:s23] =	ssyncadd.s32 $0xFFFFE000  }
0x123: {  	[spmem:s3] =	stream.indirect.scatter.add.f32 [tilespmem:s21], [sflag:$0x3], $0x40, s30, s20, $0xb8;
	[tilespmem:$0xF000] =	vst v63  }
0x124: {  	_ =	swait.ge [sflag:s18], $0x2000  }
0x125: {  	[sflag:s18] =	ssyncset.done $0x0  }
0x126: {  	[sflag:s18] =	ssyncadd.s32 $0xFFFFE000  }
0x127: {  	[tilespmem:s21], [sflag:$0x2] =	stream.indirect.gather [hbm4b:s0+s20], $0x40, s31, s20, $0xb8;
	[tilespmem:$0xF000] =	vst v63  }
0x128: {  	_ =	swait.ge [sflag:s22], $0x2000  }
0x129: {  	[sflag:s22] =	ssyncset.done $0x0  }
0x12a: {  	[sflag:s22] =	ssyncadd.s32 $0xFFFFE000  }
0x12b: {  	[spmem:s3] =	stream.indirect.scatter.add.f32 [tilespmem:s17], [sflag:$0x3], $0x40, s1, s20, $0xb8;
	[tilespmem:$0xF000] =	vst v63  }
0x12c: {  	_ =	swait.ge [sflag:s18], $0x2000  }
0x12d: {  	[sflag:s18] =	ssyncset.done $0x0  }
0x12e: {  	[sflag:s18] =	ssyncadd.s32 $0xFFFFE000  }
0x12f: {  	[tilespmem:s17], [sflag:$0x1] =	stream.indirect.gather [hbm4b:s0+s20], $0x40, s2, s20, $0xb8;
	[tilespmem:$0xF000] =	vst v63  }
0x130: {  	_ =	swait.ge [sflag:s23], $0x2000  }
0x131: {  	[sflag:s23] =	ssyncset.done $0x0  }
0x132: {  	[sflag:s23] =	ssyncadd.s32 $0xFFFFE000  }
0x133: {  	[spmem:s3] =	stream.indirect.scatter.add.f32 [tilespmem:s21], [sflag:$0x3], $0x40, s5, s20, $0xb8;
	[tilespmem:$0xF000] =	vst v63  }
0x134: {  	_ =	swait.ge [sflag:s18], $0x2000  }
0x135: {  	[sflag:s18] =	ssyncset.done $0x0  }
0x136: {  	[sflag:s18] =	ssyncadd.s32 $0xFFFFE000  }
0x137: {  	[tilespmem:s21], [sflag:$0x2] =	stream.indirect.gather [hbm4b:s0+s20], $0x40, s11, s20, $0xb8;
	[tilespmem:$0xF000] =	vst v63  }
0x138: {  	_ =	swait.ge [sflag:s22], $0x2000  }
0x139: {  	[sflag:s22] =	ssyncset.done $0x0  }
0x13a: {  	[sflag:s22] =	ssyncadd.s32 $0xFFFFE000  }
0x13b: {  	[spmem:s3] =	stream.indirect.scatter.add.f32 [tilespmem:s17], [sflag:$0x3], $0x40, s12, s20, $0xb8;
	[tilespmem:$0xF000] =	vst v63  }
0x13c: {  	_ =	swait.ge [sflag:s18], $0x2000  }
0x13d: {  	[sflag:s18] =	ssyncset.done $0x0  }
0x13e: {  	[sflag:s18] =	ssyncadd.s32 $0xFFFFE000  }
0x13f: {  	[tilespmem:s17], [sflag:$0x1] =	stream.indirect.gather [hbm4b:s0+s20], $0x40, s13, s20, $0xb8;
	[tilespmem:$0xF000] =	vst v63  }
0x140: {  	_ =	swait.ge [sflag:s23], $0x2000  }
0x141: {  	[sflag:s23] =	ssyncset.done $0x0  }
0x142: {  	[sflag:s23] =	ssyncadd.s32 $0xFFFFE000  }
0x143: {  	[spmem:s3] =	stream.indirect.scatter.add.f32 [tilespmem:s21], [sflag:$0x3], $0x40, s14, s20, $0xb8;
	[tilespmem:$0xF000] =	vst v63  }
0x144: {  	_ =	swait.ge [sflag:s18], $0x2000  }
0x145: {  	[sflag:s18] =	ssyncset.done $0x0  }
0x146: {  	[sflag:s18] =	ssyncadd.s32 $0xFFFFE000  }
0x147: {  	[tilespmem:s21], [sflag:$0x2] =	stream.indirect.gather [hbm4b:s0+s20], $0x40, s15, s20, $0xb8;
	[tilespmem:$0xF000] =	vst v63  }
0x148: {  	_ =	swait.ge [sflag:s22], $0x2000  }
0x149: {  	[sflag:s22] =	ssyncset.done $0x0  }
0x14a: {  	[sflag:s22] =	ssyncadd.s32 $0xFFFFE000  }
0x14b: {  	[spmem:s3] =	stream.indirect.scatter.add.f32 [tilespmem:s17], [sflag:$0x3], $0x40, s16, s20, $0xb8;
	[tilespmem:$0xF000] =	vst v63  }
0x14c: {  	_ =	swait.ge [sflag:s18], $0x2000  }
0x14d: {  	[sflag:s18] =	ssyncset.done $0x0  }
0x14e: {  	[sflag:s18] =	ssyncadd.s32 $0xFFFFE000  }
0x14f: {  	p0 =	sne.s32 s9, $0x400;
	_ =	swait.ge [sflag:s23], $0x2000  }
.Ltmp0:
0x150: {  	[sflag:s23] =	ssyncset.done $0x0;
	(pc) =	sbr.rel @p0 .LBB2_2-.Ltmp0, $4  }
0x151: {  	[sflag:s23] =	ssyncadd.s32 $0xFFFFE000  }
0x152: {  	[spmem:s3] =	stream.indirect.scatter.add.f32 [tilespmem:s21], [sflag:$0x3], $0x40, s6, s20, $0xb8;
	[tilespmem:$0xF000] =	vst v63  }
0x153: {  	s7 =	smov.u32 s9;
	s9 =	sadd.s32 $0x100, s9;
	_ =	swait.ge [sflag:s18], $0x2000  }
0x154: {  	s8 =	smov.u32 s7;
	s10 =	rddreg [dreg:$0x5];
	[sflag:s18] =	ssyncset.done $0x0  }
0x155: {  	[sflag:s18] =	ssyncadd.s32 $0xFFFFE000;
	s7 =	sadd.s32 s8, s10  }
0x156: {  	[tilespmem:s4], [sflag:$0x3] =	stream.linear.gather [hbm4b:s7+s4], $0x800, $0x38;
	[tilespmem:$0xF000] =	vst v63  }
0x157: {  	_ =	swait.ge [sflag:s18], $0x800  }
0x158: {  	s10 =	rddreg [dreg:$0x4];
	[sflag:s18] =	ssyncset.done $0x0  }
0x159: {  	s7 =	sadd.s32 s8, s10;
	[sflag:s18] =	ssyncadd.s32 $0xFFFFF800  }
0x15a: {  	[tilespmem:s19], [sflag:$0x3] =	stream.linear.gather [hbm4b:s7+s4], $0x800, $0x38;
	[tilespmem:$0xF000] =	vst v63  }
0x15b: {  	_ =	swait.ge [sflag:s18], $0x800  }
0x15c: {  	[sflag:s18] =	ssyncset.done $0x0  }
0x15d: {  	[sflag:s18] =	ssyncadd.s32 $0xFFFFF800  }
0x15e: {  	[tilespmem:s17], [sflag:$0x1] =	stream.indirect.gather [hbm4b:s0+s20], $0x40, s4, s20, $0xb8;
	[tilespmem:$0xF000] =	vst v63  }
0x15f: {  	_ = 	snop  }
0x160: {  	[tilespmem:s21], [sflag:$0x2] =	stream.indirect.gather [hbm4b:s0+s20], $0x40, s20, s20, $0xb8;
	[tilespmem:$0xF000] =	vst v63  }
0x161: {  	_ =	swait.ge [sflag:s22], $0x2000  }
0x162: {  	[sflag:s22] =	ssyncset.done $0x0  }
0x163: {  	[sflag:s22] =	ssyncadd.s32 $0xFFFFE000  }
0x164: {  	[spmem:s3] =	stream.indirect.scatter.add.f32 [tilespmem:s17], [sflag:$0x3], $0x40, s19, s20, $0xb8;
	[tilespmem:$0xF000] =	vst v63  }
0x165: {  	_ =	swait.ge [sflag:s18], $0x2000  }
0x166: {  	[sflag:s18] =	ssyncset.done $0x0  }
0x167: {  	s8 =	rddreg [dreg:$0x6];
	[sflag:s18] =	ssyncadd.s32 $0xFFFFE000  }
0x168: {  	[tilespmem:s17], [sflag:$0x1] =	stream.indirect.gather [hbm4b:s0+s20], $0x40, s8, s20, $0xb8;
	[tilespmem:$0xF000] =	vst v63  }
0x169: {  	_ =	swait.ge [sflag:s23], $0x2000  }
0x16a: {  	[sflag:s23] =	ssyncset.done $0x0  }
0x16b: {  	s9 =	rddreg [dreg:$0x7];
	[sflag:s23] =	ssyncadd.s32 $0xFFFFE000  }
0x16c: {  	[spmem:s3] =	stream.indirect.scatter.add.f32 [tilespmem:s21], [sflag:$0x3], $0x40, s9, s20, $0xb8;
	[tilespmem:$0xF000] =	vst v63  }
0x16d: {  	_ =	swait.ge [sflag:s18], $0x2000  }
0x16e: {  	[sflag:s18] =	ssyncset.done $0x0  }
0x16f: {  	s10 =	rddreg [dreg:$0x8];
	[sflag:s18] =	ssyncadd.s32 $0xFFFFE000  }
0x170: {  	[tilespmem:s21], [sflag:$0x2] =	stream.indirect.gather [hbm4b:s0+s20], $0x40, s10, s20, $0xb8;
	[tilespmem:$0xF000] =	vst v63  }
0x171: {  	_ =	swait.ge [sflag:s22], $0x2000  }
0x172: {  	[sflag:s22] =	ssyncset.done $0x0  }
0x173: {  	s8 =	rddreg [dreg:$0x9];
	[sflag:s22] =	ssyncadd.s32 $0xFFFFE000  }
0x174: {  	[spmem:s3] =	stream.indirect.scatter.add.f32 [tilespmem:s17], [sflag:$0x3], $0x40, s8, s20, $0xb8;
	[tilespmem:$0xF000] =	vst v63  }
0x175: {  	_ =	swait.ge [sflag:s18], $0x2000  }
0x176: {  	[sflag:s18] =	ssyncset.done $0x0  }
0x177: {  	s9 =	rddreg [dreg:$0xa];
	[sflag:s18] =	ssyncadd.s32 $0xFFFFE000  }
0x178: {  	[tilespmem:s17], [sflag:$0x1] =	stream.indirect.gather [hbm4b:s0+s20], $0x40, s9, s20, $0xb8;
	[tilespmem:$0xF000] =	vst v63  }
0x179: {  	_ =	swait.ge [sflag:s23], $0x2000  }
0x17a: {  	[sflag:s23] =	ssyncset.done $0x0  }
0x17b: {  	s10 =	rddreg [dreg:$0xb];
	[sflag:s23] =	ssyncadd.s32 $0xFFFFE000  }
0x17c: {  	[spmem:s3] =	stream.indirect.scatter.add.f32 [tilespmem:s21], [sflag:$0x3], $0x40, s10, s20, $0xb8;
	[tilespmem:$0xF000] =	vst v63  }
0x17d: {  	_ =	swait.ge [sflag:s18], $0x2000  }
0x17e: {  	[sflag:s18] =	ssyncset.done $0x0  }
0x17f: {  	s8 =	rddreg [dreg:$0xc];
	[sflag:s18] =	ssyncadd.s32 $0xFFFFE000  }
0x180: {  	[tilespmem:s21], [sflag:$0x2] =	stream.indirect.gather [hbm4b:s0+s20], $0x40, s8, s20, $0xb8;
	[tilespmem:$0xF000] =	vst v63  }
0x181: {  	_ =	swait.ge [sflag:s22], $0x2000  }
0x182: {  	[sflag:s22] =	ssyncset.done $0x0  }
0x183: {  	s9 =	rddreg [dreg:$0xd];
	[sflag:s22] =	ssyncadd.s32 $0xFFFFE000  }
0x184: {  	[spmem:s3] =	stream.indirect.scatter.add.f32 [tilespmem:s17], [sflag:$0x3], $0x40, s9, s20, $0xb8;
	[tilespmem:$0xF000] =	vst v63  }
0x185: {  	_ =	swait.ge [sflag:s18], $0x2000  }
0x186: {  	[sflag:s18] =	ssyncset.done $0x0  }
0x187: {  	s10 =	rddreg [dreg:$0xe];
	[sflag:s18] =	ssyncadd.s32 $0xFFFFE000  }
0x188: {  	[tilespmem:s17], [sflag:$0x1] =	stream.indirect.gather [hbm4b:s0+s20], $0x40, s10, s20, $0xb8;
	[tilespmem:$0xF000] =	vst v63  }
0x189: {  	_ =	swait.ge [sflag:s23], $0x2000  }
0x18a: {  	[sflag:s23] =	ssyncset.done $0x0  }
0x18b: {  	s8 =	rddreg [dreg:$0xf];
	[sflag:s23] =	ssyncadd.s32 $0xFFFFE000  }
0x18c: {  	[spmem:s3] =	stream.indirect.scatter.add.f32 [tilespmem:s21], [sflag:$0x3], $0x40, s8, s20, $0xb8;
	[tilespmem:$0xF000] =	vst v63  }
0x18d: {  	_ =	swait.ge [sflag:s18], $0x2000  }
0x18e: {  	[sflag:s18] =	ssyncset.done $0x0  }
0x18f: {  	s9 =	rddreg [dreg:$0x10];
	[sflag:s18] =	ssyncadd.s32 $0xFFFFE000  }
0x190: {  	[tilespmem:s21], [sflag:$0x2] =	stream.indirect.gather [hbm4b:s0+s20], $0x40, s9, s20, $0xb8;
	[tilespmem:$0xF000] =	vst v63  }
0x191: {  	_ =	swait.ge [sflag:s22], $0x2000  }
0x192: {  	[sflag:s22] =	ssyncset.done $0x0  }
0x193: {  	s10 =	rddreg [dreg:$0x11];
	[sflag:s22] =	ssyncadd.s32 $0xFFFFE000  }
0x194: {  	[spmem:s3] =	stream.indirect.scatter.add.f32 [tilespmem:s17], [sflag:$0x3], $0x40, s10, s20, $0xb8;
	[tilespmem:$0xF000] =	vst v63  }
0x195: {  	_ =	swait.ge [sflag:s18], $0x2000  }
0x196: {  	[sflag:s18] =	ssyncset.done $0x0  }
0x197: {  	[sflag:s18] =	ssyncadd.s32 $0xFFFFE000  }
0x198: {  	[tilespmem:s17], [sflag:$0x1] =	stream.indirect.gather [hbm4b:s0+s20], $0x40, s24, s20, $0xb8;
	[tilespmem:$0xF000] =	vst v63  }
0x199: {  	_ =	swait.ge [sflag:s23], $0x2000  }
0x19a: {  	[sflag:s23] =	ssyncset.done $0x0  }
0x19b: {  	[sflag:s23] =	ssyncadd.s32 $0xFFFFE000  }
0x19c: {  	[spmem:s3] =	stream.indirect.scatter.add.f32 [tilespmem:s21], [sflag:$0x3], $0x40, s25, s20, $0xb8;
	[tilespmem:$0xF000] =	vst v63  }
0x19d: {  	_ =	swait.ge [sflag:s18], $0x2000  }
0x19e: {  	[sflag:s18] =	ssyncset.done $0x0  }
0x19f: {  	[sflag:s18] =	ssyncadd.s32 $0xFFFFE000  }
0x1a0: {  	[tilespmem:s21], [sflag:$0x2] =	stream.indirect.gather [hbm4b:s0+s20], $0x40, s26, s20, $0xb8;
	[tilespmem:$0xF000] =	vst v63  }
0x1a1: {  	_ =	swait.ge [sflag:s22], $0x2000  }
0x1a2: {  	[sflag:s22] =	ssyncset.done $0x0  }
0x1a3: {  	[sflag:s22] =	ssyncadd.s32 $0xFFFFE000  }
0x1a4: {  	[spmem:s3] =	stream.indirect.scatter.add.f32 [tilespmem:s17], [sflag:$0x3], $0x40, s28, s20, $0xb8;
	[tilespmem:$0xF000] =	vst v63  }
0x1a5: {  	_ =	swait.ge [sflag:s18], $0x2000  }
0x1a6: {  	[sflag:s18] =	ssyncset.done $0x0  }
0x1a7: {  	[sflag:s18] =	ssyncadd.s32 $0xFFFFE000  }
0x1a8: {  	[tilespmem:s17], [sflag:$0x1] =	stream.indirect.gather [hbm4b:s0+s20], $0x40, s29, s20, $0xb8;
	[tilespmem:$0xF000] =	vst v63  }
0x1a9: {  	_ =	swait.ge [sflag:s23], $0x2000  }
0x1aa: {  	[sflag:s23] =	ssyncset.done $0x0  }
0x1ab: {  	[sflag:s23] =	ssyncadd.s32 $0xFFFFE000  }
0x1ac: {  	[spmem:s3] =	stream.indirect.scatter.add.f32 [tilespmem:s21], [sflag:$0x3], $0x40, s30, s20, $0xb8;
	[tilespmem:$0xF000] =	vst v63  }
0x1ad: {  	_ =	swait.ge [sflag:s18], $0x2000  }
0x1ae: {  	[sflag:s18] =	ssyncset.done $0x0  }
0x1af: {  	[sflag:s18] =	ssyncadd.s32 $0xFFFFE000  }
0x1b0: {  	[tilespmem:s21], [sflag:$0x2] =	stream.indirect.gather [hbm4b:s0+s20], $0x40, s31, s20, $0xb8;
	[tilespmem:$0xF000] =	vst v63  }
0x1b1: {  	_ =	swait.ge [sflag:s22], $0x2000  }
0x1b2: {  	[sflag:s22] =	ssyncset.done $0x0  }
0x1b3: {  	[sflag:s22] =	ssyncadd.s32 $0xFFFFE000  }
0x1b4: {  	[spmem:s3] =	stream.indirect.scatter.add.f32 [tilespmem:s17], [sflag:$0x3], $0x40, s1, s20, $0xb8;
	[tilespmem:$0xF000] =	vst v63  }
0x1b5: {  	_ =	swait.ge [sflag:s18], $0x2000  }
0x1b6: {  	[sflag:s18] =	ssyncset.done $0x0  }
0x1b7: {  	[sflag:s18] =	ssyncadd.s32 $0xFFFFE000  }
0x1b8: {  	[tilespmem:s17], [sflag:$0x1] =	stream.indirect.gather [hbm4b:s0+s20], $0x40, s2, s20, $0xb8;
	[tilespmem:$0xF000] =	vst v63  }
0x1b9: {  	_ =	swait.ge [sflag:s23], $0x2000  }
0x1ba: {  	[sflag:s23] =	ssyncset.done $0x0  }
0x1bb: {  	[sflag:s23] =	ssyncadd.s32 $0xFFFFE000  }
0x1bc: {  	[spmem:s3] =	stream.indirect.scatter.add.f32 [tilespmem:s21], [sflag:$0x3], $0x40, s5, s20, $0xb8;
	[tilespmem:$0xF000] =	vst v63  }
0x1bd: {  	_ =	swait.ge [sflag:s18], $0x2000  }
0x1be: {  	[sflag:s18] =	ssyncset.done $0x0  }
0x1bf: {  	[sflag:s18] =	ssyncadd.s32 $0xFFFFE000  }
0x1c0: {  	[tilespmem:s21], [sflag:$0x2] =	stream.indirect.gather [hbm4b:s0+s20], $0x40, s11, s20, $0xb8;
	[tilespmem:$0xF000] =	vst v63  }
0x1c1: {  	_ =	swait.ge [sflag:s22], $0x2000  }
0x1c2: {  	[sflag:s22] =	ssyncset.done $0x0  }
0x1c3: {  	[sflag:s22] =	ssyncadd.s32 $0xFFFFE000  }
0x1c4: {  	[spmem:s3] =	stream.indirect.scatter.add.f32 [tilespmem:s17], [sflag:$0x3], $0x40, s12, s20, $0xb8;
	[tilespmem:$0xF000] =	vst v63  }
0x1c5: {  	_ =	swait.ge [sflag:s18], $0x2000  }
0x1c6: {  	[sflag:s18] =	ssyncset.done $0x0  }
0x1c7: {  	[sflag:s18] =	ssyncadd.s32 $0xFFFFE000  }
0x1c8: {  	[tilespmem:s17], [sflag:$0x1] =	stream.indirect.gather [hbm4b:s0+s20], $0x40, s13, s20, $0xb8;
	[tilespmem:$0xF000] =	vst v63  }
0x1c9: {  	_ =	swait.ge [sflag:s23], $0x2000  }
0x1ca: {  	[sflag:s23] =	ssyncset.done $0x0  }
0x1cb: {  	[sflag:s23] =	ssyncadd.s32 $0xFFFFE000  }
0x1cc: {  	[spmem:s3] =	stream.indirect.scatter.add.f32 [tilespmem:s21], [sflag:$0x3], $0x40, s14, s20, $0xb8;
	[tilespmem:$0xF000] =	vst v63  }
0x1cd: {  	_ =	swait.ge [sflag:s18], $0x2000  }
0x1ce: {  	[sflag:s18] =	ssyncset.done $0x0  }
0x1cf: {  	[sflag:s18] =	ssyncadd.s32 $0xFFFFE000  }
0x1d0: {  	[tilespmem:s21], [sflag:$0x2] =	stream.indirect.gather [hbm4b:s0+s20], $0x40, s15, s20, $0xb8;
	[tilespmem:$0xF000] =	vst v63  }
0x1d1: {  	_ =	swait.ge [sflag:s22], $0x2000  }
0x1d2: {  	[sflag:s22] =	ssyncset.done $0x0  }
0x1d3: {  	[sflag:s22] =	ssyncadd.s32 $0xFFFFE000  }
0x1d4: {  	[spmem:s3] =	stream.indirect.scatter.add.f32 [tilespmem:s17], [sflag:$0x3], $0x40, s16, s20, $0xb8;
	[tilespmem:$0xF000] =	vst v63  }
0x1d5: {  	_ =	swait.ge [sflag:s18], $0x2000  }
0x1d6: {  	[sflag:s18] =	ssyncset.done $0x0  }
0x1d7: {  	[sflag:s18] =	ssyncadd.s32 $0xFFFFE000  }
0x1d8: {  	_ =	swait.ge [sflag:s23], $0x2000  }
0x1d9: {  	[sflag:s23] =	ssyncset.done $0x0  }
0x1da: {  	[sflag:s23] =	ssyncadd.s32 $0xFFFFE000  }
0x1db: {  	[spmem:s3] =	stream.indirect.scatter.add.f32 [tilespmem:s21], [sflag:$0x3], $0x40, s6, s20, $0xb8;
	[tilespmem:$0xF000] =	vst v63  }
0x1dc: {  	_ =	swait.ge [sflag:s18], $0x2000  }
0x1dd: {  	[sflag:s18] =	ssyncset.done $0x0  }
0x1de: {  	[sflag:s18] =	ssyncadd.s32 $0xFFFFE000  }
0x1df: {  	[bflag:$0x0] =	sbarrier.arrive $0xFFFF  }
0x1e0: {  	s8 =	rddreg [dreg:$0x13]  }
0x1e1: {  	[tilespmem:s17], [sflag:$0x3] =	stream.linear.gather [spmem:s8], $0x2000, $0x38;
	[tilespmem:$0xF000] =	vst v63  }
0x1e2: {  	_ =	swait.ge [sflag:s18], $0x2000  }
0x1e3: {  	[sflag:s18] =	ssyncset.done $0x0  }
0x1e4: {  	s9 =	rddreg [dreg:$0x19];
	[sflag:s18] =	ssyncadd.s32 $0xFFFFE000  }
0x1e5: {  	[hbm4b:s9+s4] =	stream.linear.scatter [tilespmem:s17], [sflag:$0x3], $0x2000, $0x38;
	[tilespmem:$0xF000] =	vst v63  }
0x1e6: {  	_ =	swait.ge [sflag:s18], $0x2000  }
0x1e7: {  	[sflag:s18] =	ssyncset.done $0x0  }
0x1e8: {  	s9 =	rddreg [dreg:$0x14];
	[sflag:s18] =	ssyncadd.s32 $0xFFFFE000  }
0x1e9: {  	[tilespmem:s17], [sflag:$0x3] =	stream.linear.gather [spmem:s9], $0x2000, $0x38;
	[tilespmem:$0xF000] =	vst v63  }
0x1ea: {  	_ =	swait.ge [sflag:s18], $0x2000  }
0x1eb: {  	[sflag:s18] =	ssyncset.done $0x0  }
0x1ec: {  	s10 =	rddreg [dreg:$0x1a];
	[sflag:s18] =	ssyncadd.s32 $0xFFFFE000  }
0x1ed: {  	[hbm4b:s10+s4] =	stream.linear.scatter [tilespmem:s17], [sflag:$0x3], $0x2000, $0x38;
	[tilespmem:$0xF000] =	vst v63  }
0x1ee: {  	_ =	swait.ge [sflag:s18], $0x2000  }
0x1ef: {  	[sflag:s18] =	ssyncset.done $0x0  }
0x1f0: {  	s10 =	rddreg [dreg:$0x15];
	[sflag:s18] =	ssyncadd.s32 $0xFFFFE000  }
0x1f1: {  	[tilespmem:s17], [sflag:$0x3] =	stream.linear.gather [spmem:s10], $0x2000, $0x38;
	[tilespmem:$0xF000] =	vst v63  }
0x1f2: {  	_ =	swait.ge [sflag:s18], $0x2000  }
0x1f3: {  	[sflag:s18] =	ssyncset.done $0x0  }
0x1f4: {  	s8 =	rddreg [dreg:$0x1b];
	[sflag:s18] =	ssyncadd.s32 $0xFFFFE000  }
0x1f5: {  	[hbm4b:s8+s4] =	stream.linear.scatter [tilespmem:s17], [sflag:$0x3], $0x2000, $0x38;
	[tilespmem:$0xF000] =	vst v63  }
0x1f6: {  	_ =	swait.ge [sflag:s18], $0x2000  }
0x1f7: {  	[sflag:s18] =	ssyncset.done $0x0  }
0x1f8: {  	s8 =	rddreg [dreg:$0x16];
	[sflag:s18] =	ssyncadd.s32 $0xFFFFE000  }
0x1f9: {  	[tilespmem:s17], [sflag:$0x3] =	stream.linear.gather [spmem:s8], $0x2000, $0x38;
	[tilespmem:$0xF000] =	vst v63  }
0x1fa: {  	_ =	swait.ge [sflag:s18], $0x2000  }
0x1fb: {  	[sflag:s18] =	ssyncset.done $0x0  }
0x1fc: {  	s8 =	rddreg [dreg:$0x1c];
	[sflag:s18] =	ssyncadd.s32 $0xFFFFE000  }
0x1fd: {  	[hbm4b:s8+s4] =	stream.linear.scatter [tilespmem:s17], [sflag:$0x3], $0x2000, $0x38;
	[tilespmem:$0xF000] =	vst v63  }
0x1fe: {  	_ =	swait.ge [sflag:s18], $0x2000  }
0x1ff: {  	[sflag:s18] =	ssyncset.done $0x0  }
0x200: {  	s8 =	rddreg [dreg:$0x17];
	[sflag:s18] =	ssyncadd.s32 $0xFFFFE000  }
0x201: {  	[tilespmem:s17], [sflag:$0x3] =	stream.linear.gather [spmem:s8], $0x2000, $0x38;
	[tilespmem:$0xF000] =	vst v63  }
0x202: {  	_ =	swait.ge [sflag:s18], $0x2000  }
0x203: {  	[sflag:s18] =	ssyncset.done $0x0  }
0x204: {  	s8 =	rddreg [dreg:$0x1d];
	[sflag:s18] =	ssyncadd.s32 $0xFFFFE000  }
0x205: {  	[hbm4b:s8+s4] =	stream.linear.scatter [tilespmem:s17], [sflag:$0x3], $0x2000, $0x38;
	[tilespmem:$0xF000] =	vst v63  }
0x206: {  	_ =	swait.ge [sflag:s18], $0x2000  }
0x207: {  	s7 =	rddreg [dreg:$0x1e]  }
0x208: {  	s8 =	sadd.s32 $0x1, s7;
	s7 =	rddreg [dreg:$0x18]  }
0x209: {  	p0 =	sne.s32 s8, s7  }
.Ltmp1:
0x20a: {  	_ = 	snop;
	(pc) =	sbr.rel @p0 .LBB2_1-.Ltmp1, $3  }
0x20b: {  	_ =	sdelay $0x1  }
0x20c: {  	[sflag:s18] =	ssyncset.done $0x0;
	[dreg:$0x1e] =	wrdreg s8  }
0x20d: {  	[sflag:s18] =	ssyncadd.s32 $0xFFFFE000;
	s8 =	rddreg [dreg:$0x13]  }
0x20e: {  	_ =	sfence.sel $0x180000  }
0x20f: {  	[bflag:$0x0] =	sbarrier.arrive $0xFFFF  }
0x210: {  	_ =	strace $0x9000004D  }
0x211: {  	s0 =	stileid.u32;
	[bflag:$0x2] =	sbarrier.arrive $0xFFFF  }
0x212: {  	p0 =	sne.s32 s0, $0x0;
	s0 =	rddreg [dreg:$0x3]  }
0x213: {  	s0 =	sadd.s32 @!p0 $0x100000, s0  }
0x214: {  	[sflag:s0] =	ssyncadd.tile.s32 @!p0 $0x1;
	_ =	shalt  }
.Lfunc_end2:
_tile_overlayer_lowered:
.L_overlay_start_2:
0x215: {  	(tag) =	ssettag $0x2  }
0x216: {  	s0 =	rddreg [dreg:$0x0];
	s2 =	stileid.u32  }
0x217: {  	s1 =	rddreg [dreg:$0x1];
	p0 =	sne.s32 s2, $0x0  }
0x218: {  	s3 =	rddreg [dreg:$0x2];
	[bflag:$0x3] =	sbarrier.arrive $0xFFFF;
	s2 =	simm.s32 @!p0 $0x1C03  }
0x219: {  	[timem:s3], [sflag:s2] =	dma.local @!p0 [hbm:s0], s1  }
0x21a: {  	s0 =	simm.s32 @!p0 $0x3  }
0x21b: {  	_ =	swait.ge @!p0 [sflag:s0], s1  }
0x21c: {  	s1 =	ssub.s32 @!p0 $0x0, s1;
	[sflag:s0] =	ssyncset.done @!p0 $0x0  }
0x21d: {  	[sflag:s0] =	ssyncadd.s32 @!p0 s1  }
0x21e: {  	[bflag:$0x3] =	sbarrier.arrive $0xFFFF  }
0x21f: {  	_ =	shalt  }

// kernel: kernel.8.cloned.1.call-start
scs
__scs_entry_jumppad:
0x0: {  	(pc) =	sbr.rel $0x88, $3  }
0x1: {  	(tag) =	ssettag $0x0;
	lr =	simm.s32 $0x1  }
0x2: {  	[smem:$0x3F9B] =	sst lr;
	_ =	strace $0xD0000000  }
0x3: {  	_ = 	snop  }
0x4: {  	_ = 	snop  }
0x5: {  	_ = 	snop  }
0x6: {  	_ = 	snop  }
0x7: {  	_ = 	snop  }
__scs_overlays_trampoline_lowered:
0x8: {  	[smem:$0x3FAA] =	sst s0  }
0x9: {  	[smem:$0x3FAB] =	sst s1  }
0xa: {  	[smem:$0x3FAC] =	sst s2  }
0xb: {  	[smem:$0x3FAD] =	sst s3  }
0xc: {  	[smem:$0x3FAE] =	sst s4  }
0xd: {  	[smem:$0x3FAF] =	sst s5  }
0xe: {  	[smem:$0x3FB0] =	sst s6  }
0xf: {  	[smem:$0x3FB1] =	sst s7  }
0x10: {  	[smem:$0x3FB2] =	sst s8  }
0x11: {  	[smem:$0x3FB3] =	sst s9;
	s0 =	simm.s32 @!p0 $0x0  }
0x12: {  	s1 =	sld [smem:$0x3F99];
	s0 =	simm.s32 @p0 $0x1  }
0x13: {  	[smem:$0x3FB4] =	sst s0;
	s0 =	simm.s32 @!p1 $0x0  }
0x14: {  	s2 =	sld [smem:$0x3F98];
	s0 =	simm.s32 @p1 $0x1  }
0x15: {  	[smem:$0x3FB5] =	sst s0;
	s0 =	simm.s32 @!p2 $0x0  }
0x16: {  	s3 =	sld [smem:$0x3FDB];
	s0 =	simm.s32 @p2 $0x1  }
0x17: {  	s4 =	simm.s32 $0x1BF5;
	[smem:$0x3FB7] =	sst s0  }
0x18: {  	s0 =	sld [smem:$0x3F9A];
	_ =	swait.ge [sflag:s4], $0x0  }
0x19: {  	s7 =	sld [smem:$0x3F9B]  }
0x1a: {  	s8 =	sadd.s32 $0xFFFFE003, lr  }
0x1b: {  	s9 =	sadd.s32 $0xFFFFFEF7, lr;
	s5 =	simm.s32 $0xFFFFFFFF;
	p2 =	slt.u32 s8, $0xFFFFF086  }
0x1c: {  	p1 =	slt.u32 s9, $0xF7A;
	s5 =	simm.s32 @!p2 $0x0  }
0x1d: {  	s5 =	simm.s32 @p1 $0x1;
	p0 =	seq.s32 s7, s2  }
0x1e: {  	s7 =	smul.u32 @!p0 $0xF7A, s2;
	p2 =	seq.s32 @!p0 s5, $0x0  }
0x1f: {  	s9 =	smul.u32 $0xF7A, s1;
	s8 =	simm.s32 @!p0 $0x1BF5;
	p2 =	por !p2, p0  }
0x20: {  	[sflag:s8] =	ssyncset.s32 @!p0 $0xFFFFF086;
	s6 =	sadd.s32 @!p0 s3, s7;
	s7 =	simm.s32 @!p0 $0x108  }
0x21: {  	s3 =	sadd.s32 s3, s9;
	s6 =	sadd.s32 @!p0 $0x88, s6;
	s7 =	simm.s32 @p2 $0x1082  }
0x22: {  	[simem:s7], [sflag:s8] =	dma.local @!p0 [hbm:s6], $0xF7A  }
0x23: {  	s9 =	sor.u32 $0xD0000000, s2;
	s6 =	simm.s32 $0x108;
	_ =	swait.ge @!p0 [sflag:s8], $0x0  }
0x24: {  	s3 =	sadd.s32 $0x88, s3;
	s6 =	simm.s32 @!p1 $0x1082;
	[sflag:s4] =	ssyncset.s32 $0xFFFFF086  }
0x25: {  	[simem:s6], [sflag:s4] =	dma.local [hbm:s3], $0xF7A  }
0x26: {  	[smem:$0x3F9B] =	sst s1;
	(tag) =	ssettag s2;
	_ =	strace s9  }
0x27: {  	s1 =	sld [smem:$0x3FAB]  }
0x28: {  	s2 =	sld [smem:$0x3FAC]  }
0x29: {  	s4 =	sld [smem:$0x3FAE]  }
0x2a: {  	p0 =	seq.s32 s5, $0x0;
	s5 =	sld [smem:$0x3FAF]  }
0x2b: {  	s6 =	sld [smem:$0x3FB0]  }
0x2c: {  	s7 =	sld [smem:$0x3FB1]  }
0x2d: {  	s3 =	simm.s32 $0x108;
	s8 =	sld [smem:$0x3FB2]  }
0x2e: {  	s3 =	simm.s32 @!p0 $0x1082;
	s9 =	sld [smem:$0x3FB3]  }
0x2f: {  	lr =	sadd.s32 s0, s3;
	s0 =	sld [smem:$0x3FAA]  }
0x30: {  	s3 =	sld [smem:$0x3FAD]  }
0x31: {  	[smem:$0x3FB6] =	sst s10  }
0x32: {  	s10 =	sld [smem:$0x3FB4];
	_ =	sdelay $0x3  }
0x33: {  	p0 =	seq.s32 s10, $0x1;
	s10 =	sld [smem:$0x3FB6];
	_ =	sdelay $0x3  }
0x34: {  	[smem:$0x3FB6] =	sst s10  }
0x35: {  	s10 =	sld [smem:$0x3FB5];
	_ =	sdelay $0x3  }
0x36: {  	p1 =	seq.s32 s10, $0x1;
	s10 =	sld [smem:$0x3FB6];
	_ =	sdelay $0x3  }
0x37: {  	[smem:$0x3FB6] =	sst s10  }
0x38: {  	s10 =	sld [smem:$0x3FB7]  }
0x39: {  	_ = 	snop;
	(pc) =	sbr.ind lr, $3  }
0x3a: {  	_ = 	snop  }
0x3b: {  	_ = 	snop  }
0x3c: {  	p2 =	seq.s32 s10, $0x1;
	s10 =	sld [smem:$0x3FB6]  }
0x3d: {  	_ =	shalt  }
0x3e: {  	_ =	shalt  }
0x3f: {  	_ =	shalt  }
0x40: {  	_ =	shalt  }
0x41: {  	_ =	shalt  }
0x42: {  	_ =	shalt  }
0x43: {  	_ =	shalt  }
0x44: {  	_ =	shalt  }
0x45: {  	_ =	shalt  }
0x46: {  	_ =	shalt  }
0x47: {  	_ =	shalt  }
0x48: {  	_ =	shalt  }
0x49: {  	_ =	shalt  }
0x4a: {  	_ =	shalt  }
0x4b: {  	_ =	shalt  }
0x4c: {  	_ =	shalt  }
0x4d: {  	_ =	shalt  }
0x4e: {  	_ =	shalt  }
0x4f: {  	_ =	shalt  }
0x50: {  	_ =	shalt  }
0x51: {  	_ =	shalt  }
0x52: {  	_ =	shalt  }
0x53: {  	_ =	shalt  }
0x54: {  	_ =	shalt  }
0x55: {  	_ =	shalt  }
0x56: {  	_ =	shalt  }
0x57: {  	_ =	shalt  }
0x58: {  	_ =	shalt  }
0x59: {  	_ =	shalt  }
0x5a: {  	_ =	shalt  }
0x5b: {  	_ =	shalt  }
0x5c: {  	_ =	shalt  }
0x5d: {  	_ =	shalt  }
0x5e: {  	_ =	shalt  }
0x5f: {  	_ =	shalt  }
0x60: {  	_ =	shalt  }
0x61: {  	_ =	shalt  }
0x62: {  	_ =	shalt  }
0x63: {  	_ =	shalt  }
0x64: {  	_ =	shalt  }
0x65: {  	_ =	shalt  }
0x66: {  	_ =	shalt  }
0x67: {  	_ =	shalt  }
0x68: {  	_ =	shalt  }
0x69: {  	_ =	shalt  }
0x6a: {  	_ =	shalt  }
0x6b: {  	_ =	shalt  }
0x6c: {  	_ =	shalt  }
0x6d: {  	_ =	shalt  }
0x6e: {  	_ =	shalt  }
0x6f: {  	_ =	shalt  }
0x70: {  	_ =	shalt  }
0x71: {  	_ =	shalt  }
0x72: {  	_ =	shalt  }
0x73: {  	_ =	shalt  }
0x74: {  	_ =	shalt  }
0x75: {  	_ =	shalt  }
0x76: {  	_ =	shalt  }
0x77: {  	_ =	shalt  }
0x78: {  	_ =	shalt  }
0x79: {  	_ =	shalt  }
0x7a: {  	_ =	shalt  }
0x7b: {  	_ =	shalt  }
0x7c: {  	_ =	shalt  }
0x7d: {  	_ =	shalt  }
0x7e: {  	_ =	shalt  }
0x7f: {  	_ =	shalt  }
0x80: {  	_ =	shalt  }
0x81: {  	_ =	shalt  }
0x82: {  	_ =	shalt  }
0x83: {  	_ =	shalt  }
0x84: {  	_ =	shalt  }
0x85: {  	_ =	shalt  }
0x86: {  	_ =	shalt  }
0x87: {  	_ =	shalt  }
.Lfunc_end0:
.L_simem_size_0:
called_computation_lowered:
.L_overlay_start_0:
0x88: {  	s2 =	sld [smem:$0x3FD9]  }
0x89: {  	s3 =	sld [smem:$0x3FFE];
	_ =	sdelay $0x1  }
0x8a: {  	s1 =	srdreg.scid  }
0x8b: {  	s0 =	sand.u32 $0x1, s1  }
0x8c: {  	s17 =	sshll.u32 s0, $0xA;
	s2 =	sadd.s32 s3, s2  }
0x8d: {  	s2 =	sadd.s32 s2, s17  }
0x8e: {  	[smem:$0x3FC2] =	sst s2  }
0x8f: {  	_ = 	snop  }
0x90: {  	s2 =	sld [smem:$0x3FD0];
	(tm) =	ssettm $0x1  }
0x91: {  	s18 =	sld [smem:$0x3FFB];
	_ =	sdelay $0x3  }
0x92: {  	_ =	strace s18  }
0x93: {  	s3 =	sld [smem:$0x3FFC];
	_ =	sdelay $0x3  }
0x94: {  	_ =	strace s3  }
0x95: {  	s3 =	sld [smem:$0x3FFD];
	_ =	sdelay $0x3  }
0x96: {  	_ =	strace s3  }
0x97: {  	_ =	strace $0x8FFFFFFF  }
0x98: {  	s19 =	sld [smem:$0x3FDB];
	_ =	sdelay $0x1  }
0x99: {  	s4 =	simm.s32 $_scs_section_size  }
0x9a: {  	s5 =	simm.s32 $_size__tile_overlayer_lowered;
	s6 =	simm.s32 $_tile_overlayer_lowered  }
0x9b: {  	s22 =	simm.s32 $0x1BFF;
	s21 =	sshll.u32 s6, $0x1;
	s3 =	sadd.s32 s4, s19  }
0x9c: {  	s7 =	simm.s32 $0x0;
	s20 =	sshll.u32 s5, $0x1;
	s5 =	sadd.s32 s21, s3  }
0x9d: {  	[timem:s7], [sflag:s22] =	dma.local [hbm:s5], s20  }
0x9e: {  	_ =	swait.ge [sflag:s22], s20  }
0x9f: {  	s4 =	ssub.s32 $0x0, s20;
	[sflag:s22] =	ssyncset.done $0x0  }
0xa0: {  	[sflag:s22] =	ssyncadd.s32 s4;
	_ =	sdelay $0x1  }
0xa1: {  	s23 =	simm.s32 $0x1B8B  }
0xa2: {  	_ =	swait.ge [sflag:s23], $0x1  }
0xa3: {  	[sflag:s23] =	ssyncset.done $0x0  }
0xa4: {  	s25 =	simm.s32 $0x1B8E;
	s24 =	sld [smem:$0x3FFE];
	[sflag:s23] =	ssyncadd.s32 $0xFFFFFFFF  }
0xa5: {  	s26 =	simm.s32 $execute0_lowered;
	[smem:$0x3FD2] =	sst s25  }
0xa6: {  	s5 =	sshll.u32 s26, $0x1;
	_ =	strace $0x80000046;
	[dreg:$0x1] =	wrdreg $0xFFFFFFFF  }
0xa7: {  	s28 =	simm.s32 $_size_execute0_lowered;
	s3 =	sadd.s32 s3, s5;
	[dreg:$0x0] =	wrdreg $0x0  }
0xa8: {  	s5 =	sshll.u32 s28, $0x1;
	[dreg:$0x2] =	wrdreg s3  }
0xa9: {  	[dreg:$0x3] =	wrdreg s5  }
0xaa: {  	[dreg:$0x4] =	wrdreg $0xC0  }
0xab: {  	_ =	task [dreg:s7], $0x5FFFF  }
0xac: {  	[dreg:$0x1] =	wrdreg $0xFFFFFFFF  }
0xad: {  	[dreg:$0x0] =	wrdreg $0x60  }
0xae: {  	[dreg:$0x2] =	wrdreg s24  }
0xaf: {  	[dreg:$0x3] =	wrdreg s2  }
0xb0: {  	[dreg:$0x4] =	wrdreg $0x2B000  }
0xb1: {  	[dreg:$0x5] =	wrdreg $0x9  }
0xb2: {  	_ =	task.clear_ibuf [dreg:s7], $0x6FFFF;
	_ =	strace $0x90000046  }
0xb3: {  	s29 =	simm.s32 $0x9;
	_ =	strace $0x80000048  }
0xb4: {  	_ =	swait.ge [sflag:s29], $0x1  }
0xb5: {  	[sflag:s29] =	ssyncadd.s32 $0xFFFFFFFF  }
0xb6: {  	_ =	strace $0x90000048  }
0xb7: {  	_ =	sfence  }
0xb8: {  	s30 =	sld [smem:$0x0];
	_ =	sdelay $0x2  }
0xb9: {  	s31 =	sshll.u32 s1, $0xD;
	s1 =	sshrl.u32 s1, $0x2  }
0xba: {  	s3 =	sand.u32 $0x4000, s31;
	s1 =	sadd.s32 s1, s30  }
0xbb: {  	s0 =	sor.u32 s3, s0;
	s1 =	sshll.u32 s1, $0x11  }
0xbc: {  	s0 =	sor.u32 s1, s0  }
0xbd: {  	s0 =	sadd.s32 $0x8F2B, s0  }
0xbe: {  	[sflag:s0] =	ssyncadd.remote.s32 $0x1  }
0xbf: {  	_ =	sfence.sel $0xFFFF  }
0xc0: {  	[dreg:$0x0] =	wrdreg $0xFFFFFFFF;
	(pc) =	sbr.abs _section_cstart, $3  }
0xc1: {  	[dreg:$0x1] =	wrdreg $0xFFFFFFFF  }
0xc2: {  	_ =	task.clear_ibuf [dreg:s7], $0x2FFFF;
	_ =	strace $0x9FFFFFFF  }
0xc3: {  	(tm) =	ssettm $0x7FFFFFFF  }
tec
execute0_lowered:
.L_overlay_start_1:
0x0: {  	(tag) =	ssettag $0x1  }
0x1: {  	s6 =	rddreg [dreg:$0x0]  }
0x2: {  	s9 =	rddreg [dreg:$0x1]  }
0x3: {  	s0 =	srdreg.scid;
	s2 =	rddreg [dreg:$0x2]  }
0x4: {  	s1 =	stileid.u32;
	s3 =	simm.s32 $0x0;
	s14 =	simm.s32 $0x1  }
0x5: {  	s15 =	simm.s32 $0x0;
	s7 =	sand.u32 $0x1, s0;
	s0 =	rddreg [dreg:$0x3]  }
0x6: {  	[smem:$0x7FF] =	sst s3;
	s5 =	sadd.s32 $0x17600, s6;
	s12 =	smul.u32 $0x280, s1  }
0x7: {  	s13 =	sadd.s32 $0x17A00, s6;
	s4 =	sshll.u32 s7, $0x4;
	_ =	strace $0x80000047  }
0x8: {  	s10 =	ssub.s32 $0x2, s7;
	p0 =	seq.s32 s7, $0x1;
	s4 =	sor.u32 s1, s4  }
0x9: {  	s11 =	sshrl.u32 s10, $0x1;
	s31 =	sshrl.u32 s12, $0x3;
	s9 =	smov.u32 @p0 s13  }
0xa: {  	s7 =	sadd.s32 s12, s2;
	s12 =	simm.s32 $0x2880;
	s4 =	smul.u32 $0x500, s4  }
0xb: {  	s13 =	simm.s32 $0x80;
	s10 =	ssub.s32 s10, s11;
	s9 =	sadd.s32 s9, s31  }
0xc: {  	s11 =	simm.s32 $0x2800;
	s8 =	sadd.s32 s4, s6;
	s4 =	sadd.s32 $0x17800, s6  }
0xd: {  	s6 =	sadd.s32 $0x3600, s8;
	s8 =	smax.u32 s10, $0x1;
	s10 =	simm.s32 $0x2  }
.LBB2_1:
0xe: {  	[tilespmem:s3], [sflag:$0x2] =	stream.linear.gather [hbm4b:s6+s3], $0x2800, $0x38;
	[tilespmem:$0x2D80] =	vst v63  }
0xf: {  	_ =	swait.ge [sflag:s10], $0x2800  }
0x10: {  	[sflag:s10] =	ssyncset.done $0x0  }
0x11: {  	[sflag:s10] =	ssyncadd.s32 $0xFFFFD800  }
0x12: {  	[tilespmem:s11], [sflag:$0x2] =	stream.linear.gather [hbm4b:s4+s3], $0x80, $0x38;
	[tilespmem:$0x2D80] =	vst v63  }
0x13: {  	_ =	swait.ge [sflag:s10], $0x80  }
0x14: {  	[sflag:s10] =	ssyncset.done $0x0  }
0x15: {  	[sflag:s10] =	ssyncadd.s32 $0xFFFFFF80  }
0x16: {  	[tilespmem:s12], [sflag:$0x2] =	stream.linear.gather [hbm4b:s5+s3], $0x280, $0x38;
	[tilespmem:$0x2D80] =	vst v63  }
0x17: {  	_ =	swait.ge [sflag:s10], $0x280  }
0x18: {  	[sflag:s10] =	ssyncset.done $0x0  }
0x19: {  	[sflag:s10] =	ssyncadd.s32 $0xFFFFFD80  }
0x1a: {  	[spmem:s7] =	stream.linear.scatter [tilespmem:s12], [sflag:$0x2], $0x280, $0x38;
	[tilespmem:$0x2D80] =	vst v63  }
0x1b: {  	_ =	swait.ge [sflag:s10], $0x280  }
0x1c: {  	[sflag:s10] =	ssyncset.done $0x0  }
0x1d: {  	p0 =	por $0x1, $0x1;
	[sflag:s10] =	ssyncadd.s32 $0xFFFFFD80  }
0x1e: {  	s18 =	simm.s32 @!p0 $0x1;
	[bflag:$0x0] =	sbarrier.arrive $0xFFFF  }
0x1f: {  	[spmem:s2] =	stream.indirect.scatter.add.f32 [tilespmem:s11], [sflag:$0x1], $0x1, s3, s13, $0xb8;
	[tilespmem:$0x2D80] =	vst v63  }
0x20: {  	_ =	swait.ge @!p0 [sflag:s18], $0x80  }
0x21: {  	s16 =	simm.s32 $0x1;
	s17 =	simm.s32 $0x0;
	[sflag:s18] =	ssyncset.done @!p0 $0x0  }
.LBB2_2:
0x22: {  	[sflag:s18] =	ssyncadd.s32 @!p0 $0xFFFFFF80  }
0x23: {  	s17 =	sadd.s32 $0x80, s17;
	s18 =	smov.u32 s16;
	s16 =	sadd.s32 $0x1, s16  }
0x24: {  	p1 =	sne.s32 s16, $0x50  }
0x25: {  	[spmem:s2] =	stream.indirect.scatter.add.f32 [tilespmem:s11], [sflag:$0x1], $0x1, s17, s13, $0xb8;
	[tilespmem:$0x2D80] =	vst v63  }
.Ltmp0:
0x26: {  	_ = 	snop;
	(pc) =	sbr.rel @p1 .LBB2_2-.Ltmp0, $4  }
0x27: {  	p0 =	slt.u32 s18, $0x8  }
0x28: {  	s18 =	simm.s32 @!p0 $0x1  }
0x29: {  	_ =	swait.ge @!p0 [sflag:s18], $0x80  }
0x2a: {  	[sflag:s18] =	ssyncset.done @!p0 $0x0  }
0x2b: {  	[sflag:s18] =	ssyncadd.s32 @!p0 $0xFFFFFF80  }
0x2c: {  	_ =	swait.ge [sflag:s14], $0x80  }
0x2d: {  	[sflag:s14] =	ssyncset.done $0x0  }
0x2e: {  	[sflag:s14] =	ssyncadd.s32 $0xFFFFFF80  }
0x2f: {  	_ =	swait.ge [sflag:s14], $0x80  }
0x30: {  	[sflag:s14] =	ssyncset.done $0x0  }
0x31: {  	[sflag:s14] =	ssyncadd.s32 $0xFFFFFF80  }
0x32: {  	_ =	swait.ge [sflag:s14], $0x80  }
0x33: {  	[sflag:s14] =	ssyncset.done $0x0  }
0x34: {  	[sflag:s14] =	ssyncadd.s32 $0xFFFFFF80  }
0x35: {  	_ =	swait.ge [sflag:s14], $0x80  }
0x36: {  	[sflag:s14] =	ssyncset.done $0x0  }
0x37: {  	[sflag:s14] =	ssyncadd.s32 $0xFFFFFF80  }
0x38: {  	_ =	swait.ge [sflag:s14], $0x80  }
0x39: {  	[sflag:s14] =	ssyncset.done $0x0  }
0x3a: {  	[sflag:s14] =	ssyncadd.s32 $0xFFFFFF80  }
0x3b: {  	_ =	swait.ge [sflag:s14], $0x80  }
0x3c: {  	[sflag:s14] =	ssyncset.done $0x0  }
0x3d: {  	[sflag:s14] =	ssyncadd.s32 $0xFFFFFF80  }
0x3e: {  	_ =	swait.ge [sflag:s14], $0x80  }
0x3f: {  	[sflag:s14] =	ssyncset.done $0x0  }
0x40: {  	[sflag:s14] =	ssyncadd.s32 $0xFFFFFF80  }
0x41: {  	_ =	swait.ge [sflag:s14], $0x80  }
0x42: {  	[sflag:s14] =	ssyncset.done $0x0  }
0x43: {  	[sflag:s14] =	ssyncadd.s32 $0xFFFFFF80  }
0x44: {  	[bflag:$0x0] =	sbarrier.arrive $0xFFFF  }
0x45: {  	[tilespmem:s12], [sflag:$0x2] =	stream.linear.gather [spmem:s7], $0x280, $0x38;
	[tilespmem:$0x2D80] =	vst v63  }
0x46: {  	s15 =	sadd.s32 $0x1, s15;
	_ =	swait.ge [sflag:s10], $0x280  }
0x47: {  	p0 =	sne.s32 s15, s8;
	[sflag:s10] =	ssyncset.done $0x0  }
.Ltmp1:
0x48: {  	[sflag:s10] =	ssyncadd.s32 $0xFFFFFD80;
	(pc) =	sbr.rel @p0 .LBB2_1-.Ltmp1, $4  }
0x49: {  	[hbm4b:s9+s3] =	stream.linear.scatter [tilespmem:s12], [sflag:$0x2], $0x280, $0x38;
	[tilespmem:$0x2D80] =	vst v63  }
0x4a: {  	_ =	swait.ge [sflag:s10], $0x280  }
0x4b: {  	[sflag:s10] =	ssyncset.done $0x0  }
0x4c: {  	[sflag:s10] =	ssyncadd.s32 $0xFFFFFD80  }
0x4d: {  	_ =	sfence.sel $0x180000  }
0x4e: {  	[bflag:$0x0] =	sbarrier.arrive $0xFFFF  }
0x4f: {  	p0 =	sne.s32 s1, $0x0;
	_ =	strace $0x90000047  }
0x50: {  	s0 =	sadd.s32 @!p0 $0x100000, s0;
	[bflag:$0x2] =	sbarrier.arrive $0xFFFF  }
0x51: {  	[sflag:s0] =	ssyncadd.tile.s32 @!p0 $0x1;
	_ =	shalt  }
.Lfunc_end2:
_tile_overlayer_lowered:
.L_overlay_start_2:
0x52: {  	(tag) =	ssettag $0x2  }
0x53: {  	s0 =	rddreg [dreg:$0x0];
	s2 =	stileid.u32  }
0x54: {  	s1 =	rddreg [dreg:$0x1];
	p0 =	sne.s32 s2, $0x0  }
0x55: {  	s3 =	rddreg [dreg:$0x2];
	[bflag:$0x3] =	sbarrier.arrive $0xFFFF;
	s2 =	simm.s32 @!p0 $0x1C02  }
0x56: {  	[timem:s3], [sflag:s2] =	dma.local @!p0 [hbm:s0], s1  }
0x57: {  	s0 =	simm.s32 @!p0 $0x2  }
0x58: {  	_ =	swait.ge @!p0 [sflag:s0], s1  }
0x59: {  	s1 =	ssub.s32 @!p0 $0x0, s1;
	[sflag:s0] =	ssyncset.done @!p0 $0x0  }
0x5a: {  	[sflag:s0] =	ssyncadd.s32 @!p0 s1  }
0x5b: {  	[bflag:$0x3] =	sbarrier.arrive $0xFFFF  }
0x5c: {  	_ =	shalt  }

</sc_bundles>
